<compile_context>
chip_gen: v7x
topology: tpu7x:2x2x1
jax: 0.10.2.dev20260603
libtpu: 0.0.44.dev20260713+nightly
codegen_flags: <defaults>
</compile_context>

<pallas_src>
import functools

import jax
import jax.numpy as jnp
from jax import lax
from jax.experimental import pallas as pl
from jax.experimental.pallas import tpu as pltpu
from jax.experimental.pallas import tpu_sc as plsc

E = 8
D = 768
H = 2 * D
S = 2048
BLK = 256
P = 6144
NB = P // BLK
BR = 512
NW = 32
TPW = S // NW
LN = 16
DG = D // LN



def _route_kernel(x_ref, Wg_ref, route_ref, counts_ref, acc):
    c = pl.program_id(0)
    xb = x_ref[...]
    logits = lax.dot_general(xb, Wg_ref[...], (((1,), (1,)), ((), ())),
                             preferred_element_type=jnp.float32)
    col = lax.broadcasted_iota(jnp.int32, logits.shape, 1)
    m1 = jnp.max(logits, axis=1, keepdims=True)
    a1 = jnp.min(jnp.where(logits == m1, col, E), axis=1, keepdims=True)
    l2 = jnp.where(col == a1, -jnp.inf, logits)
    m2 = jnp.max(l2, axis=1, keepdims=True)
    a2 = jnp.min(jnp.where(l2 == m2, col, E), axis=1, keepdims=True)
    w1 = 1.0 / (1.0 + jnp.exp(m2 - m1))
    w2 = 1.0 / (1.0 + jnp.exp(m1 - m2))

    M0 = (col == a1).astype(jnp.float32)
    M1 = (col == a2).astype(jnp.float32)
    tri = (lax.broadcasted_iota(jnp.int32, (BR, BR), 0)
           > lax.broadcasted_iota(jnp.int32, (BR, BR), 1)).astype(jnp.bfloat16)
    R0 = lax.dot_general(tri, M0.astype(jnp.bfloat16),
                         (((1,), (0,)), ((), ())),
                         preferred_element_type=jnp.float32)
    R1 = lax.dot_general(tri, M1.astype(jnp.bfloat16),
                         (((1,), (0,)), ((), ())),
                         preferred_element_type=jnp.float32)

    @pl.when(c == 0)
    def _():
        acc[...] = jnp.zeros_like(acc)

    accv = acc[...]
    cs0 = jnp.sum(M0, axis=0, keepdims=True)
    cs1 = jnp.sum(M1, axis=0, keepdims=True)
    r0 = jnp.sum((R0 + accv) * M0, axis=1, keepdims=True)
    r1 = jnp.sum((R1 + accv + cs0) * M1, axis=1, keepdims=True)
    newacc = accv + cs0 + cs1
    acc[...] = newacc

    route_ref[...] = jnp.concatenate(
        [a1.astype(jnp.float32), a2.astype(jnp.float32), r0, r1, w1, w2,
         jnp.zeros((BR, 2), jnp.float32)], axis=1)
    counts_ref[...] = jnp.concatenate(
        [newacc, jnp.zeros((1, 120), jnp.float32)], axis=1
    ).astype(jnp.int32).reshape(128)


def _route(x2, Wg):
    return pl.pallas_call(
        _route_kernel,
        grid=(S // BR,),
        in_specs=[
            pl.BlockSpec((BR, D), lambda c: (c, 0)),
            pl.BlockSpec((E, D), lambda c: (0, 0)),
        ],
        out_specs=[
            pl.BlockSpec((BR, 8), lambda c: (c, 0)),
            pl.BlockSpec((128,), lambda c: (0,)),
        ],
        out_shape=[
            jax.ShapeDtypeStruct((S, 8), jnp.float32),
            jax.ShapeDtypeStruct((128,), jnp.int32),
        ],
        scratch_shapes=[pltpu.VMEM((1, E), jnp.float32)],
    )(x2, Wg)



def _dyn_take(vec, idx):
    dn = lax.GatherDimensionNumbers(offset_dims=(), collapsed_slice_dims=(0,),
                                    start_index_map=(0,))
    return lax.gather(vec, idx.reshape(16, 1), dn, (1,),
                      mode=lax.GatherScatterMode.PROMISE_IN_BOUNDS)


def _excl_cumsum8(v):
    lane = lax.iota(jnp.int32, 16)
    out = jnp.zeros((16,), v.dtype)
    for k in range(1, 9):
        shifted = _dyn_take(v, jnp.maximum(lane - k, 0))
        out = out + jnp.where(lane >= k, shifted, jnp.zeros((16,), v.dtype))
    return out


@functools.cache
def _make_dispatch():
    mesh = plsc.VectorSubcoreMesh(core_axis_name="c", subcore_axis_name="s")

    @functools.partial(
        pl.kernel, mesh=mesh,
        compiler_params=pltpu.CompilerParams(needs_layout_passes=False),
        out_type=[
            jax.ShapeDtypeStruct((P, D), jnp.float32),
            jax.ShapeDtypeStruct((S,), jnp.int32),
            jax.ShapeDtypeStruct((S,), jnp.int32),
            jax.ShapeDtypeStruct((5, 32), jnp.int32),
            jax.ShapeDtypeStruct((P, 128), jnp.float32),
        ],
        scratch_types=[
            pltpu.VMEM((16,), jnp.int32),
            pltpu.VMEM((16,), jnp.int32),
            pltpu.VMEM((TPW, 8), jnp.float32),
            pltpu.VMEM((TPW,), jnp.int32),
            pltpu.VMEM((TPW,), jnp.int32),
            pltpu.VMEM((TPW, D), jnp.float32),
            pltpu.VMEM((5, 32), jnp.int32),
            pltpu.VMEM((TPW, 128), jnp.float32),
            pltpu.SemaphoreType.DMA,
        ],
    )
    def _dispatch(route_hbm, counts_hbm, x_hbm,
                  xg_hbm, pos0_hbm, pos1_hbm, aux_hbm, wpos_hbm,
                  cnt_v, base_v, route_v, p0_v, p1_v, rows_v, aux_v, wrows_v,
                  sem):
        wid = lax.axis_index("s") * 2 + lax.axis_index("c")
        tb = wid * TPW

        pltpu.sync_copy(counts_hbm.at[pl.ds(0, 16)], cnt_v)
        cnt = cnt_v[...]
        al = ((cnt + (BLK - 1)) >> 8) << 8
        base_v[...] = _excl_cumsum8(al)

        base_blk = base_v[...] >> 8

        @pl.when(wid == 0)
        def _():
            one = jnp.int32(1)
            zero32 = jnp.int32(0)
            lane16 = lax.iota(jnp.int32, 16)
            used = jnp.broadcast_to(base_blk[8], (16,))
            bcnts = []
            for g in range(2):
                bv = lane16 + (g * 16)
                sl = pl.ds(g * 16, 16)
                bcnt = jnp.full((16,), -1, jnp.int32)
                for e in range(E):
                    start_blk = jnp.broadcast_to(base_blk[e], (16,))
                    bcnt = bcnt + jnp.where(bv >= start_blk, one, zero32)
                bcnts.append(bcnt)
                aux_v[0, sl] = bcnt
                pf = jnp.full((16,), E, jnp.int32)
                cnt_lt = jnp.zeros((16,), jnp.int32)
                for e in range(E):
                    nonempty = jnp.broadcast_to(al[e], (16,)) > 0
                    pf = jnp.minimum(
                        pf, jnp.where(nonempty & (bcnt < e),
                                      jnp.full((16,), e, jnp.int32),
                                      jnp.full((16,), E, jnp.int32)))
                    cnt_lt = cnt_lt + jnp.where(nonempty & (bcnt > e), one,
                                                zero32)
                aux_v[2, sl] = pf
                aux_v[3, sl] = jnp.minimum(bv, used - 1)
                aux_v[4, sl] = jnp.bitwise_and(cnt_lt, 1)
            prev0 = _dyn_take(bcnts[0], jnp.maximum(lane16 - 1, 0))
            f0 = jnp.where((lane16 == 0) | (bcnts[0] != prev0), one, zero32)
            last0 = _dyn_take(bcnts[0], jnp.full((16,), 15, jnp.int32))
            prev1 = _dyn_take(bcnts[1], jnp.maximum(lane16 - 1, 0))
            prev1 = jnp.where(lane16 == 0, last0, prev1)
            f1 = jnp.where(bcnts[1] != prev1, one, zero32)
            aux_v[1, pl.ds(0, 16)] = f0
            aux_v[1, pl.ds(16, 16)] = f1
            pltpu.sync_copy(aux_v, aux_hbm)

        pltpu.sync_copy(route_hbm.at[pl.ds(tb, TPW)], route_v)
        lane = lax.iota(jnp.int32, 16)
        zero = jnp.zeros((16,), jnp.int32)
        for g in range(TPW // 16):
            rows = lane + (g * 16)
            e0 = plsc.load_gather(route_v, [rows, zero]).astype(jnp.int32)
            e1 = plsc.load_gather(route_v, [rows, zero + 1]).astype(jnp.int32)
            r0 = plsc.load_gather(route_v, [rows, zero + 2]).astype(jnp.int32)
            r1 = plsc.load_gather(route_v, [rows, zero + 3]).astype(jnp.int32)
            p0_v[pl.ds(g * 16, 16)] = r0 + plsc.load_gather(base_v, [e0])
            p1_v[pl.ds(g * 16, 16)] = r1 + plsc.load_gather(base_v, [e1])

        pltpu.sync_copy(p0_v, pos0_hbm.at[pl.ds(tb, TPW)])
        pltpu.sync_copy(p1_v, pos1_hbm.at[pl.ds(tb, TPW)])

        pltpu.sync_copy(x_hbm.at[pl.ds(tb, TPW)], rows_v)
        pltpu.async_copy(rows_v, xg_hbm.at[p0_v], sem).wait()
        pltpu.async_copy(rows_v, xg_hbm.at[p1_v], sem).wait()

        for slot, pv in ((4, p0_v), (5, p1_v)):
            for g in range(TPW // 16):
                rows = lane + (g * 16)
                wg = plsc.load_gather(route_v, [rows, zero + slot])

                def wbody(i, carry, g=g, wg=wg):
                    wrows_v[g * 16 + i, pl.ds(0, 16)] = _dyn_take(
                        wg, jnp.full((16,), i, jnp.int32))
                    return carry

                lax.fori_loop(0, 16, wbody, 0)
            pltpu.async_copy(wrows_v, wpos_hbm.at[pv], sem).wait()

    return _dispatch



def _expert_mm_kernel(aux_ref, xg_ref, wp_ref, W1_hbm, W2_hbm, W3_hbm,
                      yg_ref, w1b, w2b, w3b, sems):
    b = pl.program_id(0)
    e = aux_ref[0, b]
    first = aux_ref[1, b]
    pf = aux_ref[2, b]
    active = aux_ref[3, b] == b
    slot = aux_ref[4, b]

    def mk(tens_hbm, buf, dslot, expert):
        return pltpu.make_async_copy(tens_hbm.at[expert], buf.at[dslot],
                                     sems.at[dslot])

    @pl.when(b == 0)
    def _():
        mk(W1_hbm, w1b, slot, e).start()
        mk(W2_hbm, w2b, slot, e).start()
        mk(W3_hbm, w3b, slot, e).start()

    @pl.when(first == 1)
    def _():
        @pl.when(pf < E)
        def _():
            mk(W1_hbm, w1b, 1 - slot, pf).start()
            mk(W2_hbm, w2b, 1 - slot, pf).start()
            mk(W3_hbm, w3b, 1 - slot, pf).start()

        mk(W1_hbm, w1b, slot, e).wait()
        mk(W2_hbm, w2b, slot, e).wait()
        mk(W3_hbm, w3b, slot, e).wait()

    @pl.when(active)
    def _():
        xb = xg_ref[...]
        a = lax.dot_general(xb, w1b[slot], (((1,), (1,)), ((), ())),
                            preferred_element_type=jnp.float32)
        xv = lax.dot_general(xb, w2b[slot], (((1,), (1,)), ((), ())),
                             preferred_element_type=jnp.float32)
        res = a * (1.0 / (1.0 + jnp.exp(-a))) * xv
        res = res * wp_ref[...][:, :1]
        yg_ref[...] = lax.dot_general(res, w3b[slot], (((1,), (1,)), ((), ())),
                                      preferred_element_type=jnp.float32)


def _expert_mm(aux, xg, wpos, W1, W2, W3):
    grid_spec = pltpu.PrefetchScalarGridSpec(
        num_scalar_prefetch=1,
        grid=(NB,),
        in_specs=[
            pl.BlockSpec((BLK, D), lambda b, aux: (aux[3, b], 0)),
            pl.BlockSpec((BLK, 128), lambda b, aux: (aux[3, b], 0)),
            pl.BlockSpec(memory_space=pl.ANY),
            pl.BlockSpec(memory_space=pl.ANY),
            pl.BlockSpec(memory_space=pl.ANY),
        ],
        out_specs=pl.BlockSpec((BLK, D), lambda b, aux: (aux[3, b], 0)),
        scratch_shapes=[
            pltpu.VMEM((2, H, D), jnp.float32),
            pltpu.VMEM((2, H, D), jnp.float32),
            pltpu.VMEM((2, D, H), jnp.float32),
            pltpu.SemaphoreType.DMA((2,)),
        ],
    )
    return pl.pallas_call(
        _expert_mm_kernel,
        grid_spec=grid_spec,
        out_shape=jax.ShapeDtypeStruct((P, D), jnp.float32),
    )(aux, xg, wpos, W1, W2, W3)



@functools.cache
def _make_combine():
    mesh = plsc.VectorSubcoreMesh(core_axis_name="c", subcore_axis_name="s")

    @functools.partial(
        pl.kernel, mesh=mesh,
        compiler_params=pltpu.CompilerParams(needs_layout_passes=False),
        out_type=jax.ShapeDtypeStruct((S, D), jnp.float32),
        scratch_types=[
            pltpu.VMEM((TPW,), jnp.int32),
            pltpu.VMEM((TPW,), jnp.int32),
            pltpu.VMEM((TPW, D), jnp.float32),
            pltpu.VMEM((TPW, D), jnp.float32),
            pltpu.SemaphoreType.DMA,
        ],
    )
    def _combine(yg_hbm, pos0_hbm, pos1_hbm, out_hbm,
                 p0_v, p1_v, rows0_v, rows1_v, sem):
        wid = lax.axis_index("s") * 2 + lax.axis_index("c")
        tb = wid * TPW
        pltpu.sync_copy(pos0_hbm.at[pl.ds(tb, TPW)], p0_v)
        pltpu.sync_copy(pos1_hbm.at[pl.ds(tb, TPW)], p1_v)
        cp0 = pltpu.async_copy(yg_hbm.at[p0_v], rows0_v, sem)
        cp1 = pltpu.async_copy(yg_hbm.at[p1_v], rows1_v, sem)
        cp0.wait()
        cp1.wait()

        def body(t, carry):
            for j in range(DG):
                sl = pl.ds(j * LN, LN)
                rows0_v[t, sl] = rows0_v[t, sl] + rows1_v[t, sl]
            return carry

        lax.fori_loop(0, TPW, body, 0)
        pltpu.sync_copy(rows0_v, out_hbm.at[pl.ds(tb, TPW)])

    return _combine



def kernel(x, Wg, W1, W2, W3):
    x2 = x.reshape(S, D)
    route, counts = _route(x2, Wg)
    xg, pos0, pos1, aux, wpos = _make_dispatch()(route, counts, x2)
    yg = _expert_mm(aux, xg, wpos, W1, W2, W3)
    out = _make_combine()(yg, pos0, pos1)
    return out.reshape(1, S, D)

# --- scband reference (transcript-rebuilt; emitter-appended) ---
"""Pipeline reference for scband-moe-layer-41583873360109 (READ-ONLY COPY).

The authoritative reference and input builder live on the scoring server;
editing this copy changes nothing except your own understanding.
"""

import jax, jax.numpy as jnp
import numpy as np

E = 8
TOP_K = 2
D = 768
H = 2 * D

def _swiglu_expert(x, W1, W2, W3):
    # torch Linear(bias=False): y = x @ W.T ; W has shape [out, in]
    a = x @ W1.T
    swish_res = a * jax.nn.sigmoid(a)
    x_V = x @ W2.T
    res = swish_res * x_V
    return res @ W3.T

def setup_inputs(seed: int = 0) -> dict:
    key = jax.random.key(seed)
    k_x, k_g, k_1, k_2, k_3 = jax.random.split(key, 5)
    x = jax.random.normal(k_x, (1, 2048, D), dtype=jnp.float32)
    Wg = jax.random.normal(k_g, (E, D), dtype=jnp.float32) * 0.02
    W1 = jax.random.normal(k_1, (E, H, D), dtype=jnp.float32) * 0.02
    W2 = jax.random.normal(k_2, (E, H, D), dtype=jnp.float32) * 0.02
    W3 = jax.random.normal(k_3, (E, D, H), dtype=jnp.float32) * 0.02
    return {"x": x, "Wg": Wg, "W1": W1, "W2": W2, "W3": W3}

def reference(x, Wg, W1, W2, W3):
    # gate: noisy_topk=False branch
    gate_out = x @ Wg.T                       # [B, S, E]
    top_k_values, top_k_indices = jax.lax.top_k(gate_out, TOP_K)
    probs = jax.nn.softmax(top_k_values, axis=-1)   # [B, S, top_k]
    out = jnp.zeros_like(x)
    for expert_idx in range(E):
        expert_mask = (top_k_indices == expert_idx)                 # [B, S, top_k]
        expert_weights = jnp.sum(probs * expert_mask, axis=-1)      # [B, S]
        # Dense equivalent of masked gather/scatter: tokens with weight 0 contribute 0,
        # identical math to the torch selected-token path.
        expert_out = _swiglu_expert(x, W1[expert_idx], W2[expert_idx], W3[expert_idx])
        out = out + expert_out * expert_weights[..., None]
    return out

if __name__ == "__main__":
    import jax
    _d = setup_inputs()
    print(jax.jit(kernel)(*tuple(_d.values())))

</pallas_src>

<mosaic_0001>
#map = affine_map<(d0, d1) -> (0, 0)>
#map1 = affine_map<(d0, d1) -> (0)>
module attributes {stable_mosaic.version = 14 : i64} {
  func.func @_combine(%arg0: i32, %arg1: i32, %arg2: memref<6144x768xf32, #tpu.memory_space<hbm>>, %arg3: memref<2048xi32, #tpu.memory_space<hbm>>, %arg4: memref<2048xi32, #tpu.memory_space<hbm>>, %arg5: memref<2048x768xf32, #tpu.memory_space<hbm>>, %arg6: memref<64xi32, #tpu.memory_space<vmem>>, %arg7: memref<64xi32, #tpu.memory_space<vmem>>, %arg8: memref<64x768xf32, #tpu.memory_space<vmem>>, %arg9: memref<64x768xf32, #tpu.memory_space<vmem>>, %arg10: memref<!tpu.dma_semaphore, #tpu.memory_space<semaphore_mem>>) attributes {dimension_semantics = [#tpu.dimension_semantics<core_parallel>, #tpu.dimension_semantics<subcore_parallel>], iteration_bounds = array<i64: 2, 16>, scalar_prefetch = 0 : i64, scratch_operands = 5 : i64, tpu.core_type = #tpu.core_type<sc_vector_subcore>, window_params = [{transform_indices = #map}, {transform_indices = #map1}, {transform_indices = #map1}, {transform_indices = #map}]} {
    %mul3A = arith.constant 2 : i32
    %mul3A_0 = arith.muli %arg1, %mul3A : i32
    %add3A = arith.addi %mul3A_0, %arg0 : i32
    %mul3A_1 = arith.constant 64 : i32
    %mul3A_2 = arith.muli %add3A, %mul3A_1 : i32
    "tpu.region"() ({
      %run_scoped3A = tpu.sem_alloc : memref<!tpu.dma_semaphore, #tpu.memory_space<semaphore_mem>>
      %dma_start3A_18 = tpu.memref_slice %arg3[%mul3A_2] : memref<2048xi32, #tpu.memory_space<hbm>> -> memref<64xi32, #tpu.memory_space<hbm>>
      %dma_start3A_19 = tpu.memref_slice %arg3[%mul3A_2] : memref<2048xi32, #tpu.memory_space<hbm>> -> memref<64xi32, #tpu.memory_space<hbm>>
      tpu.enqueue_dma source(%dma_start3A_19 : memref<64xi32, #tpu.memory_space<hbm>>) target(%arg6 : memref<64xi32, #tpu.memory_space<vmem>>) target_semaphore(%run_scoped3A : memref<!tpu.dma_semaphore, #tpu.memory_space<semaphore_mem>>)
      %dma_wait3A_20 = tpu.memref_slice %arg3[%mul3A_2] : memref<2048xi32, #tpu.memory_space<hbm>> -> memref<64xi32, #tpu.memory_space<hbm>>
      %dma_wait3A_21 = tpu.memref_slice %arg3[%mul3A_2] : memref<2048xi32, #tpu.memory_space<hbm>> -> memref<64xi32, #tpu.memory_space<hbm>>
      tpu.wait_dma2 semaphore(%run_scoped3A : memref<!tpu.dma_semaphore, #tpu.memory_space<semaphore_mem>>) src(%dma_wait3A_21 : memref<64xi32, #tpu.memory_space<hbm>>) dst(%arg6 : memref<64xi32, #tpu.memory_space<vmem>>)
      tpu.yield
    }) : () -> ()
    "tpu.region"() ({
      %run_scoped3A = tpu.sem_alloc : memref<!tpu.dma_semaphore, #tpu.memory_space<semaphore_mem>>
      %dma_start3A_18 = tpu.memref_slice %arg4[%mul3A_2] : memref<2048xi32, #tpu.memory_space<hbm>> -> memref<64xi32, #tpu.memory_space<hbm>>
      %dma_start3A_19 = tpu.memref_slice %arg4[%mul3A_2] : memref<2048xi32, #tpu.memory_space<hbm>> -> memref<64xi32, #tpu.memory_space<hbm>>
      tpu.enqueue_dma source(%dma_start3A_19 : memref<64xi32, #tpu.memory_space<hbm>>) target(%arg7 : memref<64xi32, #tpu.memory_space<vmem>>) target_semaphore(%run_scoped3A : memref<!tpu.dma_semaphore, #tpu.memory_space<semaphore_mem>>)
      %dma_wait3A_20 = tpu.memref_slice %arg4[%mul3A_2] : memref<2048xi32, #tpu.memory_space<hbm>> -> memref<64xi32, #tpu.memory_space<hbm>>
      %dma_wait3A_21 = tpu.memref_slice %arg4[%mul3A_2] : memref<2048xi32, #tpu.memory_space<hbm>> -> memref<64xi32, #tpu.memory_space<hbm>>
      tpu.wait_dma2 semaphore(%run_scoped3A : memref<!tpu.dma_semaphore, #tpu.memory_space<semaphore_mem>>) src(%dma_wait3A_21 : memref<64xi32, #tpu.memory_space<hbm>>) dst(%arg7 : memref<64xi32, #tpu.memory_space<vmem>>)
      tpu.yield
    }) : () -> ()
    %dma_start3A = arith.constant 0 : i32
    %dma_start3A_3 = arith.constant 0 : i32
    %dma_start3A_4 = tpu.memref_slice %arg2[%dma_start3A, %dma_start3A_3] : memref<6144x768xf32, #tpu.memory_space<hbm>> -> memref<6144x768xf32, #tpu.memory_space<hbm>>
    tpu.enqueue_indirect_dma source(%dma_start3A_4 : memref<6144x768xf32, #tpu.memory_space<hbm>>) target(%arg8 : memref<64x768xf32, #tpu.memory_space<vmem>>) offsets(%arg6 : memref<64xi32, #tpu.memory_space<vmem>>) semaphore(%arg10 : memref<!tpu.dma_semaphore, #tpu.memory_space<semaphore_mem>>)
    %dma_start3A_5 = arith.constant 0 : i32
    %dma_start3A_6 = arith.constant 0 : i32
    %dma_start3A_7 = tpu.memref_slice %arg2[%dma_start3A_5, %dma_start3A_6] : memref<6144x768xf32, #tpu.memory_space<hbm>> -> memref<6144x768xf32, #tpu.memory_space<hbm>>
    tpu.enqueue_indirect_dma source(%dma_start3A_7 : memref<6144x768xf32, #tpu.memory_space<hbm>>) target(%arg9 : memref<64x768xf32, #tpu.memory_space<vmem>>) offsets(%arg7 : memref<64xi32, #tpu.memory_space<vmem>>) semaphore(%arg10 : memref<!tpu.dma_semaphore, #tpu.memory_space<semaphore_mem>>)
    %dma_wait3A = arith.constant 0 : i32
    %dma_wait3A_8 = arith.constant 0 : i32
    %dma_wait3A_9 = tpu.memref_slice %arg2[%dma_wait3A, %dma_wait3A_8] : memref<6144x768xf32, #tpu.memory_space<hbm>> -> memref<6144x768xf32, #tpu.memory_space<hbm>>
    tpu.wait_indirect_dma semaphore(%arg10 : memref<!tpu.dma_semaphore, #tpu.memory_space<semaphore_mem>>) src(%dma_wait3A_9 : memref<6144x768xf32, #tpu.memory_space<hbm>>) dst(%arg8 : memref<64x768xf32, #tpu.memory_space<vmem>>)
    %dma_wait3A_10 = arith.constant 0 : i32
    %dma_wait3A_11 = arith.constant 0 : i32
    %dma_wait3A_12 = tpu.memref_slice %arg2[%dma_wait3A_10, %dma_wait3A_11] : memref<6144x768xf32, #tpu.memory_space<hbm>> -> memref<6144x768xf32, #tpu.memory_space<hbm>>
    tpu.wait_indirect_dma semaphore(%arg10 : memref<!tpu.dma_semaphore, #tpu.memory_space<semaphore_mem>>) src(%dma_wait3A_12 : memref<6144x768xf32, #tpu.memory_space<hbm>>) dst(%arg9 : memref<64x768xf32, #tpu.memory_space<vmem>>)
    %scan3A = arith.constant 0 : i32
    %scan3A_13 = arith.constant 0 : i32
    %scan3A_14 = arith.constant 64 : i32
    %scan3A_15 = arith.addi %scan3A_13, %scan3A_14 : i32
    %scan3A_16 = arith.constant 1 : i32
    scf.for %scan3A_18 = %scan3A_13 to %scan3A_15 step %scan3A_16  : i32 {
      %get3A = arith.index_cast %scan3A_18 : i32 to index
      %get3A_19 = arith.constant 0 : index
      %get3A_20 = tpu.vector_load %arg8[%get3A, %get3A_19] {strides = array<i32>} : memref<64x768xf32, #tpu.memory_space<vmem>>, vector<16xf32>,
      %get3A_21 = arith.index_cast %scan3A_18 : i32 to index
      %get3A_22 = arith.constant 0 : index
      %get3A_23 = tpu.vector_load %arg9[%get3A_21, %get3A_22] {strides = array<i32>} : memref<64x768xf32, #tpu.memory_space<vmem>>, vector<16xf32>,
      %add3A_24 = arith.addf %get3A_20, %get3A_23 : vector<16xf32>
      %swap3A = arith.index_cast %scan3A_18 : i32 to index
      %swap3A_25 = arith.constant 0 : index
      %swap3A_26 = tpu.vector_load %arg8[%swap3A, %swap3A_25] {strides = array<i32>} : memref<64x768xf32, #tpu.memory_space<vmem>>, vector<16xf32>,
      tpu.vector_store %arg8[%swap3A, %swap3A_25], %add3A_24 {strides = array<i32>} : memref<64x768xf32, #tpu.memory_space<vmem>>, vector<16xf32>,
      %get3A_27 = arith.index_cast %scan3A_18 : i32 to index
      %get3A_28 = arith.constant 16 : index
      %get3A_29 = tpu.vector_load %arg8[%get3A_27, %get3A_28] {strides = array<i32>} : memref<64x768xf32, #tpu.memory_space<vmem>>, vector<16xf32>,
      %get3A_30 = arith.index_cast %scan3A_18 : i32 to index
      %get3A_31 = arith.constant 16 : index
      %get3A_32 = tpu.vector_load %arg9[%get3A_30, %get3A_31] {strides = array<i32>} : memref<64x768xf32, #tpu.memory_space<vmem>>, vector<16xf32>,
      %add3A_33 = arith.addf %get3A_29, %get3A_32 : vector<16xf32>
      %swap3A_34 = arith.index_cast %scan3A_18 : i32 to index
      %swap3A_35 = arith.constant 16 : index
      %swap3A_36 = tpu.vector_load %arg8[%swap3A_34, %swap3A_35] {strides = array<i32>} : memref<64x768xf32, #tpu.memory_space<vmem>>, vector<16xf32>,
      tpu.vector_store %arg8[%swap3A_34, %swap3A_35], %add3A_33 {strides = array<i32>} : memref<64x768xf32, #tpu.memory_space<vmem>>, vector<16xf32>,
      %get3A_37 = arith.index_cast %scan3A_18 : i32 to index
      %get3A_38 = arith.constant 32 : index
      %get3A_39 = tpu.vector_load %arg8[%get3A_37, %get3A_38] {strides = array<i32>} : memref<64x768xf32, #tpu.memory_space<vmem>>, vector<16xf32>,
      %get3A_40 = arith.index_cast %scan3A_18 : i32 to index
      %get3A_41 = arith.constant 32 : index
      %get3A_42 = tpu.vector_load %arg9[%get3A_40, %get3A_41] {strides = array<i32>} : memref<64x768xf32, #tpu.memory_space<vmem>>, vector<16xf32>,
      %add3A_43 = arith.addf %get3A_39, %get3A_42 : vector<16xf32>
      %swap3A_44 = arith.index_cast %scan3A_18 : i32 to index
      %swap3A_45 = arith.constant 32 : index
      %swap3A_46 = tpu.vector_load %arg8[%swap3A_44, %swap3A_45] {strides = array<i32>} : memref<64x768xf32, #tpu.memory_space<vmem>>, vector<16xf32>,
      tpu.vector_store %arg8[%swap3A_44, %swap3A_45], %add3A_43 {strides = array<i32>} : memref<64x768xf32, #tpu.memory_space<vmem>>, vector<16xf32>,
      %get3A_47 = arith.index_cast %scan3A_18 : i32 to index
      %get3A_48 = arith.constant 48 : index
      %get3A_49 = tpu.vector_load %arg8[%get3A_47, %get3A_48] {strides = array<i32>} : memref<64x768xf32, #tpu.memory_space<vmem>>, vector<16xf32>,
      %get3A_50 = arith.index_cast %scan3A_18 : i32 to index
      %get3A_51 = arith.constant 48 : index
      %get3A_52 = tpu.vector_load %arg9[%get3A_50, %get3A_51] {strides = array<i32>} : memref<64x768xf32, #tpu.memory_space<vmem>>, vector<16xf32>,
      %add3A_53 = arith.addf %get3A_49, %get3A_52 : vector<16xf32>
      %swap3A_54 = arith.index_cast %scan3A_18 : i32 to index
      %swap3A_55 = arith.constant 48 : index
      %swap3A_56 = tpu.vector_load %arg8[%swap3A_54, %swap3A_55] {strides = array<i32>} : memref<64x768xf32, #tpu.memory_space<vmem>>, vector<16xf32>,
      tpu.vector_store %arg8[%swap3A_54, %swap3A_55], %add3A_53 {strides = array<i32>} : memref<64x768xf32, #tpu.memory_space<vmem>>, vector<16xf32>,
      %get3A_57 = arith.index_cast %scan3A_18 : i32 to index
      %get3A_58 = arith.constant 64 : index
      %get3A_59 = tpu.vector_load %arg8[%get3A_57, %get3A_58] {strides = array<i32>} : memref<64x768xf32, #tpu.memory_space<vmem>>, vector<16xf32>,
      %get3A_60 = arith.index_cast %scan3A_18 : i32 to index
      %get3A_61 = arith.constant 64 : index
      %get3A_62 = tpu.vector_load %arg9[%get3A_60, %get3A_61] {strides = array<i32>} : memref<64x768xf32, #tpu.memory_space<vmem>>, vector<16xf32>,
      %add3A_63 = arith.addf %get3A_59, %get3A_62 : vector<16xf32>
      %swap3A_64 = arith.index_cast %scan3A_18 : i32 to index
      %swap3A_65 = arith.constant 64 : index
      %swap3A_66 = tpu.vector_load %arg8[%swap3A_64, %swap3A_65] {strides = array<i32>} : memref<64x768xf32, #tpu.memory_space<vmem>>, vector<16xf32>,
      tpu.vector_store %arg8[%swap3A_64, %swap3A_65], %add3A_63 {strides = array<i32>} : memref<64x768xf32, #tpu.memory_space<vmem>>, vector<16xf32>,
      %get3A_67 = arith.index_cast %scan3A_18 : i32 to index
      %get3A_68 = arith.constant 80 : index
      %get3A_69 = tpu.vector_load %arg8[%get3A_67, %get3A_68] {strides = array<i32>} : memref<64x768xf32, #tpu.memory_space<vmem>>, vector<16xf32>,
      %get3A_70 = arith.index_cast %scan3A_18 : i32 to index
      %get3A_71 = arith.constant 80 : index
      %get3A_72 = tpu.vector_load %arg9[%get3A_70, %get3A_71] {strides = array<i32>} : memref<64x768xf32, #tpu.memory_space<vmem>>, vector<16xf32>,
      %add3A_73 = arith.addf %get3A_69, %get3A_72 : vector<16xf32>
      %swap3A_74 = arith.index_cast %scan3A_18 : i32 to index
      %swap3A_75 = arith.constant 80 : index
      %swap3A_76 = tpu.vector_load %arg8[%swap3A_74, %swap3A_75] {strides = array<i32>} : memref<64x768xf32, #tpu.memory_space<vmem>>, vector<16xf32>,
      tpu.vector_store %arg8[%swap3A_74, %swap3A_75], %add3A_73 {strides = array<i32>} : memref<64x768xf32, #tpu.memory_space<vmem>>, vector<16xf32>,
      %get3A_77 = arith.index_cast %scan3A_18 : i32 to index
      %get3A_78 = arith.constant 96 : index
      %get3A_79 = tpu.vector_load %arg8[%get3A_77, %get3A_78] {strides = array<i32>} : memref<64x768xf32, #tpu.memory_space<vmem>>, vector<16xf32>,
      %get3A_80 = arith.index_cast %scan3A_18 : i32 to index
      %get3A_81 = arith.constant 96 : index
      %get3A_82 = tpu.vector_load %arg9[%get3A_80, %get3A_81] {strides = array<i32>} : memref<64x768xf32, #tpu.memory_space<vmem>>, vector<16xf32>,
      %add3A_83 = arith.addf %get3A_79, %get3A_82 : vector<16xf32>
      %swap3A_84 = arith.index_cast %scan3A_18 : i32 to index
      %swap3A_85 = arith.constant 96 : index
      %swap3A_86 = tpu.vector_load %arg8[%swap3A_84, %swap3A_85] {strides = array<i32>} : memref<64x768xf32, #tpu.memory_space<vmem>>, vector<16xf32>,
      tpu.vector_store %arg8[%swap3A_84, %swap3A_85], %add3A_83 {strides = array<i32>} : memref<64x768xf32, #tpu.memory_space<vmem>>, vector<16xf32>,
      %get3A_87 = arith.index_cast %scan3A_18 : i32 to index
      %get3A_88 = arith.constant 112 : index
      %get3A_89 = tpu.vector_load %arg8[%get3A_87, %get3A_88] {strides = array<i32>} : memref<64x768xf32, #tpu.memory_space<vmem>>, vector<16xf32>,
      %get3A_90 = arith.index_cast %scan3A_18 : i32 to index
      %get3A_91 = arith.constant 112 : index
      %get3A_92 = tpu.vector_load %arg9[%get3A_90, %get3A_91] {strides = array<i32>} : memref<64x768xf32, #tpu.memory_space<vmem>>, vector<16xf32>,
      %add3A_93 = arith.addf %get3A_89, %get3A_92 : vector<16xf32>
      %swap3A_94 = arith.index_cast %scan3A_18 : i32 to index
      %swap3A_95 = arith.constant 112 : index
      %swap3A_96 = tpu.vector_load %arg8[%swap3A_94, %swap3A_95] {strides = array<i32>} : memref<64x768xf32, #tpu.memory_space<vmem>>, vector<16xf32>,
      tpu.vector_store %arg8[%swap3A_94, %swap3A_95], %add3A_93 {strides = array<i32>} : memref<64x768xf32, #tpu.memory_space<vmem>>, vector<16xf32>,
      %get3A_97 = arith.index_cast %scan3A_18 : i32 to index
      %get3A_98 = arith.constant 128 : index
      %get3A_99 = tpu.vector_load %arg8[%get3A_97, %get3A_98] {strides = array<i32>} : memref<64x768xf32, #tpu.memory_space<vmem>>, vector<16xf32>,
      %get3A_100 = arith.index_cast %scan3A_18 : i32 to index
      %get3A_101 = arith.constant 128 : index
      %get3A_102 = tpu.vector_load %arg9[%get3A_100, %get3A_101] {strides = array<i32>} : memref<64x768xf32, #tpu.memory_space<vmem>>, vector<16xf32>,
      %add3A_103 = arith.addf %get3A_99, %get3A_102 : vector<16xf32>
      %swap3A_104 = arith.index_cast %scan3A_18 : i32 to index
      %swap3A_105 = arith.constant 128 : index
      %swap3A_106 = tpu.vector_load %arg8[%swap3A_104, %swap3A_105] {strides = array<i32>} : memref<64x768xf32, #tpu.memory_space<vmem>>, vector<16xf32>,
      tpu.vector_store %arg8[%swap3A_104, %swap3A_105], %add3A_103 {strides = array<i32>} : memref<64x768xf32, #tpu.memory_space<vmem>>, vector<16xf32>,
      %get3A_107 = arith.index_cast %scan3A_18 : i32 to index
      %get3A_108 = arith.constant 144 : index
      %get3A_109 = tpu.vector_load %arg8[%get3A_107, %get3A_108] {strides = array<i32>} : memref<64x768xf32, #tpu.memory_space<vmem>>, vector<16xf32>,
      %get3A_110 = arith.index_cast %scan3A_18 : i32 to index
      %get3A_111 = arith.constant 144 : index
      %get3A_112 = tpu.vector_load %arg9[%get3A_110, %get3A_111] {strides = array<i32>} : memref<64x768xf32, #tpu.memory_space<vmem>>, vector<16xf32>,
      %add3A_113 = arith.addf %get3A_109, %get3A_112 : vector<16xf32>
      %swap3A_114 = arith.index_cast %scan3A_18 : i32 to index
      %swap3A_115 = arith.constant 144 : index
      %swap3A_116 = tpu.vector_load %arg8[%swap3A_114, %swap3A_115] {strides = array<i32>} : memref<64x768xf32, #tpu.memory_space<vmem>>, vector<16xf32>,
      tpu.vector_store %arg8[%swap3A_114, %swap3A_115], %add3A_113 {strides = array<i32>} : memref<64x768xf32, #tpu.memory_space<vmem>>, vector<16xf32>,
      %get3A_117 = arith.index_cast %scan3A_18 : i32 to index
      %get3A_118 = arith.constant 160 : index
      %get3A_119 = tpu.vector_load %arg8[%get3A_117, %get3A_118] {strides = array<i32>} : memref<64x768xf32, #tpu.memory_space<vmem>>, vector<16xf32>,
      %get3A_120 = arith.index_cast %scan3A_18 : i32 to index
      %get3A_121 = arith.constant 160 : index
      %get3A_122 = tpu.vector_load %arg9[%get3A_120, %get3A_121] {strides = array<i32>} : memref<64x768xf32, #tpu.memory_space<vmem>>, vector<16xf32>,
      %add3A_123 = arith.addf %get3A_119, %get3A_122 : vector<16xf32>
      %swap3A_124 = arith.index_cast %scan3A_18 : i32 to index
      %swap3A_125 = arith.constant 160 : index
      %swap3A_126 = tpu.vector_load %arg8[%swap3A_124, %swap3A_125] {strides = array<i32>} : memref<64x768xf32, #tpu.memory_space<vmem>>, vector<16xf32>,
      tpu.vector_store %arg8[%swap3A_124, %swap3A_125], %add3A_123 {strides = array<i32>} : memref<64x768xf32, #tpu.memory_space<vmem>>, vector<16xf32>,
      %get3A_127 = arith.index_cast %scan3A_18 : i32 to index
      %get3A_128 = arith.constant 176 : index
      %get3A_129 = tpu.vector_load %arg8[%get3A_127, %get3A_128] {strides = array<i32>} : memref<64x768xf32, #tpu.memory_space<vmem>>, vector<16xf32>,
      %get3A_130 = arith.index_cast %scan3A_18 : i32 to index
      %get3A_131 = arith.constant 176 : index
      %get3A_132 = tpu.vector_load %arg9[%get3A_130, %get3A_131] {strides = array<i32>} : memref<64x768xf32, #tpu.memory_space<vmem>>, vector<16xf32>,
      %add3A_133 = arith.addf %get3A_129, %get3A_132 : vector<16xf32>
      %swap3A_134 = arith.index_cast %scan3A_18 : i32 to index
      %swap3A_135 = arith.constant 176 : index
      %swap3A_136 = tpu.vector_load %arg8[%swap3A_134, %swap3A_135] {strides = array<i32>} : memref<64x768xf32, #tpu.memory_space<vmem>>, vector<16xf32>,
      tpu.vector_store %arg8[%swap3A_134, %swap3A_135], %add3A_133 {strides = array<i32>} : memref<64x768xf32, #tpu.memory_space<vmem>>, vector<16xf32>,
      %get3A_137 = arith.index_cast %scan3A_18 : i32 to index
      %get3A_138 = arith.constant 192 : index
      %get3A_139 = tpu.vector_load %arg8[%get3A_137, %get3A_138] {strides = array<i32>} : memref<64x768xf32, #tpu.memory_space<vmem>>, vector<16xf32>,
      %get3A_140 = arith.index_cast %scan3A_18 : i32 to index
      %get3A_141 = arith.constant 192 : index
      %get3A_142 = tpu.vector_load %arg9[%get3A_140, %get3A_141] {strides = array<i32>} : memref<64x768xf32, #tpu.memory_space<vmem>>, vector<16xf32>,
      %add3A_143 = arith.addf %get3A_139, %get3A_142 : vector<16xf32>
      %swap3A_144 = arith.index_cast %scan3A_18 : i32 to index
      %swap3A_145 = arith.constant 192 : index
      %swap3A_146 = tpu.vector_load %arg8[%swap3A_144, %swap3A_145] {strides = array<i32>} : memref<64x768xf32, #tpu.memory_space<vmem>>, vector<16xf32>,
      tpu.vector_store %arg8[%swap3A_144, %swap3A_145], %add3A_143 {strides = array<i32>} : memref<64x768xf32, #tpu.memory_space<vmem>>, vector<16xf32>,
      %get3A_147 = arith.index_cast %scan3A_18 : i32 to index
      %get3A_148 = arith.constant 208 : index
      %get3A_149 = tpu.vector_load %arg8[%get3A_147, %get3A_148] {strides = array<i32>} : memref<64x768xf32, #tpu.memory_space<vmem>>, vector<16xf32>,
      %get3A_150 = arith.index_cast %scan3A_18 : i32 to index
      %get3A_151 = arith.constant 208 : index
      %get3A_152 = tpu.vector_load %arg9[%get3A_150, %get3A_151] {strides = array<i32>} : memref<64x768xf32, #tpu.memory_space<vmem>>, vector<16xf32>,
      %add3A_153 = arith.addf %get3A_149, %get3A_152 : vector<16xf32>
      %swap3A_154 = arith.index_cast %scan3A_18 : i32 to index
      %swap3A_155 = arith.constant 208 : index
      %swap3A_156 = tpu.vector_load %arg8[%swap3A_154, %swap3A_155] {strides = array<i32>} : memref<64x768xf32, #tpu.memory_space<vmem>>, vector<16xf32>,
      tpu.vector_store %arg8[%swap3A_154, %swap3A_155], %add3A_153 {strides = array<i32>} : memref<64x768xf32, #tpu.memory_space<vmem>>, vector<16xf32>,
      %get3A_157 = arith.index_cast %scan3A_18 : i32 to index
      %get3A_158 = arith.constant 224 : index
      %get3A_159 = tpu.vector_load %arg8[%get3A_157, %get3A_158] {strides = array<i32>} : memref<64x768xf32, #tpu.memory_space<vmem>>, vector<16xf32>,
      %get3A_160 = arith.index_cast %scan3A_18 : i32 to index
      %get3A_161 = arith.constant 224 : index
      %get3A_162 = tpu.vector_load %arg9[%get3A_160, %get3A_161] {strides = array<i32>} : memref<64x768xf32, #tpu.memory_space<vmem>>, vector<16xf32>,
      %add3A_163 = arith.addf %get3A_159, %get3A_162 : vector<16xf32>
      %swap3A_164 = arith.index_cast %scan3A_18 : i32 to index
      %swap3A_165 = arith.constant 224 : index
      %swap3A_166 = tpu.vector_load %arg8[%swap3A_164, %swap3A_165] {strides = array<i32>} : memref<64x768xf32, #tpu.memory_space<vmem>>, vector<16xf32>,
      tpu.vector_store %arg8[%swap3A_164, %swap3A_165], %add3A_163 {strides = array<i32>} : memref<64x768xf32, #tpu.memory_space<vmem>>, vector<16xf32>,
      %get3A_167 = arith.index_cast %scan3A_18 : i32 to index
      %get3A_168 = arith.constant 240 : index
      %get3A_169 = tpu.vector_load %arg8[%get3A_167, %get3A_168] {strides = array<i32>} : memref<64x768xf32, #tpu.memory_space<vmem>>, vector<16xf32>,
      %get3A_170 = arith.index_cast %scan3A_18 : i32 to index
      %get3A_171 = arith.constant 240 : index
      %get3A_172 = tpu.vector_load %arg9[%get3A_170, %get3A_171] {strides = array<i32>} : memref<64x768xf32, #tpu.memory_space<vmem>>, vector<16xf32>,
      %add3A_173 = arith.addf %get3A_169, %get3A_172 : vector<16xf32>
      %swap3A_174 = arith.index_cast %scan3A_18 : i32 to index
      %swap3A_175 = arith.constant 240 : index
      %swap3A_176 = tpu.vector_load %arg8[%swap3A_174, %swap3A_175] {strides = array<i32>} : memref<64x768xf32, #tpu.memory_space<vmem>>, vector<16xf32>,
      tpu.vector_store %arg8[%swap3A_174, %swap3A_175], %add3A_173 {strides = array<i32>} : memref<64x768xf32, #tpu.memory_space<vmem>>, vector<16xf32>,
      %get3A_177 = arith.index_cast %scan3A_18 : i32 to index
      %get3A_178 = arith.constant 256 : index
      %get3A_179 = tpu.vector_load %arg8[%get3A_177, %get3A_178] {strides = array<i32>} : memref<64x768xf32, #tpu.memory_space<vmem>>, vector<16xf32>,
      %get3A_180 = arith.index_cast %scan3A_18 : i32 to index
      %get3A_181 = arith.constant 256 : index
      %get3A_182 = tpu.vector_load %arg9[%get3A_180, %get3A_181] {strides = array<i32>} : memref<64x768xf32, #tpu.memory_space<vmem>>, vector<16xf32>,
      %add3A_183 = arith.addf %get3A_179, %get3A_182 : vector<16xf32>
      %swap3A_184 = arith.index_cast %scan3A_18 : i32 to index
      %swap3A_185 = arith.constant 256 : index
      %swap3A_186 = tpu.vector_load %arg8[%swap3A_184, %swap3A_185] {strides = array<i32>} : memref<64x768xf32, #tpu.memory_space<vmem>>, vector<16xf32>,
      tpu.vector_store %arg8[%swap3A_184, %swap3A_185], %add3A_183 {strides = array<i32>} : memref<64x768xf32, #tpu.memory_space<vmem>>, vector<16xf32>,
      %get3A_187 = arith.index_cast %scan3A_18 : i32 to index
      %get3A_188 = arith.constant 272 : index
      %get3A_189 = tpu.vector_load %arg8[%get3A_187, %get3A_188] {strides = array<i32>} : memref<64x768xf32, #tpu.memory_space<vmem>>, vector<16xf32>,
      %get3A_190 = arith.index_cast %scan3A_18 : i32 to index
      %get3A_191 = arith.constant 272 : index
      %get3A_192 = tpu.vector_load %arg9[%get3A_190, %get3A_191] {strides = array<i32>} : memref<64x768xf32, #tpu.memory_space<vmem>>, vector<16xf32>,
      %add3A_193 = arith.addf %get3A_189, %get3A_192 : vector<16xf32>
      %swap3A_194 = arith.index_cast %scan3A_18 : i32 to index
      %swap3A_195 = arith.constant 272 : index
      %swap3A_196 = tpu.vector_load %arg8[%swap3A_194, %swap3A_195] {strides = array<i32>} : memref<64x768xf32, #tpu.memory_space<vmem>>, vector<16xf32>,
      tpu.vector_store %arg8[%swap3A_194, %swap3A_195], %add3A_193 {strides = array<i32>} : memref<64x768xf32, #tpu.memory_space<vmem>>, vector<16xf32>,
      %get3A_197 = arith.index_cast %scan3A_18 : i32 to index
      %get3A_198 = arith.constant 288 : index
      %get3A_199 = tpu.vector_load %arg8[%get3A_197, %get3A_198] {strides = array<i32>} : memref<64x768xf32, #tpu.memory_space<vmem>>, vector<16xf32>,
      %get3A_200 = arith.index_cast %scan3A_18 : i32 to index
      %get3A_201 = arith.constant 288 : index
      %get3A_202 = tpu.vector_load %arg9[%get3A_200, %get3A_201] {strides = array<i32>} : memref<64x768xf32, #tpu.memory_space<vmem>>, vector<16xf32>,
      %add3A_203 = arith.addf %get3A_199, %get3A_202 : vector<16xf32>
      %swap3A_204 = arith.index_cast %scan3A_18 : i32 to index
      %swap3A_205 = arith.constant 288 : index
      %swap3A_206 = tpu.vector_load %arg8[%swap3A_204, %swap3A_205] {strides = array<i32>} : memref<64x768xf32, #tpu.memory_space<vmem>>, vector<16xf32>,
      tpu.vector_store %arg8[%swap3A_204, %swap3A_205], %add3A_203 {strides = array<i32>} : memref<64x768xf32, #tpu.memory_space<vmem>>, vector<16xf32>,
      %get3A_207 = arith.index_cast %scan3A_18 : i32 to index
      %get3A_208 = arith.constant 304 : index
      %get3A_209 = tpu.vector_load %arg8[%get3A_207, %get3A_208] {strides = array<i32>} : memref<64x768xf32, #tpu.memory_space<vmem>>, vector<16xf32>,
      %get3A_210 = arith.index_cast %scan3A_18 : i32 to index
      %get3A_211 = arith.constant 304 : index
      %get3A_212 = tpu.vector_load %arg9[%get3A_210, %get3A_211] {strides = array<i32>} : memref<64x768xf32, #tpu.memory_space<vmem>>, vector<16xf32>,
      %add3A_213 = arith.addf %get3A_209, %get3A_212 : vector<16xf32>
      %swap3A_214 = arith.index_cast %scan3A_18 : i32 to index
      %swap3A_215 = arith.constant 304 : index
      %swap3A_216 = tpu.vector_load %arg8[%swap3A_214, %swap3A_215] {strides = array<i32>} : memref<64x768xf32, #tpu.memory_space<vmem>>, vector<16xf32>,
      tpu.vector_store %arg8[%swap3A_214, %swap3A_215], %add3A_213 {strides = array<i32>} : memref<64x768xf32, #tpu.memory_space<vmem>>, vector<16xf32>,
      %get3A_217 = arith.index_cast %scan3A_18 : i32 to index
      %get3A_218 = arith.constant 320 : index
      %get3A_219 = tpu.vector_load %arg8[%get3A_217, %get3A_218] {strides = array<i32>} : memref<64x768xf32, #tpu.memory_space<vmem>>, vector<16xf32>,
      %get3A_220 = arith.index_cast %scan3A_18 : i32 to index
      %get3A_221 = arith.constant 320 : index
      %get3A_222 = tpu.vector_load %arg9[%get3A_220, %get3A_221] {strides = array<i32>} : memref<64x768xf32, #tpu.memory_space<vmem>>, vector<16xf32>,
      %add3A_223 = arith.addf %get3A_219, %get3A_222 : vector<16xf32>
      %swap3A_224 = arith.index_cast %scan3A_18 : i32 to index
      %swap3A_225 = arith.constant 320 : index
      %swap3A_226 = tpu.vector_load %arg8[%swap3A_224, %swap3A_225] {strides = array<i32>} : memref<64x768xf32, #tpu.memory_space<vmem>>, vector<16xf32>,
      tpu.vector_store %arg8[%swap3A_224, %swap3A_225], %add3A_223 {strides = array<i32>} : memref<64x768xf32, #tpu.memory_space<vmem>>, vector<16xf32>,
      %get3A_227 = arith.index_cast %scan3A_18 : i32 to index
      %get3A_228 = arith.constant 336 : index
      %get3A_229 = tpu.vector_load %arg8[%get3A_227, %get3A_228] {strides = array<i32>} : memref<64x768xf32, #tpu.memory_space<vmem>>, vector<16xf32>,
      %get3A_230 = arith.index_cast %scan3A_18 : i32 to index
      %get3A_231 = arith.constant 336 : index
      %get3A_232 = tpu.vector_load %arg9[%get3A_230, %get3A_231] {strides = array<i32>} : memref<64x768xf32, #tpu.memory_space<vmem>>, vector<16xf32>,
      %add3A_233 = arith.addf %get3A_229, %get3A_232 : vector<16xf32>
      %swap3A_234 = arith.index_cast %scan3A_18 : i32 to index
      %swap3A_235 = arith.constant 336 : index
      %swap3A_236 = tpu.vector_load %arg8[%swap3A_234, %swap3A_235] {strides = array<i32>} : memref<64x768xf32, #tpu.memory_space<vmem>>, vector<16xf32>,
      tpu.vector_store %arg8[%swap3A_234, %swap3A_235], %add3A_233 {strides = array<i32>} : memref<64x768xf32, #tpu.memory_space<vmem>>, vector<16xf32>,
      %get3A_237 = arith.index_cast %scan3A_18 : i32 to index
      %get3A_238 = arith.constant 352 : index
      %get3A_239 = tpu.vector_load %arg8[%get3A_237, %get3A_238] {strides = array<i32>} : memref<64x768xf32, #tpu.memory_space<vmem>>, vector<16xf32>,
      %get3A_240 = arith.index_cast %scan3A_18 : i32 to index
      %get3A_241 = arith.constant 352 : index
      %get3A_242 = tpu.vector_load %arg9[%get3A_240, %get3A_241] {strides = array<i32>} : memref<64x768xf32, #tpu.memory_space<vmem>>, vector<16xf32>,
      %add3A_243 = arith.addf %get3A_239, %get3A_242 : vector<16xf32>
      %swap3A_244 = arith.index_cast %scan3A_18 : i32 to index
      %swap3A_245 = arith.constant 352 : index
      %swap3A_246 = tpu.vector_load %arg8[%swap3A_244, %swap3A_245] {strides = array<i32>} : memref<64x768xf32, #tpu.memory_space<vmem>>, vector<16xf32>,
      tpu.vector_store %arg8[%swap3A_244, %swap3A_245], %add3A_243 {strides = array<i32>} : memref<64x768xf32, #tpu.memory_space<vmem>>, vector<16xf32>,
      %get3A_247 = arith.index_cast %scan3A_18 : i32 to index
      %get3A_248 = arith.constant 368 : index
      %get3A_249 = tpu.vector_load %arg8[%get3A_247, %get3A_248] {strides = array<i32>} : memref<64x768xf32, #tpu.memory_space<vmem>>, vector<16xf32>,
      %get3A_250 = arith.index_cast %scan3A_18 : i32 to index
      %get3A_251 = arith.constant 368 : index
      %get3A_252 = tpu.vector_load %arg9[%get3A_250, %get3A_251] {strides = array<i32>} : memref<64x768xf32, #tpu.memory_space<vmem>>, vector<16xf32>,
      %add3A_253 = arith.addf %get3A_249, %get3A_252 : vector<16xf32>
      %swap3A_254 = arith.index_cast %scan3A_18 : i32 to index
      %swap3A_255 = arith.constant 368 : index
      %swap3A_256 = tpu.vector_load %arg8[%swap3A_254, %swap3A_255] {strides = array<i32>} : memref<64x768xf32, #tpu.memory_space<vmem>>, vector<16xf32>,
      tpu.vector_store %arg8[%swap3A_254, %swap3A_255], %add3A_253 {strides = array<i32>} : memref<64x768xf32, #tpu.memory_space<vmem>>, vector<16xf32>,
      %get3A_257 = arith.index_cast %scan3A_18 : i32 to index
      %get3A_258 = arith.constant 384 : index
      %get3A_259 = tpu.vector_load %arg8[%get3A_257, %get3A_258] {strides = array<i32>} : memref<64x768xf32, #tpu.memory_space<vmem>>, vector<16xf32>,
      %get3A_260 = arith.index_cast %scan3A_18 : i32 to index
      %get3A_261 = arith.constant 384 : index
      %get3A_262 = tpu.vector_load %arg9[%get3A_260, %get3A_261] {strides = array<i32>} : memref<64x768xf32, #tpu.memory_space<vmem>>, vector<16xf32>,
      %add3A_263 = arith.addf %get3A_259, %get3A_262 : vector<16xf32>
      %swap3A_264 = arith.index_cast %scan3A_18 : i32 to index
      %swap3A_265 = arith.constant 384 : index
      %swap3A_266 = tpu.vector_load %arg8[%swap3A_264, %swap3A_265] {strides = array<i32>} : memref<64x768xf32, #tpu.memory_space<vmem>>, vector<16xf32>,
      tpu.vector_store %arg8[%swap3A_264, %swap3A_265], %add3A_263 {strides = array<i32>} : memref<64x768xf32, #tpu.memory_space<vmem>>, vector<16xf32>,
      %get3A_267 = arith.index_cast %scan3A_18 : i32 to index
      %get3A_268 = arith.constant 400 : index
      %get3A_269 = tpu.vector_load %arg8[%get3A_267, %get3A_268] {strides = array<i32>} : memref<64x768xf32, #tpu.memory_space<vmem>>, vector<16xf32>,
      %get3A_270 = arith.index_cast %scan3A_18 : i32 to index
      %get3A_271 = arith.constant 400 : index
      %get3A_272 = tpu.vector_load %arg9[%get3A_270, %get3A_271] {strides = array<i32>} : memref<64x768xf32, #tpu.memory_space<vmem>>, vector<16xf32>,
      %add3A_273 = arith.addf %get3A_269, %get3A_272 : vector<16xf32>
      %swap3A_274 = arith.index_cast %scan3A_18 : i32 to index
      %swap3A_275 = arith.constant 400 : index
      %swap3A_276 = tpu.vector_load %arg8[%swap3A_274, %swap3A_275] {strides = array<i32>} : memref<64x768xf32, #tpu.memory_space<vmem>>, vector<16xf32>,
      tpu.vector_store %arg8[%swap3A_274, %swap3A_275], %add3A_273 {strides = array<i32>} : memref<64x768xf32, #tpu.memory_space<vmem>>, vector<16xf32>,
      %get3A_277 = arith.index_cast %scan3A_18 : i32 to index
      %get3A_278 = arith.constant 416 : index
      %get3A_279 = tpu.vector_load %arg8[%get3A_277, %get3A_278] {strides = array<i32>} : memref<64x768xf32, #tpu.memory_space<vmem>>, vector<16xf32>,
      %get3A_280 = arith.index_cast %scan3A_18 : i32 to index
      %get3A_281 = arith.constant 416 : index
      %get3A_282 = tpu.vector_load %arg9[%get3A_280, %get3A_281] {strides = array<i32>} : memref<64x768xf32, #tpu.memory_space<vmem>>, vector<16xf32>,
      %add3A_283 = arith.addf %get3A_279, %get3A_282 : vector<16xf32>
      %swap3A_284 = arith.index_cast %scan3A_18 : i32 to index
      %swap3A_285 = arith.constant 416 : index
      %swap3A_286 = tpu.vector_load %arg8[%swap3A_284, %swap3A_285] {strides = array<i32>} : memref<64x768xf32, #tpu.memory_space<vmem>>, vector<16xf32>,
      tpu.vector_store %arg8[%swap3A_284, %swap3A_285], %add3A_283 {strides = array<i32>} : memref<64x768xf32, #tpu.memory_space<vmem>>, vector<16xf32>,
      %get3A_287 = arith.index_cast %scan3A_18 : i32 to index
      %get3A_288 = arith.constant 432 : index
      %get3A_289 = tpu.vector_load %arg8[%get3A_287, %get3A_288] {strides = array<i32>} : memref<64x768xf32, #tpu.memory_space<vmem>>, vector<16xf32>,
      %get3A_290 = arith.index_cast %scan3A_18 : i32 to index
      %get3A_291 = arith.constant 432 : index
      %get3A_292 = tpu.vector_load %arg9[%get3A_290, %get3A_291] {strides = array<i32>} : memref<64x768xf32, #tpu.memory_space<vmem>>, vector<16xf32>,
      %add3A_293 = arith.addf %get3A_289, %get3A_292 : vector<16xf32>
      %swap3A_294 = arith.index_cast %scan3A_18 : i32 to index
      %swap3A_295 = arith.constant 432 : index
      %swap3A_296 = tpu.vector_load %arg8[%swap3A_294, %swap3A_295] {strides = array<i32>} : memref<64x768xf32, #tpu.memory_space<vmem>>, vector<16xf32>,
      tpu.vector_store %arg8[%swap3A_294, %swap3A_295], %add3A_293 {strides = array<i32>} : memref<64x768xf32, #tpu.memory_space<vmem>>, vector<16xf32>,
      %get3A_297 = arith.index_cast %scan3A_18 : i32 to index
      %get3A_298 = arith.constant 448 : index
      %get3A_299 = tpu.vector_load %arg8[%get3A_297, %get3A_298] {strides = array<i32>} : memref<64x768xf32, #tpu.memory_space<vmem>>, vector<16xf32>,
      %get3A_300 = arith.index_cast %scan3A_18 : i32 to index
      %get3A_301 = arith.constant 448 : index
      %get3A_302 = tpu.vector_load %arg9[%get3A_300, %get3A_301] {strides = array<i32>} : memref<64x768xf32, #tpu.memory_space<vmem>>, vector<16xf32>,
      %add3A_303 = arith.addf %get3A_299, %get3A_302 : vector<16xf32>
      %swap3A_304 = arith.index_cast %scan3A_18 : i32 to index
      %swap3A_305 = arith.constant 448 : index
      %swap3A_306 = tpu.vector_load %arg8[%swap3A_304, %swap3A_305] {strides = array<i32>} : memref<64x768xf32, #tpu.memory_space<vmem>>, vector<16xf32>,
      tpu.vector_store %arg8[%swap3A_304, %swap3A_305], %add3A_303 {strides = array<i32>} : memref<64x768xf32, #tpu.memory_space<vmem>>, vector<16xf32>,
      %get3A_307 = arith.index_cast %scan3A_18 : i32 to index
      %get3A_308 = arith.constant 464 : index
      %get3A_309 = tpu.vector_load %arg8[%get3A_307, %get3A_308] {strides = array<i32>} : memref<64x768xf32, #tpu.memory_space<vmem>>, vector<16xf32>,
      %get3A_310 = arith.index_cast %scan3A_18 : i32 to index
      %get3A_311 = arith.constant 464 : index
      %get3A_312 = tpu.vector_load %arg9[%get3A_310, %get3A_311] {strides = array<i32>} : memref<64x768xf32, #tpu.memory_space<vmem>>, vector<16xf32>,
      %add3A_313 = arith.addf %get3A_309, %get3A_312 : vector<16xf32>
      %swap3A_314 = arith.index_cast %scan3A_18 : i32 to index
      %swap3A_315 = arith.constant 464 : index
      %swap3A_316 = tpu.vector_load %arg8[%swap3A_314, %swap3A_315] {strides = array<i32>} : memref<64x768xf32, #tpu.memory_space<vmem>>, vector<16xf32>,
      tpu.vector_store %arg8[%swap3A_314, %swap3A_315], %add3A_313 {strides = array<i32>} : memref<64x768xf32, #tpu.memory_space<vmem>>, vector<16xf32>,
      %get3A_317 = arith.index_cast %scan3A_18 : i32 to index
      %get3A_318 = arith.constant 480 : index
      %get3A_319 = tpu.vector_load %arg8[%get3A_317, %get3A_318] {strides = array<i32>} : memref<64x768xf32, #tpu.memory_space<vmem>>, vector<16xf32>,
      %get3A_320 = arith.index_cast %scan3A_18 : i32 to index
      %get3A_321 = arith.constant 480 : index
      %get3A_322 = tpu.vector_load %arg9[%get3A_320, %get3A_321] {strides = array<i32>} : memref<64x768xf32, #tpu.memory_space<vmem>>, vector<16xf32>,
      %add3A_323 = arith.addf %get3A_319, %get3A_322 : vector<16xf32>
      %swap3A_324 = arith.index_cast %scan3A_18 : i32 to index
      %swap3A_325 = arith.constant 480 : index
      %swap3A_326 = tpu.vector_load %arg8[%swap3A_324, %swap3A_325] {strides = array<i32>} : memref<64x768xf32, #tpu.memory_space<vmem>>, vector<16xf32>,
      tpu.vector_store %arg8[%swap3A_324, %swap3A_325], %add3A_323 {strides = array<i32>} : memref<64x768xf32, #tpu.memory_space<vmem>>, vector<16xf32>,
      %get3A_327 = arith.index_cast %scan3A_18 : i32 to index
      %get3A_328 = arith.constant 496 : index
      %get3A_329 = tpu.vector_load %arg8[%get3A_327, %get3A_328] {strides = array<i32>} : memref<64x768xf32, #tpu.memory_space<vmem>>, vector<16xf32>,
      %get3A_330 = arith.index_cast %scan3A_18 : i32 to index
      %get3A_331 = arith.constant 496 : index
      %get3A_332 = tpu.vector_load %arg9[%get3A_330, %get3A_331] {strides = array<i32>} : memref<64x768xf32, #tpu.memory_space<vmem>>, vector<16xf32>,
      %add3A_333 = arith.addf %get3A_329, %get3A_332 : vector<16xf32>
      %swap3A_334 = arith.index_cast %scan3A_18 : i32 to index
      %swap3A_335 = arith.constant 496 : index
      %swap3A_336 = tpu.vector_load %arg8[%swap3A_334, %swap3A_335] {strides = array<i32>} : memref<64x768xf32, #tpu.memory_space<vmem>>, vector<16xf32>,
      tpu.vector_store %arg8[%swap3A_334, %swap3A_335], %add3A_333 {strides = array<i32>} : memref<64x768xf32, #tpu.memory_space<vmem>>, vector<16xf32>,
      %get3A_337 = arith.index_cast %scan3A_18 : i32 to index
      %get3A_338 = arith.constant 512 : index
      %get3A_339 = tpu.vector_load %arg8[%get3A_337, %get3A_338] {strides = array<i32>} : memref<64x768xf32, #tpu.memory_space<vmem>>, vector<16xf32>,
      %get3A_340 = arith.index_cast %scan3A_18 : i32 to index
      %get3A_341 = arith.constant 512 : index
      %get3A_342 = tpu.vector_load %arg9[%get3A_340, %get3A_341] {strides = array<i32>} : memref<64x768xf32, #tpu.memory_space<vmem>>, vector<16xf32>,
      %add3A_343 = arith.addf %get3A_339, %get3A_342 : vector<16xf32>
      %swap3A_344 = arith.index_cast %scan3A_18 : i32 to index
      %swap3A_345 = arith.constant 512 : index
      %swap3A_346 = tpu.vector_load %arg8[%swap3A_344, %swap3A_345] {strides = array<i32>} : memref<64x768xf32, #tpu.memory_space<vmem>>, vector<16xf32>,
      tpu.vector_store %arg8[%swap3A_344, %swap3A_345], %add3A_343 {strides = array<i32>} : memref<64x768xf32, #tpu.memory_space<vmem>>, vector<16xf32>,
      %get3A_347 = arith.index_cast %scan3A_18 : i32 to index
      %get3A_348 = arith.constant 528 : index
      %get3A_349 = tpu.vector_load %arg8[%get3A_347, %get3A_348] {strides = array<i32>} : memref<64x768xf32, #tpu.memory_space<vmem>>, vector<16xf32>,
      %get3A_350 = arith.index_cast %scan3A_18 : i32 to index
      %get3A_351 = arith.constant 528 : index
      %get3A_352 = tpu.vector_load %arg9[%get3A_350, %get3A_351] {strides = array<i32>} : memref<64x768xf32, #tpu.memory_space<vmem>>, vector<16xf32>,
      %add3A_353 = arith.addf %get3A_349, %get3A_352 : vector<16xf32>
      %swap3A_354 = arith.index_cast %scan3A_18 : i32 to index
      %swap3A_355 = arith.constant 528 : index
      %swap3A_356 = tpu.vector_load %arg8[%swap3A_354, %swap3A_355] {strides = array<i32>} : memref<64x768xf32, #tpu.memory_space<vmem>>, vector<16xf32>,
      tpu.vector_store %arg8[%swap3A_354, %swap3A_355], %add3A_353 {strides = array<i32>} : memref<64x768xf32, #tpu.memory_space<vmem>>, vector<16xf32>,
      %get3A_357 = arith.index_cast %scan3A_18 : i32 to index
      %get3A_358 = arith.constant 544 : index
      %get3A_359 = tpu.vector_load %arg8[%get3A_357, %get3A_358] {strides = array<i32>} : memref<64x768xf32, #tpu.memory_space<vmem>>, vector<16xf32>,
      %get3A_360 = arith.index_cast %scan3A_18 : i32 to index
      %get3A_361 = arith.constant 544 : index
      %get3A_362 = tpu.vector_load %arg9[%get3A_360, %get3A_361] {strides = array<i32>} : memref<64x768xf32, #tpu.memory_space<vmem>>, vector<16xf32>,
      %add3A_363 = arith.addf %get3A_359, %get3A_362 : vector<16xf32>
      %swap3A_364 = arith.index_cast %scan3A_18 : i32 to index
      %swap3A_365 = arith.constant 544 : index
      %swap3A_366 = tpu.vector_load %arg8[%swap3A_364, %swap3A_365] {strides = array<i32>} : memref<64x768xf32, #tpu.memory_space<vmem>>, vector<16xf32>,
      tpu.vector_store %arg8[%swap3A_364, %swap3A_365], %add3A_363 {strides = array<i32>} : memref<64x768xf32, #tpu.memory_space<vmem>>, vector<16xf32>,
      %get3A_367 = arith.index_cast %scan3A_18 : i32 to index
      %get3A_368 = arith.constant 560 : index
      %get3A_369 = tpu.vector_load %arg8[%get3A_367, %get3A_368] {strides = array<i32>} : memref<64x768xf32, #tpu.memory_space<vmem>>, vector<16xf32>,
      %get3A_370 = arith.index_cast %scan3A_18 : i32 to index
      %get3A_371 = arith.constant 560 : index
      %get3A_372 = tpu.vector_load %arg9[%get3A_370, %get3A_371] {strides = array<i32>} : memref<64x768xf32, #tpu.memory_space<vmem>>, vector<16xf32>,
      %add3A_373 = arith.addf %get3A_369, %get3A_372 : vector<16xf32>
      %swap3A_374 = arith.index_cast %scan3A_18 : i32 to index
      %swap3A_375 = arith.constant 560 : index
      %swap3A_376 = tpu.vector_load %arg8[%swap3A_374, %swap3A_375] {strides = array<i32>} : memref<64x768xf32, #tpu.memory_space<vmem>>, vector<16xf32>,
      tpu.vector_store %arg8[%swap3A_374, %swap3A_375], %add3A_373 {strides = array<i32>} : memref<64x768xf32, #tpu.memory_space<vmem>>, vector<16xf32>,
      %get3A_377 = arith.index_cast %scan3A_18 : i32 to index
      %get3A_378 = arith.constant 576 : index
      %get3A_379 = tpu.vector_load %arg8[%get3A_377, %get3A_378] {strides = array<i32>} : memref<64x768xf32, #tpu.memory_space<vmem>>, vector<16xf32>,
      %get3A_380 = arith.index_cast %scan3A_18 : i32 to index
      %get3A_381 = arith.constant 576 : index
      %get3A_382 = tpu.vector_load %arg9[%get3A_380, %get3A_381] {strides = array<i32>} : memref<64x768xf32, #tpu.memory_space<vmem>>, vector<16xf32>,
      %add3A_383 = arith.addf %get3A_379, %get3A_382 : vector<16xf32>
      %swap3A_384 = arith.index_cast %scan3A_18 : i32 to index
      %swap3A_385 = arith.constant 576 : index
      %swap3A_386 = tpu.vector_load %arg8[%swap3A_384, %swap3A_385] {strides = array<i32>} : memref<64x768xf32, #tpu.memory_space<vmem>>, vector<16xf32>,
      tpu.vector_store %arg8[%swap3A_384, %swap3A_385], %add3A_383 {strides = array<i32>} : memref<64x768xf32, #tpu.memory_space<vmem>>, vector<16xf32>,
      %get3A_387 = arith.index_cast %scan3A_18 : i32 to index
      %get3A_388 = arith.constant 592 : index
      %get3A_389 = tpu.vector_load %arg8[%get3A_387, %get3A_388] {strides = array<i32>} : memref<64x768xf32, #tpu.memory_space<vmem>>, vector<16xf32>,
      %get3A_390 = arith.index_cast %scan3A_18 : i32 to index
      %get3A_391 = arith.constant 592 : index
      %get3A_392 = tpu.vector_load %arg9[%get3A_390, %get3A_391] {strides = array<i32>} : memref<64x768xf32, #tpu.memory_space<vmem>>, vector<16xf32>,
      %add3A_393 = arith.addf %get3A_389, %get3A_392 : vector<16xf32>
      %swap3A_394 = arith.index_cast %scan3A_18 : i32 to index
      %swap3A_395 = arith.constant 592 : index
      %swap3A_396 = tpu.vector_load %arg8[%swap3A_394, %swap3A_395] {strides = array<i32>} : memref<64x768xf32, #tpu.memory_space<vmem>>, vector<16xf32>,
      tpu.vector_store %arg8[%swap3A_394, %swap3A_395], %add3A_393 {strides = array<i32>} : memref<64x768xf32, #tpu.memory_space<vmem>>, vector<16xf32>,
      %get3A_397 = arith.index_cast %scan3A_18 : i32 to index
      %get3A_398 = arith.constant 608 : index
      %get3A_399 = tpu.vector_load %arg8[%get3A_397, %get3A_398] {strides = array<i32>} : memref<64x768xf32, #tpu.memory_space<vmem>>, vector<16xf32>,
      %get3A_400 = arith.index_cast %scan3A_18 : i32 to index
      %get3A_401 = arith.constant 608 : index
      %get3A_402 = tpu.vector_load %arg9[%get3A_400, %get3A_401] {strides = array<i32>} : memref<64x768xf32, #tpu.memory_space<vmem>>, vector<16xf32>,
      %add3A_403 = arith.addf %get3A_399, %get3A_402 : vector<16xf32>
      %swap3A_404 = arith.index_cast %scan3A_18 : i32 to index
      %swap3A_405 = arith.constant 608 : index
      %swap3A_406 = tpu.vector_load %arg8[%swap3A_404, %swap3A_405] {strides = array<i32>} : memref<64x768xf32, #tpu.memory_space<vmem>>, vector<16xf32>,
      tpu.vector_store %arg8[%swap3A_404, %swap3A_405], %add3A_403 {strides = array<i32>} : memref<64x768xf32, #tpu.memory_space<vmem>>, vector<16xf32>,
      %get3A_407 = arith.index_cast %scan3A_18 : i32 to index
      %get3A_408 = arith.constant 624 : index
      %get3A_409 = tpu.vector_load %arg8[%get3A_407, %get3A_408] {strides = array<i32>} : memref<64x768xf32, #tpu.memory_space<vmem>>, vector<16xf32>,
      %get3A_410 = arith.index_cast %scan3A_18 : i32 to index
      %get3A_411 = arith.constant 624 : index
      %get3A_412 = tpu.vector_load %arg9[%get3A_410, %get3A_411] {strides = array<i32>} : memref<64x768xf32, #tpu.memory_space<vmem>>, vector<16xf32>,
      %add3A_413 = arith.addf %get3A_409, %get3A_412 : vector<16xf32>
      %swap3A_414 = arith.index_cast %scan3A_18 : i32 to index
      %swap3A_415 = arith.constant 624 : index
      %swap3A_416 = tpu.vector_load %arg8[%swap3A_414, %swap3A_415] {strides = array<i32>} : memref<64x768xf32, #tpu.memory_space<vmem>>, vector<16xf32>,
      tpu.vector_store %arg8[%swap3A_414, %swap3A_415], %add3A_413 {strides = array<i32>} : memref<64x768xf32, #tpu.memory_space<vmem>>, vector<16xf32>,
      %get3A_417 = arith.index_cast %scan3A_18 : i32 to index
      %get3A_418 = arith.constant 640 : index
      %get3A_419 = tpu.vector_load %arg8[%get3A_417, %get3A_418] {strides = array<i32>} : memref<64x768xf32, #tpu.memory_space<vmem>>, vector<16xf32>,
      %get3A_420 = arith.index_cast %scan3A_18 : i32 to index
      %get3A_421 = arith.constant 640 : index
      %get3A_422 = tpu.vector_load %arg9[%get3A_420, %get3A_421] {strides = array<i32>} : memref<64x768xf32, #tpu.memory_space<vmem>>, vector<16xf32>,
      %add3A_423 = arith.addf %get3A_419, %get3A_422 : vector<16xf32>
      %swap3A_424 = arith.index_cast %scan3A_18 : i32 to index
      %swap3A_425 = arith.constant 640 : index
      %swap3A_426 = tpu.vector_load %arg8[%swap3A_424, %swap3A_425] {strides = array<i32>} : memref<64x768xf32, #tpu.memory_space<vmem>>, vector<16xf32>,
      tpu.vector_store %arg8[%swap3A_424, %swap3A_425], %add3A_423 {strides = array<i32>} : memref<64x768xf32, #tpu.memory_space<vmem>>, vector<16xf32>,
      %get3A_427 = arith.index_cast %scan3A_18 : i32 to index
      %get3A_428 = arith.constant 656 : index
      %get3A_429 = tpu.vector_load %arg8[%get3A_427, %get3A_428] {strides = array<i32>} : memref<64x768xf32, #tpu.memory_space<vmem>>, vector<16xf32>,
      %get3A_430 = arith.index_cast %scan3A_18 : i32 to index
      %get3A_431 = arith.constant 656 : index
      %get3A_432 = tpu.vector_load %arg9[%get3A_430, %get3A_431] {strides = array<i32>} : memref<64x768xf32, #tpu.memory_space<vmem>>, vector<16xf32>,
      %add3A_433 = arith.addf %get3A_429, %get3A_432 : vector<16xf32>
      %swap3A_434 = arith.index_cast %scan3A_18 : i32 to index
      %swap3A_435 = arith.constant 656 : index
      %swap3A_436 = tpu.vector_load %arg8[%swap3A_434, %swap3A_435] {strides = array<i32>} : memref<64x768xf32, #tpu.memory_space<vmem>>, vector<16xf32>,
      tpu.vector_store %arg8[%swap3A_434, %swap3A_435], %add3A_433 {strides = array<i32>} : memref<64x768xf32, #tpu.memory_space<vmem>>, vector<16xf32>,
      %get3A_437 = arith.index_cast %scan3A_18 : i32 to index
      %get3A_438 = arith.constant 672 : index
      %get3A_439 = tpu.vector_load %arg8[%get3A_437, %get3A_438] {strides = array<i32>} : memref<64x768xf32, #tpu.memory_space<vmem>>, vector<16xf32>,
      %get3A_440 = arith.index_cast %scan3A_18 : i32 to index
      %get3A_441 = arith.constant 672 : index
      %get3A_442 = tpu.vector_load %arg9[%get3A_440, %get3A_441] {strides = array<i32>} : memref<64x768xf32, #tpu.memory_space<vmem>>, vector<16xf32>,
      %add3A_443 = arith.addf %get3A_439, %get3A_442 : vector<16xf32>
      %swap3A_444 = arith.index_cast %scan3A_18 : i32 to index
      %swap3A_445 = arith.constant 672 : index
      %swap3A_446 = tpu.vector_load %arg8[%swap3A_444, %swap3A_445] {strides = array<i32>} : memref<64x768xf32, #tpu.memory_space<vmem>>, vector<16xf32>,
      tpu.vector_store %arg8[%swap3A_444, %swap3A_445], %add3A_443 {strides = array<i32>} : memref<64x768xf32, #tpu.memory_space<vmem>>, vector<16xf32>,
      %get3A_447 = arith.index_cast %scan3A_18 : i32 to index
      %get3A_448 = arith.constant 688 : index
      %get3A_449 = tpu.vector_load %arg8[%get3A_447, %get3A_448] {strides = array<i32>} : memref<64x768xf32, #tpu.memory_space<vmem>>, vector<16xf32>,
      %get3A_450 = arith.index_cast %scan3A_18 : i32 to index
      %get3A_451 = arith.constant 688 : index
      %get3A_452 = tpu.vector_load %arg9[%get3A_450, %get3A_451] {strides = array<i32>} : memref<64x768xf32, #tpu.memory_space<vmem>>, vector<16xf32>,
      %add3A_453 = arith.addf %get3A_449, %get3A_452 : vector<16xf32>
      %swap3A_454 = arith.index_cast %scan3A_18 : i32 to index
      %swap3A_455 = arith.constant 688 : index
      %swap3A_456 = tpu.vector_load %arg8[%swap3A_454, %swap3A_455] {strides = array<i32>} : memref<64x768xf32, #tpu.memory_space<vmem>>, vector<16xf32>,
      tpu.vector_store %arg8[%swap3A_454, %swap3A_455], %add3A_453 {strides = array<i32>} : memref<64x768xf32, #tpu.memory_space<vmem>>, vector<16xf32>,
      %get3A_457 = arith.index_cast %scan3A_18 : i32 to index
      %get3A_458 = arith.constant 704 : index
      %get3A_459 = tpu.vector_load %arg8[%get3A_457, %get3A_458] {strides = array<i32>} : memref<64x768xf32, #tpu.memory_space<vmem>>, vector<16xf32>,
      %get3A_460 = arith.index_cast %scan3A_18 : i32 to index
      %get3A_461 = arith.constant 704 : index
      %get3A_462 = tpu.vector_load %arg9[%get3A_460, %get3A_461] {strides = array<i32>} : memref<64x768xf32, #tpu.memory_space<vmem>>, vector<16xf32>,
      %add3A_463 = arith.addf %get3A_459, %get3A_462 : vector<16xf32>
      %swap3A_464 = arith.index_cast %scan3A_18 : i32 to index
      %swap3A_465 = arith.constant 704 : index
      %swap3A_466 = tpu.vector_load %arg8[%swap3A_464, %swap3A_465] {strides = array<i32>} : memref<64x768xf32, #tpu.memory_space<vmem>>, vector<16xf32>,
      tpu.vector_store %arg8[%swap3A_464, %swap3A_465], %add3A_463 {strides = array<i32>} : memref<64x768xf32, #tpu.memory_space<vmem>>, vector<16xf32>,
      %get3A_467 = arith.index_cast %scan3A_18 : i32 to index
      %get3A_468 = arith.constant 720 : index
      %get3A_469 = tpu.vector_load %arg8[%get3A_467, %get3A_468] {strides = array<i32>} : memref<64x768xf32, #tpu.memory_space<vmem>>, vector<16xf32>,
      %get3A_470 = arith.index_cast %scan3A_18 : i32 to index
      %get3A_471 = arith.constant 720 : index
      %get3A_472 = tpu.vector_load %arg9[%get3A_470, %get3A_471] {strides = array<i32>} : memref<64x768xf32, #tpu.memory_space<vmem>>, vector<16xf32>,
      %add3A_473 = arith.addf %get3A_469, %get3A_472 : vector<16xf32>
      %swap3A_474 = arith.index_cast %scan3A_18 : i32 to index
      %swap3A_475 = arith.constant 720 : index
      %swap3A_476 = tpu.vector_load %arg8[%swap3A_474, %swap3A_475] {strides = array<i32>} : memref<64x768xf32, #tpu.memory_space<vmem>>, vector<16xf32>,
      tpu.vector_store %arg8[%swap3A_474, %swap3A_475], %add3A_473 {strides = array<i32>} : memref<64x768xf32, #tpu.memory_space<vmem>>, vector<16xf32>,
      %get3A_477 = arith.index_cast %scan3A_18 : i32 to index
      %get3A_478 = arith.constant 736 : index
      %get3A_479 = tpu.vector_load %arg8[%get3A_477, %get3A_478] {strides = array<i32>} : memref<64x768xf32, #tpu.memory_space<vmem>>, vector<16xf32>,
      %get3A_480 = arith.index_cast %scan3A_18 : i32 to index
      %get3A_481 = arith.constant 736 : index
      %get3A_482 = tpu.vector_load %arg9[%get3A_480, %get3A_481] {strides = array<i32>} : memref<64x768xf32, #tpu.memory_space<vmem>>, vector<16xf32>,
      %add3A_483 = arith.addf %get3A_479, %get3A_482 : vector<16xf32>
      %swap3A_484 = arith.index_cast %scan3A_18 : i32 to index
      %swap3A_485 = arith.constant 736 : index
      %swap3A_486 = tpu.vector_load %arg8[%swap3A_484, %swap3A_485] {strides = array<i32>} : memref<64x768xf32, #tpu.memory_space<vmem>>, vector<16xf32>,
      tpu.vector_store %arg8[%swap3A_484, %swap3A_485], %add3A_483 {strides = array<i32>} : memref<64x768xf32, #tpu.memory_space<vmem>>, vector<16xf32>,
      %get3A_487 = arith.index_cast %scan3A_18 : i32 to index
      %get3A_488 = arith.constant 752 : index
      %get3A_489 = tpu.vector_load %arg8[%get3A_487, %get3A_488] {strides = array<i32>} : memref<64x768xf32, #tpu.memory_space<vmem>>, vector<16xf32>,
      %get3A_490 = arith.index_cast %scan3A_18 : i32 to index
      %get3A_491 = arith.constant 752 : index
      %get3A_492 = tpu.vector_load %arg9[%get3A_490, %get3A_491] {strides = array<i32>} : memref<64x768xf32, #tpu.memory_space<vmem>>, vector<16xf32>,
      %add3A_493 = arith.addf %get3A_489, %get3A_492 : vector<16xf32>
      %swap3A_494 = arith.index_cast %scan3A_18 : i32 to index
      %swap3A_495 = arith.constant 752 : index
      %swap3A_496 = tpu.vector_load %arg8[%swap3A_494, %swap3A_495] {strides = array<i32>} : memref<64x768xf32, #tpu.memory_space<vmem>>, vector<16xf32>,
      tpu.vector_store %arg8[%swap3A_494, %swap3A_495], %add3A_493 {strides = array<i32>} : memref<64x768xf32, #tpu.memory_space<vmem>>, vector<16xf32>,
    }
    %scan3A_17 = arith.constant 64 : i32
    "tpu.region"() ({
      %run_scoped3A = tpu.sem_alloc : memref<!tpu.dma_semaphore, #tpu.memory_space<semaphore_mem>>
      %dma_start3A_18 = arith.constant 0 : i32
      %dma_start3A_19 = tpu.memref_slice %arg5[%mul3A_2, %dma_start3A_18] : memref<2048x768xf32, #tpu.memory_space<hbm>> -> memref<64x768xf32, #tpu.memory_space<hbm>>
      %dma_start3A_20 = arith.constant 0 : i32
      %dma_start3A_21 = tpu.memref_slice %arg5[%mul3A_2, %dma_start3A_20] : memref<2048x768xf32, #tpu.memory_space<hbm>> -> memref<64x768xf32, #tpu.memory_space<hbm>>
      tpu.enqueue_dma source(%arg8 : memref<64x768xf32, #tpu.memory_space<vmem>>) target(%dma_start3A_21 : memref<64x768xf32, #tpu.memory_space<hbm>>) target_semaphore(%run_scoped3A : memref<!tpu.dma_semaphore, #tpu.memory_space<semaphore_mem>>)
      %dma_wait3A_22 = arith.constant 0 : i32
      %dma_wait3A_23 = tpu.memref_slice %arg5[%mul3A_2, %dma_wait3A_22] : memref<2048x768xf32, #tpu.memory_space<hbm>> -> memref<64x768xf32, #tpu.memory_space<hbm>>
      %dma_wait3A_24 = arith.constant 0 : i32
      %dma_wait3A_25 = tpu.memref_slice %arg5[%mul3A_2, %dma_wait3A_24] : memref<2048x768xf32, #tpu.memory_space<hbm>> -> memref<64x768xf32, #tpu.memory_space<hbm>>
      tpu.wait_dma2 semaphore(%run_scoped3A : memref<!tpu.dma_semaphore, #tpu.memory_space<semaphore_mem>>) src(%arg8 : memref<64x768xf32, #tpu.memory_space<vmem>>) dst(%dma_wait3A_25 : memref<64x768xf32, #tpu.memory_space<hbm>>)
      tpu.yield
    }) : () -> ()
    return
  }
}

#map = affine_map<(d0, d1) -> (0, 0)>
#map1 = affine_map<(d0, d1) -> (0)>
module attributes {stable_mosaic.version = 14 : i64} {
  func.func @_dispatch(%arg0: i32, %arg1: i32, %arg2: memref<2048x8xf32, #tpu.memory_space<hbm>>, %arg3: memref<128xi32, #tpu.memory_space<hbm>>, %arg4: memref<2048x768xf32, #tpu.memory_space<hbm>>, %arg5: memref<6144x768xf32, #tpu.memory_space<hbm>>, %arg6: memref<2048xi32, #tpu.memory_space<hbm>>, %arg7: memref<2048xi32, #tpu.memory_space<hbm>>, %arg8: memref<5x32xi32, #tpu.memory_space<hbm>>, %arg9: memref<6144x128xf32, #tpu.memory_space<hbm>>, %arg10: memref<16xi32, #tpu.memory_space<vmem>>, %arg11: memref<16xi32, #tpu.memory_space<vmem>>, %arg12: memref<64x8xf32, #tpu.memory_space<vmem>>, %arg13: memref<64xi32, #tpu.memory_space<vmem>>, %arg14: memref<64xi32, #tpu.memory_space<vmem>>, %arg15: memref<64x768xf32, #tpu.memory_space<vmem>>, %arg16: memref<5x32xi32, #tpu.memory_space<vmem>>, %arg17: memref<64x128xf32, #tpu.memory_space<vmem>>, %arg18: memref<!tpu.dma_semaphore, #tpu.memory_space<semaphore_mem>>) attributes {dimension_semantics = [#tpu.dimension_semantics<core_parallel>, #tpu.dimension_semantics<subcore_parallel>], iteration_bounds = array<i64: 2, 16>, scalar_prefetch = 0 : i64, scratch_operands = 9 : i64, tpu.core_type = #tpu.core_type<sc_vector_subcore>, window_params = [{transform_indices = #map}, {transform_indices = #map1}, {transform_indices = #map}, {transform_indices = #map}, {transform_indices = #map1}, {transform_indices = #map1}, {transform_indices = #map}, {transform_indices = #map}]} {
    %mul3A = arith.constant 2 : i32
    %mul3A_0 = arith.muli %arg1, %mul3A : i32
    %add3A = arith.addi %mul3A_0, %arg0 : i32
    %mul3A_1 = arith.constant 64 : i32
    %mul3A_2 = arith.muli %add3A, %mul3A_1 : i32
    "tpu.region"() ({
      %run_scoped3A = tpu.sem_alloc : memref<!tpu.dma_semaphore, #tpu.memory_space<semaphore_mem>>
      %dma_start3A_382 = arith.constant 0 : i32
      %dma_start3A_383 = tpu.memref_slice %arg3[%dma_start3A_382] : memref<128xi32, #tpu.memory_space<hbm>> -> memref<16xi32, #tpu.memory_space<hbm>>
      %dma_start3A_384 = arith.constant 0 : i32
      %dma_start3A_385 = tpu.memref_slice %arg3[%dma_start3A_384] : memref<128xi32, #tpu.memory_space<hbm>> -> memref<16xi32, #tpu.memory_space<hbm>>
      tpu.enqueue_dma source(%dma_start3A_385 : memref<16xi32, #tpu.memory_space<hbm>>) target(%arg10 : memref<16xi32, #tpu.memory_space<vmem>>) target_semaphore(%run_scoped3A : memref<!tpu.dma_semaphore, #tpu.memory_space<semaphore_mem>>)
      %dma_wait3A_386 = arith.constant 0 : i32
      %dma_wait3A_387 = tpu.memref_slice %arg3[%dma_wait3A_386] : memref<128xi32, #tpu.memory_space<hbm>> -> memref<16xi32, #tpu.memory_space<hbm>>
      %dma_wait3A_388 = arith.constant 0 : i32
      %dma_wait3A_389 = tpu.memref_slice %arg3[%dma_wait3A_388] : memref<128xi32, #tpu.memory_space<hbm>> -> memref<16xi32, #tpu.memory_space<hbm>>
      tpu.wait_dma2 semaphore(%run_scoped3A : memref<!tpu.dma_semaphore, #tpu.memory_space<semaphore_mem>>) src(%dma_wait3A_389 : memref<16xi32, #tpu.memory_space<hbm>>) dst(%arg10 : memref<16xi32, #tpu.memory_space<vmem>>)
      tpu.yield
    }) : () -> ()
    %get3A = arith.constant 0 : index
    %get3A_3 = tpu.vector_load %arg10[%get3A] {strides = array<i32>} : memref<16xi32, #tpu.memory_space<vmem>>, vector<16xi32>,
    %add3A_4 = arith.constant 255 : i32
    %add3A_5 = vector.broadcast %add3A_4 : i32 to vector<16xi32>
    %add3A_6 = arith.addi %get3A_3, %add3A_5 : vector<16xi32>
    %shift_right_arithmetic3A = arith.constant 8 : i32
    %shift_right_arithmetic3A_7 = vector.broadcast %shift_right_arithmetic3A : i32 to vector<16xi32>
    %shift_right_arithmetic3A_8 = arith.shrsi %add3A_6, %shift_right_arithmetic3A_7 : vector<16xi32>
    %shift_left3A = arith.constant 8 : i32
    %shift_left3A_9 = vector.broadcast %shift_left3A : i32 to vector<16xi32>
    %shift_left3A_10 = arith.shli %shift_right_arithmetic3A_8, %shift_left3A_9 : vector<16xi32>
    %iota3A = tpu.iota {dimensions = array<i32: 0>} : vector<16xi32>
    %broadcast_in_dim3A = arith.constant 0 : i32
    %broadcast_in_dim3A_11 = vector.broadcast %broadcast_in_dim3A : i32 to vector<16xi32>
    %sub3A = arith.constant 1 : i32
    %sub3A_12 = vector.broadcast %sub3A : i32 to vector<16xi32>
    %sub3A_13 = arith.subi %iota3A, %sub3A_12 : vector<16xi32>
    %max3A = arith.constant 0 : i32
    %max3A_14 = vector.broadcast %max3A : i32 to vector<16xi32>
    %max3A_15 = arith.maxsi %sub3A_13, %max3A_14 : vector<16xi32>
    %reshape3A = vector.shape_cast %max3A_15 : vector<16xi32> to vector<16x1xi32>
    %gather3A = vector.shape_cast %reshape3A : vector<16x1xi32> to vector<16xi32>
    %gather3A_16 = tpu.dynamic_gather %shift_left3A_10[%gather3A] in [0] : vector<16xi32>, vector<16xi32> -> vector<16xi32>
    %ge3A = arith.constant 1 : i32
    %ge3A_17 = vector.broadcast %ge3A : i32 to vector<16xi32>
    %ge3A_18 = arith.cmpi sge, %iota3A, %ge3A_17 : vector<16xi32>
    %broadcast_in_dim3A_19 = arith.constant 0 : i32
    %broadcast_in_dim3A_20 = vector.broadcast %broadcast_in_dim3A_19 : i32 to vector<16xi32>
    %select_n3A = arith.select %ge3A_18, %gather3A_16, %broadcast_in_dim3A_20 : vector<16xi1>, vector<16xi32>
    %add3A_21 = arith.addi %broadcast_in_dim3A_11, %select_n3A : vector<16xi32>
    %sub3A_22 = arith.constant 2 : i32
    %sub3A_23 = vector.broadcast %sub3A_22 : i32 to vector<16xi32>
    %sub3A_24 = arith.subi %iota3A, %sub3A_23 : vector<16xi32>
    %max3A_25 = arith.constant 0 : i32
    %max3A_26 = vector.broadcast %max3A_25 : i32 to vector<16xi32>
    %max3A_27 = arith.maxsi %sub3A_24, %max3A_26 : vector<16xi32>
    %reshape3A_28 = vector.shape_cast %max3A_27 : vector<16xi32> to vector<16x1xi32>
    %gather3A_29 = vector.shape_cast %reshape3A_28 : vector<16x1xi32> to vector<16xi32>
    %gather3A_30 = tpu.dynamic_gather %shift_left3A_10[%gather3A_29] in [0] : vector<16xi32>, vector<16xi32> -> vector<16xi32>
    %ge3A_31 = arith.constant 2 : i32
    %ge3A_32 = vector.broadcast %ge3A_31 : i32 to vector<16xi32>
    %ge3A_33 = arith.cmpi sge, %iota3A, %ge3A_32 : vector<16xi32>
    %broadcast_in_dim3A_34 = arith.constant 0 : i32
    %broadcast_in_dim3A_35 = vector.broadcast %broadcast_in_dim3A_34 : i32 to vector<16xi32>
    %select_n3A_36 = arith.select %ge3A_33, %gather3A_30, %broadcast_in_dim3A_35 : vector<16xi1>, vector<16xi32>
    %add3A_37 = arith.addi %add3A_21, %select_n3A_36 : vector<16xi32>
    %sub3A_38 = arith.constant 3 : i32
    %sub3A_39 = vector.broadcast %sub3A_38 : i32 to vector<16xi32>
    %sub3A_40 = arith.subi %iota3A, %sub3A_39 : vector<16xi32>
    %max3A_41 = arith.constant 0 : i32
    %max3A_42 = vector.broadcast %max3A_41 : i32 to vector<16xi32>
    %max3A_43 = arith.maxsi %sub3A_40, %max3A_42 : vector<16xi32>
    %reshape3A_44 = vector.shape_cast %max3A_43 : vector<16xi32> to vector<16x1xi32>
    %gather3A_45 = vector.shape_cast %reshape3A_44 : vector<16x1xi32> to vector<16xi32>
    %gather3A_46 = tpu.dynamic_gather %shift_left3A_10[%gather3A_45] in [0] : vector<16xi32>, vector<16xi32> -> vector<16xi32>
    %ge3A_47 = arith.constant 3 : i32
    %ge3A_48 = vector.broadcast %ge3A_47 : i32 to vector<16xi32>
    %ge3A_49 = arith.cmpi sge, %iota3A, %ge3A_48 : vector<16xi32>
    %broadcast_in_dim3A_50 = arith.constant 0 : i32
    %broadcast_in_dim3A_51 = vector.broadcast %broadcast_in_dim3A_50 : i32 to vector<16xi32>
    %select_n3A_52 = arith.select %ge3A_49, %gather3A_46, %broadcast_in_dim3A_51 : vector<16xi1>, vector<16xi32>
    %add3A_53 = arith.addi %add3A_37, %select_n3A_52 : vector<16xi32>
    %sub3A_54 = arith.constant 4 : i32
    %sub3A_55 = vector.broadcast %sub3A_54 : i32 to vector<16xi32>
    %sub3A_56 = arith.subi %iota3A, %sub3A_55 : vector<16xi32>
    %max3A_57 = arith.constant 0 : i32
    %max3A_58 = vector.broadcast %max3A_57 : i32 to vector<16xi32>
    %max3A_59 = arith.maxsi %sub3A_56, %max3A_58 : vector<16xi32>
    %reshape3A_60 = vector.shape_cast %max3A_59 : vector<16xi32> to vector<16x1xi32>
    %gather3A_61 = vector.shape_cast %reshape3A_60 : vector<16x1xi32> to vector<16xi32>
    %gather3A_62 = tpu.dynamic_gather %shift_left3A_10[%gather3A_61] in [0] : vector<16xi32>, vector<16xi32> -> vector<16xi32>
    %ge3A_63 = arith.constant 4 : i32
    %ge3A_64 = vector.broadcast %ge3A_63 : i32 to vector<16xi32>
    %ge3A_65 = arith.cmpi sge, %iota3A, %ge3A_64 : vector<16xi32>
    %broadcast_in_dim3A_66 = arith.constant 0 : i32
    %broadcast_in_dim3A_67 = vector.broadcast %broadcast_in_dim3A_66 : i32 to vector<16xi32>
    %select_n3A_68 = arith.select %ge3A_65, %gather3A_62, %broadcast_in_dim3A_67 : vector<16xi1>, vector<16xi32>
    %add3A_69 = arith.addi %add3A_53, %select_n3A_68 : vector<16xi32>
    %sub3A_70 = arith.constant 5 : i32
    %sub3A_71 = vector.broadcast %sub3A_70 : i32 to vector<16xi32>
    %sub3A_72 = arith.subi %iota3A, %sub3A_71 : vector<16xi32>
    %max3A_73 = arith.constant 0 : i32
    %max3A_74 = vector.broadcast %max3A_73 : i32 to vector<16xi32>
    %max3A_75 = arith.maxsi %sub3A_72, %max3A_74 : vector<16xi32>
    %reshape3A_76 = vector.shape_cast %max3A_75 : vector<16xi32> to vector<16x1xi32>
    %gather3A_77 = vector.shape_cast %reshape3A_76 : vector<16x1xi32> to vector<16xi32>
    %gather3A_78 = tpu.dynamic_gather %shift_left3A_10[%gather3A_77] in [0] : vector<16xi32>, vector<16xi32> -> vector<16xi32>
    %ge3A_79 = arith.constant 5 : i32
    %ge3A_80 = vector.broadcast %ge3A_79 : i32 to vector<16xi32>
    %ge3A_81 = arith.cmpi sge, %iota3A, %ge3A_80 : vector<16xi32>
    %broadcast_in_dim3A_82 = arith.constant 0 : i32
    %broadcast_in_dim3A_83 = vector.broadcast %broadcast_in_dim3A_82 : i32 to vector<16xi32>
    %select_n3A_84 = arith.select %ge3A_81, %gather3A_78, %broadcast_in_dim3A_83 : vector<16xi1>, vector<16xi32>
    %add3A_85 = arith.addi %add3A_69, %select_n3A_84 : vector<16xi32>
    %sub3A_86 = arith.constant 6 : i32
    %sub3A_87 = vector.broadcast %sub3A_86 : i32 to vector<16xi32>
    %sub3A_88 = arith.subi %iota3A, %sub3A_87 : vector<16xi32>
    %max3A_89 = arith.constant 0 : i32
    %max3A_90 = vector.broadcast %max3A_89 : i32 to vector<16xi32>
    %max3A_91 = arith.maxsi %sub3A_88, %max3A_90 : vector<16xi32>
    %reshape3A_92 = vector.shape_cast %max3A_91 : vector<16xi32> to vector<16x1xi32>
    %gather3A_93 = vector.shape_cast %reshape3A_92 : vector<16x1xi32> to vector<16xi32>
    %gather3A_94 = tpu.dynamic_gather %shift_left3A_10[%gather3A_93] in [0] : vector<16xi32>, vector<16xi32> -> vector<16xi32>
    %ge3A_95 = arith.constant 6 : i32
    %ge3A_96 = vector.broadcast %ge3A_95 : i32 to vector<16xi32>
    %ge3A_97 = arith.cmpi sge, %iota3A, %ge3A_96 : vector<16xi32>
    %broadcast_in_dim3A_98 = arith.constant 0 : i32
    %broadcast_in_dim3A_99 = vector.broadcast %broadcast_in_dim3A_98 : i32 to vector<16xi32>
    %select_n3A_100 = arith.select %ge3A_97, %gather3A_94, %broadcast_in_dim3A_99 : vector<16xi1>, vector<16xi32>
    %add3A_101 = arith.addi %add3A_85, %select_n3A_100 : vector<16xi32>
    %sub3A_102 = arith.constant 7 : i32
    %sub3A_103 = vector.broadcast %sub3A_102 : i32 to vector<16xi32>
    %sub3A_104 = arith.subi %iota3A, %sub3A_103 : vector<16xi32>
    %max3A_105 = arith.constant 0 : i32
    %max3A_106 = vector.broadcast %max3A_105 : i32 to vector<16xi32>
    %max3A_107 = arith.maxsi %sub3A_104, %max3A_106 : vector<16xi32>
    %reshape3A_108 = vector.shape_cast %max3A_107 : vector<16xi32> to vector<16x1xi32>
    %gather3A_109 = vector.shape_cast %reshape3A_108 : vector<16x1xi32> to vector<16xi32>
    %gather3A_110 = tpu.dynamic_gather %shift_left3A_10[%gather3A_109] in [0] : vector<16xi32>, vector<16xi32> -> vector<16xi32>
    %ge3A_111 = arith.constant 7 : i32
    %ge3A_112 = vector.broadcast %ge3A_111 : i32 to vector<16xi32>
    %ge3A_113 = arith.cmpi sge, %iota3A, %ge3A_112 : vector<16xi32>
    %broadcast_in_dim3A_114 = arith.constant 0 : i32
    %broadcast_in_dim3A_115 = vector.broadcast %broadcast_in_dim3A_114 : i32 to vector<16xi32>
    %select_n3A_116 = arith.select %ge3A_113, %gather3A_110, %broadcast_in_dim3A_115 : vector<16xi1>, vector<16xi32>
    %add3A_117 = arith.addi %add3A_101, %select_n3A_116 : vector<16xi32>
    %sub3A_118 = arith.constant 8 : i32
    %sub3A_119 = vector.broadcast %sub3A_118 : i32 to vector<16xi32>
    %sub3A_120 = arith.subi %iota3A, %sub3A_119 : vector<16xi32>
    %max3A_121 = arith.constant 0 : i32
    %max3A_122 = vector.broadcast %max3A_121 : i32 to vector<16xi32>
    %max3A_123 = arith.maxsi %sub3A_120, %max3A_122 : vector<16xi32>
    %reshape3A_124 = vector.shape_cast %max3A_123 : vector<16xi32> to vector<16x1xi32>
    %gather3A_125 = vector.shape_cast %reshape3A_124 : vector<16x1xi32> to vector<16xi32>
    %gather3A_126 = tpu.dynamic_gather %shift_left3A_10[%gather3A_125] in [0] : vector<16xi32>, vector<16xi32> -> vector<16xi32>
    %ge3A_127 = arith.constant 8 : i32
    %ge3A_128 = vector.broadcast %ge3A_127 : i32 to vector<16xi32>
    %ge3A_129 = arith.cmpi sge, %iota3A, %ge3A_128 : vector<16xi32>
    %broadcast_in_dim3A_130 = arith.constant 0 : i32
    %broadcast_in_dim3A_131 = vector.broadcast %broadcast_in_dim3A_130 : i32 to vector<16xi32>
    %select_n3A_132 = arith.select %ge3A_129, %gather3A_126, %broadcast_in_dim3A_131 : vector<16xi1>, vector<16xi32>
    %add3A_133 = arith.addi %add3A_117, %select_n3A_132 : vector<16xi32>
    %swap3A = arith.constant 0 : index
    %swap3A_134 = tpu.vector_load %arg11[%swap3A] {strides = array<i32>} : memref<16xi32, #tpu.memory_space<vmem>>, vector<16xi32>,
    tpu.vector_store %arg11[%swap3A], %add3A_133 {strides = array<i32>} : memref<16xi32, #tpu.memory_space<vmem>>, vector<16xi32>,
    %get3A_135 = arith.constant 0 : index
    %get3A_136 = tpu.vector_load %arg11[%get3A_135] {strides = array<i32>} : memref<16xi32, #tpu.memory_space<vmem>>, vector<16xi32>,
    %shift_right_arithmetic3A_137 = arith.constant 8 : i32
    %shift_right_arithmetic3A_138 = vector.broadcast %shift_right_arithmetic3A_137 : i32 to vector<16xi32>
    %shift_right_arithmetic3A_139 = arith.shrsi %get3A_136, %shift_right_arithmetic3A_138 : vector<16xi32>
    %eq3A = arith.constant 0 : i32
    %eq3A_140 = arith.cmpi eq, %add3A, %eq3A : i32
    %convert_element_type3A = arith.extui %eq3A_140 : i1 to i32
    %cond3A = arith.constant 0 : i32
    %cond3A_141 = arith.cmpi ne, %convert_element_type3A, %cond3A : i32
    scf.if %cond3A_141 {
      %iota3A_382 = tpu.iota {dimensions = array<i32: 0>} : vector<16xi32>
      %slice3A = vector.extract_strided_slice %shift_right_arithmetic3A_139 {offsets = [8], sizes = [1], strides = [1]} : vector<16xi32> to vector<1xi32>
      %squeeze3A = vector.extract %slice3A[0] : i32 from vector<1xi32>
      %broadcast_in_dim3A_383 = vector.broadcast %squeeze3A : i32 to vector<16xi32>
      %add3A_384 = arith.constant 0 : i32
      %add3A_385 = vector.broadcast %add3A_384 : i32 to vector<16xi32>
      %add3A_386 = arith.addi %iota3A_382, %add3A_385 : vector<16xi32>
      %broadcast_in_dim3A_387 = arith.constant -1 : i32
      %broadcast_in_dim3A_388 = vector.broadcast %broadcast_in_dim3A_387 : i32 to vector<16xi32>
      %slice3A_389 = vector.extract_strided_slice %shift_right_arithmetic3A_139 {offsets = [0], sizes = [1], strides = [1]} : vector<16xi32> to vector<1xi32>
      %squeeze3A_390 = vector.extract %slice3A_389[0] : i32 from vector<1xi32>
      %broadcast_in_dim3A_391 = vector.broadcast %squeeze3A_390 : i32 to vector<16xi32>
      %ge3A_392 = arith.cmpi sge, %add3A_386, %broadcast_in_dim3A_391 : vector<16xi32>
      %jit3A = arith.constant 1 : i32
      %jit3A_393 = arith.constant 0 : i32
      %broadcast_in_dim3A_394 = vector.broadcast %jit3A : i32 to vector<16xi32>
      %broadcast_in_dim3A_395 = vector.broadcast %jit3A_393 : i32 to vector<16xi32>
      %select_n3A_396 = arith.select %ge3A_392, %broadcast_in_dim3A_394, %broadcast_in_dim3A_395 : vector<16xi1>, vector<16xi32>
      %add3A_397 = arith.addi %broadcast_in_dim3A_388, %select_n3A_396 : vector<16xi32>
      %slice3A_398 = vector.extract_strided_slice %shift_right_arithmetic3A_139 {offsets = [1], sizes = [1], strides = [1]} : vector<16xi32> to vector<1xi32>
      %squeeze3A_399 = vector.extract %slice3A_398[0] : i32 from vector<1xi32>
      %broadcast_in_dim3A_400 = vector.broadcast %squeeze3A_399 : i32 to vector<16xi32>
      %ge3A_401 = arith.cmpi sge, %add3A_386, %broadcast_in_dim3A_400 : vector<16xi32>
      %jit3A_402 = arith.constant 1 : i32
      %jit3A_403 = arith.constant 0 : i32
      %broadcast_in_dim3A_404 = vector.broadcast %jit3A_402 : i32 to vector<16xi32>
      %broadcast_in_dim3A_405 = vector.broadcast %jit3A_403 : i32 to vector<16xi32>
      %select_n3A_406 = arith.select %ge3A_401, %broadcast_in_dim3A_404, %broadcast_in_dim3A_405 : vector<16xi1>, vector<16xi32>
      %add3A_407 = arith.addi %add3A_397, %select_n3A_406 : vector<16xi32>
      %slice3A_408 = vector.extract_strided_slice %shift_right_arithmetic3A_139 {offsets = [2], sizes = [1], strides = [1]} : vector<16xi32> to vector<1xi32>
      %squeeze3A_409 = vector.extract %slice3A_408[0] : i32 from vector<1xi32>
      %broadcast_in_dim3A_410 = vector.broadcast %squeeze3A_409 : i32 to vector<16xi32>
      %ge3A_411 = arith.cmpi sge, %add3A_386, %broadcast_in_dim3A_410 : vector<16xi32>
      %jit3A_412 = arith.constant 1 : i32
      %jit3A_413 = arith.constant 0 : i32
      %broadcast_in_dim3A_414 = vector.broadcast %jit3A_412 : i32 to vector<16xi32>
      %broadcast_in_dim3A_415 = vector.broadcast %jit3A_413 : i32 to vector<16xi32>
      %select_n3A_416 = arith.select %ge3A_411, %broadcast_in_dim3A_414, %broadcast_in_dim3A_415 : vector<16xi1>, vector<16xi32>
      %add3A_417 = arith.addi %add3A_407, %select_n3A_416 : vector<16xi32>
      %slice3A_418 = vector.extract_strided_slice %shift_right_arithmetic3A_139 {offsets = [3], sizes = [1], strides = [1]} : vector<16xi32> to vector<1xi32>
      %squeeze3A_419 = vector.extract %slice3A_418[0] : i32 from vector<1xi32>
      %broadcast_in_dim3A_420 = vector.broadcast %squeeze3A_419 : i32 to vector<16xi32>
      %ge3A_421 = arith.cmpi sge, %add3A_386, %broadcast_in_dim3A_420 : vector<16xi32>
      %jit3A_422 = arith.constant 1 : i32
      %jit3A_423 = arith.constant 0 : i32
      %broadcast_in_dim3A_424 = vector.broadcast %jit3A_422 : i32 to vector<16xi32>
      %broadcast_in_dim3A_425 = vector.broadcast %jit3A_423 : i32 to vector<16xi32>
      %select_n3A_426 = arith.select %ge3A_421, %broadcast_in_dim3A_424, %broadcast_in_dim3A_425 : vector<16xi1>, vector<16xi32>
      %add3A_427 = arith.addi %add3A_417, %select_n3A_426 : vector<16xi32>
      %slice3A_428 = vector.extract_strided_slice %shift_right_arithmetic3A_139 {offsets = [4], sizes = [1], strides = [1]} : vector<16xi32> to vector<1xi32>
      %squeeze3A_429 = vector.extract %slice3A_428[0] : i32 from vector<1xi32>
      %broadcast_in_dim3A_430 = vector.broadcast %squeeze3A_429 : i32 to vector<16xi32>
      %ge3A_431 = arith.cmpi sge, %add3A_386, %broadcast_in_dim3A_430 : vector<16xi32>
      %jit3A_432 = arith.constant 1 : i32
      %jit3A_433 = arith.constant 0 : i32
      %broadcast_in_dim3A_434 = vector.broadcast %jit3A_432 : i32 to vector<16xi32>
      %broadcast_in_dim3A_435 = vector.broadcast %jit3A_433 : i32 to vector<16xi32>
      %select_n3A_436 = arith.select %ge3A_431, %broadcast_in_dim3A_434, %broadcast_in_dim3A_435 : vector<16xi1>, vector<16xi32>
      %add3A_437 = arith.addi %add3A_427, %select_n3A_436 : vector<16xi32>
      %slice3A_438 = vector.extract_strided_slice %shift_right_arithmetic3A_139 {offsets = [5], sizes = [1], strides = [1]} : vector<16xi32> to vector<1xi32>
      %squeeze3A_439 = vector.extract %slice3A_438[0] : i32 from vector<1xi32>
      %broadcast_in_dim3A_440 = vector.broadcast %squeeze3A_439 : i32 to vector<16xi32>
      %ge3A_441 = arith.cmpi sge, %add3A_386, %broadcast_in_dim3A_440 : vector<16xi32>
      %jit3A_442 = arith.constant 1 : i32
      %jit3A_443 = arith.constant 0 : i32
      %broadcast_in_dim3A_444 = vector.broadcast %jit3A_442 : i32 to vector<16xi32>
      %broadcast_in_dim3A_445 = vector.broadcast %jit3A_443 : i32 to vector<16xi32>
      %select_n3A_446 = arith.select %ge3A_441, %broadcast_in_dim3A_444, %broadcast_in_dim3A_445 : vector<16xi1>, vector<16xi32>
      %add3A_447 = arith.addi %add3A_437, %select_n3A_446 : vector<16xi32>
      %slice3A_448 = vector.extract_strided_slice %shift_right_arithmetic3A_139 {offsets = [6], sizes = [1], strides = [1]} : vector<16xi32> to vector<1xi32>
      %squeeze3A_449 = vector.extract %slice3A_448[0] : i32 from vector<1xi32>
      %broadcast_in_dim3A_450 = vector.broadcast %squeeze3A_449 : i32 to vector<16xi32>
      %ge3A_451 = arith.cmpi sge, %add3A_386, %broadcast_in_dim3A_450 : vector<16xi32>
      %jit3A_452 = arith.constant 1 : i32
      %jit3A_453 = arith.constant 0 : i32
      %broadcast_in_dim3A_454 = vector.broadcast %jit3A_452 : i32 to vector<16xi32>
      %broadcast_in_dim3A_455 = vector.broadcast %jit3A_453 : i32 to vector<16xi32>
      %select_n3A_456 = arith.select %ge3A_451, %broadcast_in_dim3A_454, %broadcast_in_dim3A_455 : vector<16xi1>, vector<16xi32>
      %add3A_457 = arith.addi %add3A_447, %select_n3A_456 : vector<16xi32>
      %slice3A_458 = vector.extract_strided_slice %shift_right_arithmetic3A_139 {offsets = [7], sizes = [1], strides = [1]} : vector<16xi32> to vector<1xi32>
      %squeeze3A_459 = vector.extract %slice3A_458[0] : i32 from vector<1xi32>
      %broadcast_in_dim3A_460 = vector.broadcast %squeeze3A_459 : i32 to vector<16xi32>
      %ge3A_461 = arith.cmpi sge, %add3A_386, %broadcast_in_dim3A_460 : vector<16xi32>
      %jit3A_462 = arith.constant 1 : i32
      %jit3A_463 = arith.constant 0 : i32
      %broadcast_in_dim3A_464 = vector.broadcast %jit3A_462 : i32 to vector<16xi32>
      %broadcast_in_dim3A_465 = vector.broadcast %jit3A_463 : i32 to vector<16xi32>
      %select_n3A_466 = arith.select %ge3A_461, %broadcast_in_dim3A_464, %broadcast_in_dim3A_465 : vector<16xi1>, vector<16xi32>
      %add3A_467 = arith.addi %add3A_457, %select_n3A_466 : vector<16xi32>
      %swap3A_468 = arith.constant 0 : i32
      %swap3A_469 = arith.index_cast %swap3A_468 : i32 to index
      %swap3A_470 = arith.constant 0 : index
      %swap3A_471 = tpu.vector_load %arg16[%swap3A_469, %swap3A_470] {strides = array<i32>} : memref<5x32xi32, #tpu.memory_space<vmem>>, vector<16xi32>,
      tpu.vector_store %arg16[%swap3A_469, %swap3A_470], %add3A_467 {strides = array<i32>} : memref<5x32xi32, #tpu.memory_space<vmem>>, vector<16xi32>,
      %broadcast_in_dim3A_472 = arith.constant 8 : i32
      %broadcast_in_dim3A_473 = vector.broadcast %broadcast_in_dim3A_472 : i32 to vector<16xi32>
      %broadcast_in_dim3A_474 = arith.constant 0 : i32
      %broadcast_in_dim3A_475 = vector.broadcast %broadcast_in_dim3A_474 : i32 to vector<16xi32>
      %slice3A_476 = vector.extract_strided_slice %shift_left3A_10 {offsets = [0], sizes = [1], strides = [1]} : vector<16xi32> to vector<1xi32>
      %squeeze3A_477 = vector.extract %slice3A_476[0] : i32 from vector<1xi32>
      %broadcast_in_dim3A_478 = vector.broadcast %squeeze3A_477 : i32 to vector<16xi32>
      %gt3A = arith.constant 0 : i32
      %gt3A_479 = vector.broadcast %gt3A : i32 to vector<16xi32>
      %gt3A_480 = arith.cmpi sgt, %broadcast_in_dim3A_478, %gt3A_479 : vector<16xi32>
      %lt3A = arith.constant 0 : i32
      %lt3A_481 = vector.broadcast %lt3A : i32 to vector<16xi32>
      %lt3A_482 = arith.cmpi slt, %add3A_467, %lt3A_481 : vector<16xi32>
      %and3A = arith.andi %gt3A_480, %lt3A_482 : vector<16xi1>
      %broadcast_in_dim3A_483 = arith.constant 0 : i32
      %broadcast_in_dim3A_484 = vector.broadcast %broadcast_in_dim3A_483 : i32 to vector<16xi32>
      %broadcast_in_dim3A_485 = arith.constant 8 : i32
      %broadcast_in_dim3A_486 = vector.broadcast %broadcast_in_dim3A_485 : i32 to vector<16xi32>
      %select_n3A_487 = arith.select %and3A, %broadcast_in_dim3A_484, %broadcast_in_dim3A_486 : vector<16xi1>, vector<16xi32>
      %min3A = arith.minsi %broadcast_in_dim3A_473, %select_n3A_487 : vector<16xi32>
      %gt3A_488 = arith.constant 0 : i32
      %gt3A_489 = vector.broadcast %gt3A_488 : i32 to vector<16xi32>
      %gt3A_490 = arith.cmpi sgt, %add3A_467, %gt3A_489 : vector<16xi32>
      %and3A_491 = arith.andi %gt3A_480, %gt3A_490 : vector<16xi1>
      %jit3A_492 = arith.constant 1 : i32
      %jit3A_493 = arith.constant 0 : i32
      %broadcast_in_dim3A_494 = vector.broadcast %jit3A_492 : i32 to vector<16xi32>
      %broadcast_in_dim3A_495 = vector.broadcast %jit3A_493 : i32 to vector<16xi32>
      %select_n3A_496 = arith.select %and3A_491, %broadcast_in_dim3A_494, %broadcast_in_dim3A_495 : vector<16xi1>, vector<16xi32>
      %add3A_497 = arith.addi %broadcast_in_dim3A_475, %select_n3A_496 : vector<16xi32>
      %slice3A_498 = vector.extract_strided_slice %shift_left3A_10 {offsets = [1], sizes = [1], strides = [1]} : vector<16xi32> to vector<1xi32>
      %squeeze3A_499 = vector.extract %slice3A_498[0] : i32 from vector<1xi32>
      %broadcast_in_dim3A_500 = vector.broadcast %squeeze3A_499 : i32 to vector<16xi32>
      %gt3A_501 = arith.constant 0 : i32
      %gt3A_502 = vector.broadcast %gt3A_501 : i32 to vector<16xi32>
      %gt3A_503 = arith.cmpi sgt, %broadcast_in_dim3A_500, %gt3A_502 : vector<16xi32>
      %lt3A_504 = arith.constant 1 : i32
      %lt3A_505 = vector.broadcast %lt3A_504 : i32 to vector<16xi32>
      %lt3A_506 = arith.cmpi slt, %add3A_467, %lt3A_505 : vector<16xi32>
      %and3A_507 = arith.andi %gt3A_503, %lt3A_506 : vector<16xi1>
      %broadcast_in_dim3A_508 = arith.constant 1 : i32
      %broadcast_in_dim3A_509 = vector.broadcast %broadcast_in_dim3A_508 : i32 to vector<16xi32>
      %broadcast_in_dim3A_510 = arith.constant 8 : i32
      %broadcast_in_dim3A_511 = vector.broadcast %broadcast_in_dim3A_510 : i32 to vector<16xi32>
      %select_n3A_512 = arith.select %and3A_507, %broadcast_in_dim3A_509, %broadcast_in_dim3A_511 : vector<16xi1>, vector<16xi32>
      %min3A_513 = arith.minsi %min3A, %select_n3A_512 : vector<16xi32>
      %gt3A_514 = arith.constant 1 : i32
      %gt3A_515 = vector.broadcast %gt3A_514 : i32 to vector<16xi32>
      %gt3A_516 = arith.cmpi sgt, %add3A_467, %gt3A_515 : vector<16xi32>
      %and3A_517 = arith.andi %gt3A_503, %gt3A_516 : vector<16xi1>
      %jit3A_518 = arith.constant 1 : i32
      %jit3A_519 = arith.constant 0 : i32
      %broadcast_in_dim3A_520 = vector.broadcast %jit3A_518 : i32 to vector<16xi32>
      %broadcast_in_dim3A_521 = vector.broadcast %jit3A_519 : i32 to vector<16xi32>
      %select_n3A_522 = arith.select %and3A_517, %broadcast_in_dim3A_520, %broadcast_in_dim3A_521 : vector<16xi1>, vector<16xi32>
      %add3A_523 = arith.addi %add3A_497, %select_n3A_522 : vector<16xi32>
      %slice3A_524 = vector.extract_strided_slice %shift_left3A_10 {offsets = [2], sizes = [1], strides = [1]} : vector<16xi32> to vector<1xi32>
      %squeeze3A_525 = vector.extract %slice3A_524[0] : i32 from vector<1xi32>
      %broadcast_in_dim3A_526 = vector.broadcast %squeeze3A_525 : i32 to vector<16xi32>
      %gt3A_527 = arith.constant 0 : i32
      %gt3A_528 = vector.broadcast %gt3A_527 : i32 to vector<16xi32>
      %gt3A_529 = arith.cmpi sgt, %broadcast_in_dim3A_526, %gt3A_528 : vector<16xi32>
      %lt3A_530 = arith.constant 2 : i32
      %lt3A_531 = vector.broadcast %lt3A_530 : i32 to vector<16xi32>
      %lt3A_532 = arith.cmpi slt, %add3A_467, %lt3A_531 : vector<16xi32>
      %and3A_533 = arith.andi %gt3A_529, %lt3A_532 : vector<16xi1>
      %broadcast_in_dim3A_534 = arith.constant 2 : i32
      %broadcast_in_dim3A_535 = vector.broadcast %broadcast_in_dim3A_534 : i32 to vector<16xi32>
      %broadcast_in_dim3A_536 = arith.constant 8 : i32
      %broadcast_in_dim3A_537 = vector.broadcast %broadcast_in_dim3A_536 : i32 to vector<16xi32>
      %select_n3A_538 = arith.select %and3A_533, %broadcast_in_dim3A_535, %broadcast_in_dim3A_537 : vector<16xi1>, vector<16xi32>
      %min3A_539 = arith.minsi %min3A_513, %select_n3A_538 : vector<16xi32>
      %gt3A_540 = arith.constant 2 : i32
      %gt3A_541 = vector.broadcast %gt3A_540 : i32 to vector<16xi32>
      %gt3A_542 = arith.cmpi sgt, %add3A_467, %gt3A_541 : vector<16xi32>
      %and3A_543 = arith.andi %gt3A_529, %gt3A_542 : vector<16xi1>
      %jit3A_544 = arith.constant 1 : i32
      %jit3A_545 = arith.constant 0 : i32
      %broadcast_in_dim3A_546 = vector.broadcast %jit3A_544 : i32 to vector<16xi32>
      %broadcast_in_dim3A_547 = vector.broadcast %jit3A_545 : i32 to vector<16xi32>
      %select_n3A_548 = arith.select %and3A_543, %broadcast_in_dim3A_546, %broadcast_in_dim3A_547 : vector<16xi1>, vector<16xi32>
      %add3A_549 = arith.addi %add3A_523, %select_n3A_548 : vector<16xi32>
      %slice3A_550 = vector.extract_strided_slice %shift_left3A_10 {offsets = [3], sizes = [1], strides = [1]} : vector<16xi32> to vector<1xi32>
      %squeeze3A_551 = vector.extract %slice3A_550[0] : i32 from vector<1xi32>
      %broadcast_in_dim3A_552 = vector.broadcast %squeeze3A_551 : i32 to vector<16xi32>
      %gt3A_553 = arith.constant 0 : i32
      %gt3A_554 = vector.broadcast %gt3A_553 : i32 to vector<16xi32>
      %gt3A_555 = arith.cmpi sgt, %broadcast_in_dim3A_552, %gt3A_554 : vector<16xi32>
      %lt3A_556 = arith.constant 3 : i32
      %lt3A_557 = vector.broadcast %lt3A_556 : i32 to vector<16xi32>
      %lt3A_558 = arith.cmpi slt, %add3A_467, %lt3A_557 : vector<16xi32>
      %and3A_559 = arith.andi %gt3A_555, %lt3A_558 : vector<16xi1>
      %broadcast_in_dim3A_560 = arith.constant 3 : i32
      %broadcast_in_dim3A_561 = vector.broadcast %broadcast_in_dim3A_560 : i32 to vector<16xi32>
      %broadcast_in_dim3A_562 = arith.constant 8 : i32
      %broadcast_in_dim3A_563 = vector.broadcast %broadcast_in_dim3A_562 : i32 to vector<16xi32>
      %select_n3A_564 = arith.select %and3A_559, %broadcast_in_dim3A_561, %broadcast_in_dim3A_563 : vector<16xi1>, vector<16xi32>
      %min3A_565 = arith.minsi %min3A_539, %select_n3A_564 : vector<16xi32>
      %gt3A_566 = arith.constant 3 : i32
      %gt3A_567 = vector.broadcast %gt3A_566 : i32 to vector<16xi32>
      %gt3A_568 = arith.cmpi sgt, %add3A_467, %gt3A_567 : vector<16xi32>
      %and3A_569 = arith.andi %gt3A_555, %gt3A_568 : vector<16xi1>
      %jit3A_570 = arith.constant 1 : i32
      %jit3A_571 = arith.constant 0 : i32
      %broadcast_in_dim3A_572 = vector.broadcast %jit3A_570 : i32 to vector<16xi32>
      %broadcast_in_dim3A_573 = vector.broadcast %jit3A_571 : i32 to vector<16xi32>
      %select_n3A_574 = arith.select %and3A_569, %broadcast_in_dim3A_572, %broadcast_in_dim3A_573 : vector<16xi1>, vector<16xi32>
      %add3A_575 = arith.addi %add3A_549, %select_n3A_574 : vector<16xi32>
      %slice3A_576 = vector.extract_strided_slice %shift_left3A_10 {offsets = [4], sizes = [1], strides = [1]} : vector<16xi32> to vector<1xi32>
      %squeeze3A_577 = vector.extract %slice3A_576[0] : i32 from vector<1xi32>
      %broadcast_in_dim3A_578 = vector.broadcast %squeeze3A_577 : i32 to vector<16xi32>
      %gt3A_579 = arith.constant 0 : i32
      %gt3A_580 = vector.broadcast %gt3A_579 : i32 to vector<16xi32>
      %gt3A_581 = arith.cmpi sgt, %broadcast_in_dim3A_578, %gt3A_580 : vector<16xi32>
      %lt3A_582 = arith.constant 4 : i32
      %lt3A_583 = vector.broadcast %lt3A_582 : i32 to vector<16xi32>
      %lt3A_584 = arith.cmpi slt, %add3A_467, %lt3A_583 : vector<16xi32>
      %and3A_585 = arith.andi %gt3A_581, %lt3A_584 : vector<16xi1>
      %broadcast_in_dim3A_586 = arith.constant 4 : i32
      %broadcast_in_dim3A_587 = vector.broadcast %broadcast_in_dim3A_586 : i32 to vector<16xi32>
      %broadcast_in_dim3A_588 = arith.constant 8 : i32
      %broadcast_in_dim3A_589 = vector.broadcast %broadcast_in_dim3A_588 : i32 to vector<16xi32>
      %select_n3A_590 = arith.select %and3A_585, %broadcast_in_dim3A_587, %broadcast_in_dim3A_589 : vector<16xi1>, vector<16xi32>
      %min3A_591 = arith.minsi %min3A_565, %select_n3A_590 : vector<16xi32>
      %gt3A_592 = arith.constant 4 : i32
      %gt3A_593 = vector.broadcast %gt3A_592 : i32 to vector<16xi32>
      %gt3A_594 = arith.cmpi sgt, %add3A_467, %gt3A_593 : vector<16xi32>
      %and3A_595 = arith.andi %gt3A_581, %gt3A_594 : vector<16xi1>
      %jit3A_596 = arith.constant 1 : i32
      %jit3A_597 = arith.constant 0 : i32
      %broadcast_in_dim3A_598 = vector.broadcast %jit3A_596 : i32 to vector<16xi32>
      %broadcast_in_dim3A_599 = vector.broadcast %jit3A_597 : i32 to vector<16xi32>
      %select_n3A_600 = arith.select %and3A_595, %broadcast_in_dim3A_598, %broadcast_in_dim3A_599 : vector<16xi1>, vector<16xi32>
      %add3A_601 = arith.addi %add3A_575, %select_n3A_600 : vector<16xi32>
      %slice3A_602 = vector.extract_strided_slice %shift_left3A_10 {offsets = [5], sizes = [1], strides = [1]} : vector<16xi32> to vector<1xi32>
      %squeeze3A_603 = vector.extract %slice3A_602[0] : i32 from vector<1xi32>
      %broadcast_in_dim3A_604 = vector.broadcast %squeeze3A_603 : i32 to vector<16xi32>
      %gt3A_605 = arith.constant 0 : i32
      %gt3A_606 = vector.broadcast %gt3A_605 : i32 to vector<16xi32>
      %gt3A_607 = arith.cmpi sgt, %broadcast_in_dim3A_604, %gt3A_606 : vector<16xi32>
      %lt3A_608 = arith.constant 5 : i32
      %lt3A_609 = vector.broadcast %lt3A_608 : i32 to vector<16xi32>
      %lt3A_610 = arith.cmpi slt, %add3A_467, %lt3A_609 : vector<16xi32>
      %and3A_611 = arith.andi %gt3A_607, %lt3A_610 : vector<16xi1>
      %broadcast_in_dim3A_612 = arith.constant 5 : i32
      %broadcast_in_dim3A_613 = vector.broadcast %broadcast_in_dim3A_612 : i32 to vector<16xi32>
      %broadcast_in_dim3A_614 = arith.constant 8 : i32
      %broadcast_in_dim3A_615 = vector.broadcast %broadcast_in_dim3A_614 : i32 to vector<16xi32>
      %select_n3A_616 = arith.select %and3A_611, %broadcast_in_dim3A_613, %broadcast_in_dim3A_615 : vector<16xi1>, vector<16xi32>
      %min3A_617 = arith.minsi %min3A_591, %select_n3A_616 : vector<16xi32>
      %gt3A_618 = arith.constant 5 : i32
      %gt3A_619 = vector.broadcast %gt3A_618 : i32 to vector<16xi32>
      %gt3A_620 = arith.cmpi sgt, %add3A_467, %gt3A_619 : vector<16xi32>
      %and3A_621 = arith.andi %gt3A_607, %gt3A_620 : vector<16xi1>
      %jit3A_622 = arith.constant 1 : i32
      %jit3A_623 = arith.constant 0 : i32
      %broadcast_in_dim3A_624 = vector.broadcast %jit3A_622 : i32 to vector<16xi32>
      %broadcast_in_dim3A_625 = vector.broadcast %jit3A_623 : i32 to vector<16xi32>
      %select_n3A_626 = arith.select %and3A_621, %broadcast_in_dim3A_624, %broadcast_in_dim3A_625 : vector<16xi1>, vector<16xi32>
      %add3A_627 = arith.addi %add3A_601, %select_n3A_626 : vector<16xi32>
      %slice3A_628 = vector.extract_strided_slice %shift_left3A_10 {offsets = [6], sizes = [1], strides = [1]} : vector<16xi32> to vector<1xi32>
      %squeeze3A_629 = vector.extract %slice3A_628[0] : i32 from vector<1xi32>
      %broadcast_in_dim3A_630 = vector.broadcast %squeeze3A_629 : i32 to vector<16xi32>
      %gt3A_631 = arith.constant 0 : i32
      %gt3A_632 = vector.broadcast %gt3A_631 : i32 to vector<16xi32>
      %gt3A_633 = arith.cmpi sgt, %broadcast_in_dim3A_630, %gt3A_632 : vector<16xi32>
      %lt3A_634 = arith.constant 6 : i32
      %lt3A_635 = vector.broadcast %lt3A_634 : i32 to vector<16xi32>
      %lt3A_636 = arith.cmpi slt, %add3A_467, %lt3A_635 : vector<16xi32>
      %and3A_637 = arith.andi %gt3A_633, %lt3A_636 : vector<16xi1>
      %broadcast_in_dim3A_638 = arith.constant 6 : i32
      %broadcast_in_dim3A_639 = vector.broadcast %broadcast_in_dim3A_638 : i32 to vector<16xi32>
      %broadcast_in_dim3A_640 = arith.constant 8 : i32
      %broadcast_in_dim3A_641 = vector.broadcast %broadcast_in_dim3A_640 : i32 to vector<16xi32>
      %select_n3A_642 = arith.select %and3A_637, %broadcast_in_dim3A_639, %broadcast_in_dim3A_641 : vector<16xi1>, vector<16xi32>
      %min3A_643 = arith.minsi %min3A_617, %select_n3A_642 : vector<16xi32>
      %gt3A_644 = arith.constant 6 : i32
      %gt3A_645 = vector.broadcast %gt3A_644 : i32 to vector<16xi32>
      %gt3A_646 = arith.cmpi sgt, %add3A_467, %gt3A_645 : vector<16xi32>
      %and3A_647 = arith.andi %gt3A_633, %gt3A_646 : vector<16xi1>
      %jit3A_648 = arith.constant 1 : i32
      %jit3A_649 = arith.constant 0 : i32
      %broadcast_in_dim3A_650 = vector.broadcast %jit3A_648 : i32 to vector<16xi32>
      %broadcast_in_dim3A_651 = vector.broadcast %jit3A_649 : i32 to vector<16xi32>
      %select_n3A_652 = arith.select %and3A_647, %broadcast_in_dim3A_650, %broadcast_in_dim3A_651 : vector<16xi1>, vector<16xi32>
      %add3A_653 = arith.addi %add3A_627, %select_n3A_652 : vector<16xi32>
      %slice3A_654 = vector.extract_strided_slice %shift_left3A_10 {offsets = [7], sizes = [1], strides = [1]} : vector<16xi32> to vector<1xi32>
      %squeeze3A_655 = vector.extract %slice3A_654[0] : i32 from vector<1xi32>
      %broadcast_in_dim3A_656 = vector.broadcast %squeeze3A_655 : i32 to vector<16xi32>
      %gt3A_657 = arith.constant 0 : i32
      %gt3A_658 = vector.broadcast %gt3A_657 : i32 to vector<16xi32>
      %gt3A_659 = arith.cmpi sgt, %broadcast_in_dim3A_656, %gt3A_658 : vector<16xi32>
      %lt3A_660 = arith.constant 7 : i32
      %lt3A_661 = vector.broadcast %lt3A_660 : i32 to vector<16xi32>
      %lt3A_662 = arith.cmpi slt, %add3A_467, %lt3A_661 : vector<16xi32>
      %and3A_663 = arith.andi %gt3A_659, %lt3A_662 : vector<16xi1>
      %broadcast_in_dim3A_664 = arith.constant 7 : i32
      %broadcast_in_dim3A_665 = vector.broadcast %broadcast_in_dim3A_664 : i32 to vector<16xi32>
      %broadcast_in_dim3A_666 = arith.constant 8 : i32
      %broadcast_in_dim3A_667 = vector.broadcast %broadcast_in_dim3A_666 : i32 to vector<16xi32>
      %select_n3A_668 = arith.select %and3A_663, %broadcast_in_dim3A_665, %broadcast_in_dim3A_667 : vector<16xi1>, vector<16xi32>
      %min3A_669 = arith.minsi %min3A_643, %select_n3A_668 : vector<16xi32>
      %gt3A_670 = arith.constant 7 : i32
      %gt3A_671 = vector.broadcast %gt3A_670 : i32 to vector<16xi32>
      %gt3A_672 = arith.cmpi sgt, %add3A_467, %gt3A_671 : vector<16xi32>
      %and3A_673 = arith.andi %gt3A_659, %gt3A_672 : vector<16xi1>
      %jit3A_674 = arith.constant 1 : i32
      %jit3A_675 = arith.constant 0 : i32
      %broadcast_in_dim3A_676 = vector.broadcast %jit3A_674 : i32 to vector<16xi32>
      %broadcast_in_dim3A_677 = vector.broadcast %jit3A_675 : i32 to vector<16xi32>
      %select_n3A_678 = arith.select %and3A_673, %broadcast_in_dim3A_676, %broadcast_in_dim3A_677 : vector<16xi1>, vector<16xi32>
      %add3A_679 = arith.addi %add3A_653, %select_n3A_678 : vector<16xi32>
      %swap3A_680 = arith.constant 2 : i32
      %swap3A_681 = arith.index_cast %swap3A_680 : i32 to index
      %swap3A_682 = arith.constant 0 : index
      %swap3A_683 = tpu.vector_load %arg16[%swap3A_681, %swap3A_682] {strides = array<i32>} : memref<5x32xi32, #tpu.memory_space<vmem>>, vector<16xi32>,
      tpu.vector_store %arg16[%swap3A_681, %swap3A_682], %min3A_669 {strides = array<i32>} : memref<5x32xi32, #tpu.memory_space<vmem>>, vector<16xi32>,
      %sub3A_684 = arith.constant 1 : i32
      %sub3A_685 = vector.broadcast %sub3A_684 : i32 to vector<16xi32>
      %sub3A_686 = arith.subi %broadcast_in_dim3A_383, %sub3A_685 : vector<16xi32>
      %min3A_687 = arith.minsi %add3A_386, %sub3A_686 : vector<16xi32>
      %swap3A_688 = arith.constant 3 : i32
      %swap3A_689 = arith.index_cast %swap3A_688 : i32 to index
      %swap3A_690 = arith.constant 0 : index
      %swap3A_691 = tpu.vector_load %arg16[%swap3A_689, %swap3A_690] {strides = array<i32>} : memref<5x32xi32, #tpu.memory_space<vmem>>, vector<16xi32>,
      tpu.vector_store %arg16[%swap3A_689, %swap3A_690], %min3A_687 {strides = array<i32>} : memref<5x32xi32, #tpu.memory_space<vmem>>, vector<16xi32>,
      %and3A_692 = arith.constant 1 : i32
      %and3A_693 = vector.broadcast %and3A_692 : i32 to vector<16xi32>
      %and3A_694 = arith.andi %add3A_679, %and3A_693 : vector<16xi32>
      %swap3A_695 = arith.constant 4 : i32
      %swap3A_696 = arith.index_cast %swap3A_695 : i32 to index
      %swap3A_697 = arith.constant 0 : index
      %swap3A_698 = tpu.vector_load %arg16[%swap3A_696, %swap3A_697] {strides = array<i32>} : memref<5x32xi32, #tpu.memory_space<vmem>>, vector<16xi32>,
      tpu.vector_store %arg16[%swap3A_696, %swap3A_697], %and3A_694 {strides = array<i32>} : memref<5x32xi32, #tpu.memory_space<vmem>>, vector<16xi32>,
      %add3A_699 = arith.constant 16 : i32
      %add3A_700 = vector.broadcast %add3A_699 : i32 to vector<16xi32>
      %add3A_701 = arith.addi %iota3A_382, %add3A_700 : vector<16xi32>
      %broadcast_in_dim3A_702 = arith.constant -1 : i32
      %broadcast_in_dim3A_703 = vector.broadcast %broadcast_in_dim3A_702 : i32 to vector<16xi32>
      %slice3A_704 = vector.extract_strided_slice %shift_right_arithmetic3A_139 {offsets = [0], sizes = [1], strides = [1]} : vector<16xi32> to vector<1xi32>
      %squeeze3A_705 = vector.extract %slice3A_704[0] : i32 from vector<1xi32>
      %broadcast_in_dim3A_706 = vector.broadcast %squeeze3A_705 : i32 to vector<16xi32>
      %ge3A_707 = arith.cmpi sge, %add3A_701, %broadcast_in_dim3A_706 : vector<16xi32>
      %jit3A_708 = arith.constant 1 : i32
      %jit3A_709 = arith.constant 0 : i32
      %broadcast_in_dim3A_710 = vector.broadcast %jit3A_708 : i32 to vector<16xi32>
      %broadcast_in_dim3A_711 = vector.broadcast %jit3A_709 : i32 to vector<16xi32>
      %select_n3A_712 = arith.select %ge3A_707, %broadcast_in_dim3A_710, %broadcast_in_dim3A_711 : vector<16xi1>, vector<16xi32>
      %add3A_713 = arith.addi %broadcast_in_dim3A_703, %select_n3A_712 : vector<16xi32>
      %slice3A_714 = vector.extract_strided_slice %shift_right_arithmetic3A_139 {offsets = [1], sizes = [1], strides = [1]} : vector<16xi32> to vector<1xi32>
      %squeeze3A_715 = vector.extract %slice3A_714[0] : i32 from vector<1xi32>
      %broadcast_in_dim3A_716 = vector.broadcast %squeeze3A_715 : i32 to vector<16xi32>
      %ge3A_717 = arith.cmpi sge, %add3A_701, %broadcast_in_dim3A_716 : vector<16xi32>
      %jit3A_718 = arith.constant 1 : i32
      %jit3A_719 = arith.constant 0 : i32
      %broadcast_in_dim3A_720 = vector.broadcast %jit3A_718 : i32 to vector<16xi32>
      %broadcast_in_dim3A_721 = vector.broadcast %jit3A_719 : i32 to vector<16xi32>
      %select_n3A_722 = arith.select %ge3A_717, %broadcast_in_dim3A_720, %broadcast_in_dim3A_721 : vector<16xi1>, vector<16xi32>
      %add3A_723 = arith.addi %add3A_713, %select_n3A_722 : vector<16xi32>
      %slice3A_724 = vector.extract_strided_slice %shift_right_arithmetic3A_139 {offsets = [2], sizes = [1], strides = [1]} : vector<16xi32> to vector<1xi32>
      %squeeze3A_725 = vector.extract %slice3A_724[0] : i32 from vector<1xi32>
      %broadcast_in_dim3A_726 = vector.broadcast %squeeze3A_725 : i32 to vector<16xi32>
      %ge3A_727 = arith.cmpi sge, %add3A_701, %broadcast_in_dim3A_726 : vector<16xi32>
      %jit3A_728 = arith.constant 1 : i32
      %jit3A_729 = arith.constant 0 : i32
      %broadcast_in_dim3A_730 = vector.broadcast %jit3A_728 : i32 to vector<16xi32>
      %broadcast_in_dim3A_731 = vector.broadcast %jit3A_729 : i32 to vector<16xi32>
      %select_n3A_732 = arith.select %ge3A_727, %broadcast_in_dim3A_730, %broadcast_in_dim3A_731 : vector<16xi1>, vector<16xi32>
      %add3A_733 = arith.addi %add3A_723, %select_n3A_732 : vector<16xi32>
      %slice3A_734 = vector.extract_strided_slice %shift_right_arithmetic3A_139 {offsets = [3], sizes = [1], strides = [1]} : vector<16xi32> to vector<1xi32>
      %squeeze3A_735 = vector.extract %slice3A_734[0] : i32 from vector<1xi32>
      %broadcast_in_dim3A_736 = vector.broadcast %squeeze3A_735 : i32 to vector<16xi32>
      %ge3A_737 = arith.cmpi sge, %add3A_701, %broadcast_in_dim3A_736 : vector<16xi32>
      %jit3A_738 = arith.constant 1 : i32
      %jit3A_739 = arith.constant 0 : i32
      %broadcast_in_dim3A_740 = vector.broadcast %jit3A_738 : i32 to vector<16xi32>
      %broadcast_in_dim3A_741 = vector.broadcast %jit3A_739 : i32 to vector<16xi32>
      %select_n3A_742 = arith.select %ge3A_737, %broadcast_in_dim3A_740, %broadcast_in_dim3A_741 : vector<16xi1>, vector<16xi32>
      %add3A_743 = arith.addi %add3A_733, %select_n3A_742 : vector<16xi32>
      %slice3A_744 = vector.extract_strided_slice %shift_right_arithmetic3A_139 {offsets = [4], sizes = [1], strides = [1]} : vector<16xi32> to vector<1xi32>
      %squeeze3A_745 = vector.extract %slice3A_744[0] : i32 from vector<1xi32>
      %broadcast_in_dim3A_746 = vector.broadcast %squeeze3A_745 : i32 to vector<16xi32>
      %ge3A_747 = arith.cmpi sge, %add3A_701, %broadcast_in_dim3A_746 : vector<16xi32>
      %jit3A_748 = arith.constant 1 : i32
      %jit3A_749 = arith.constant 0 : i32
      %broadcast_in_dim3A_750 = vector.broadcast %jit3A_748 : i32 to vector<16xi32>
      %broadcast_in_dim3A_751 = vector.broadcast %jit3A_749 : i32 to vector<16xi32>
      %select_n3A_752 = arith.select %ge3A_747, %broadcast_in_dim3A_750, %broadcast_in_dim3A_751 : vector<16xi1>, vector<16xi32>
      %add3A_753 = arith.addi %add3A_743, %select_n3A_752 : vector<16xi32>
      %slice3A_754 = vector.extract_strided_slice %shift_right_arithmetic3A_139 {offsets = [5], sizes = [1], strides = [1]} : vector<16xi32> to vector<1xi32>
      %squeeze3A_755 = vector.extract %slice3A_754[0] : i32 from vector<1xi32>
      %broadcast_in_dim3A_756 = vector.broadcast %squeeze3A_755 : i32 to vector<16xi32>
      %ge3A_757 = arith.cmpi sge, %add3A_701, %broadcast_in_dim3A_756 : vector<16xi32>
      %jit3A_758 = arith.constant 1 : i32
      %jit3A_759 = arith.constant 0 : i32
      %broadcast_in_dim3A_760 = vector.broadcast %jit3A_758 : i32 to vector<16xi32>
      %broadcast_in_dim3A_761 = vector.broadcast %jit3A_759 : i32 to vector<16xi32>
      %select_n3A_762 = arith.select %ge3A_757, %broadcast_in_dim3A_760, %broadcast_in_dim3A_761 : vector<16xi1>, vector<16xi32>
      %add3A_763 = arith.addi %add3A_753, %select_n3A_762 : vector<16xi32>
      %slice3A_764 = vector.extract_strided_slice %shift_right_arithmetic3A_139 {offsets = [6], sizes = [1], strides = [1]} : vector<16xi32> to vector<1xi32>
      %squeeze3A_765 = vector.extract %slice3A_764[0] : i32 from vector<1xi32>
      %broadcast_in_dim3A_766 = vector.broadcast %squeeze3A_765 : i32 to vector<16xi32>
      %ge3A_767 = arith.cmpi sge, %add3A_701, %broadcast_in_dim3A_766 : vector<16xi32>
      %jit3A_768 = arith.constant 1 : i32
      %jit3A_769 = arith.constant 0 : i32
      %broadcast_in_dim3A_770 = vector.broadcast %jit3A_768 : i32 to vector<16xi32>
      %broadcast_in_dim3A_771 = vector.broadcast %jit3A_769 : i32 to vector<16xi32>
      %select_n3A_772 = arith.select %ge3A_767, %broadcast_in_dim3A_770, %broadcast_in_dim3A_771 : vector<16xi1>, vector<16xi32>
      %add3A_773 = arith.addi %add3A_763, %select_n3A_772 : vector<16xi32>
      %slice3A_774 = vector.extract_strided_slice %shift_right_arithmetic3A_139 {offsets = [7], sizes = [1], strides = [1]} : vector<16xi32> to vector<1xi32>
      %squeeze3A_775 = vector.extract %slice3A_774[0] : i32 from vector<1xi32>
      %broadcast_in_dim3A_776 = vector.broadcast %squeeze3A_775 : i32 to vector<16xi32>
      %ge3A_777 = arith.cmpi sge, %add3A_701, %broadcast_in_dim3A_776 : vector<16xi32>
      %jit3A_778 = arith.constant 1 : i32
      %jit3A_779 = arith.constant 0 : i32
      %broadcast_in_dim3A_780 = vector.broadcast %jit3A_778 : i32 to vector<16xi32>
      %broadcast_in_dim3A_781 = vector.broadcast %jit3A_779 : i32 to vector<16xi32>
      %select_n3A_782 = arith.select %ge3A_777, %broadcast_in_dim3A_780, %broadcast_in_dim3A_781 : vector<16xi1>, vector<16xi32>
      %add3A_783 = arith.addi %add3A_773, %select_n3A_782 : vector<16xi32>
      %swap3A_784 = arith.constant 0 : i32
      %swap3A_785 = arith.index_cast %swap3A_784 : i32 to index
      %swap3A_786 = arith.constant 16 : index
      %swap3A_787 = tpu.vector_load %arg16[%swap3A_785, %swap3A_786] {strides = array<i32>} : memref<5x32xi32, #tpu.memory_space<vmem>>, vector<16xi32>,
      tpu.vector_store %arg16[%swap3A_785, %swap3A_786], %add3A_783 {strides = array<i32>} : memref<5x32xi32, #tpu.memory_space<vmem>>, vector<16xi32>,
      %broadcast_in_dim3A_788 = arith.constant 8 : i32
      %broadcast_in_dim3A_789 = vector.broadcast %broadcast_in_dim3A_788 : i32 to vector<16xi32>
      %broadcast_in_dim3A_790 = arith.constant 0 : i32
      %broadcast_in_dim3A_791 = vector.broadcast %broadcast_in_dim3A_790 : i32 to vector<16xi32>
      %slice3A_792 = vector.extract_strided_slice %shift_left3A_10 {offsets = [0], sizes = [1], strides = [1]} : vector<16xi32> to vector<1xi32>
      %squeeze3A_793 = vector.extract %slice3A_792[0] : i32 from vector<1xi32>
      %broadcast_in_dim3A_794 = vector.broadcast %squeeze3A_793 : i32 to vector<16xi32>
      %gt3A_795 = arith.constant 0 : i32
      %gt3A_796 = vector.broadcast %gt3A_795 : i32 to vector<16xi32>
      %gt3A_797 = arith.cmpi sgt, %broadcast_in_dim3A_794, %gt3A_796 : vector<16xi32>
      %lt3A_798 = arith.constant 0 : i32
      %lt3A_799 = vector.broadcast %lt3A_798 : i32 to vector<16xi32>
      %lt3A_800 = arith.cmpi slt, %add3A_783, %lt3A_799 : vector<16xi32>
      %and3A_801 = arith.andi %gt3A_797, %lt3A_800 : vector<16xi1>
      %broadcast_in_dim3A_802 = arith.constant 0 : i32
      %broadcast_in_dim3A_803 = vector.broadcast %broadcast_in_dim3A_802 : i32 to vector<16xi32>
      %broadcast_in_dim3A_804 = arith.constant 8 : i32
      %broadcast_in_dim3A_805 = vector.broadcast %broadcast_in_dim3A_804 : i32 to vector<16xi32>
      %select_n3A_806 = arith.select %and3A_801, %broadcast_in_dim3A_803, %broadcast_in_dim3A_805 : vector<16xi1>, vector<16xi32>
      %min3A_807 = arith.minsi %broadcast_in_dim3A_789, %select_n3A_806 : vector<16xi32>
      %gt3A_808 = arith.constant 0 : i32
      %gt3A_809 = vector.broadcast %gt3A_808 : i32 to vector<16xi32>
      %gt3A_810 = arith.cmpi sgt, %add3A_783, %gt3A_809 : vector<16xi32>
      %and3A_811 = arith.andi %gt3A_797, %gt3A_810 : vector<16xi1>
      %jit3A_812 = arith.constant 1 : i32
      %jit3A_813 = arith.constant 0 : i32
      %broadcast_in_dim3A_814 = vector.broadcast %jit3A_812 : i32 to vector<16xi32>
      %broadcast_in_dim3A_815 = vector.broadcast %jit3A_813 : i32 to vector<16xi32>
      %select_n3A_816 = arith.select %and3A_811, %broadcast_in_dim3A_814, %broadcast_in_dim3A_815 : vector<16xi1>, vector<16xi32>
      %add3A_817 = arith.addi %broadcast_in_dim3A_791, %select_n3A_816 : vector<16xi32>
      %slice3A_818 = vector.extract_strided_slice %shift_left3A_10 {offsets = [1], sizes = [1], strides = [1]} : vector<16xi32> to vector<1xi32>
      %squeeze3A_819 = vector.extract %slice3A_818[0] : i32 from vector<1xi32>
      %broadcast_in_dim3A_820 = vector.broadcast %squeeze3A_819 : i32 to vector<16xi32>
      %gt3A_821 = arith.constant 0 : i32
      %gt3A_822 = vector.broadcast %gt3A_821 : i32 to vector<16xi32>
      %gt3A_823 = arith.cmpi sgt, %broadcast_in_dim3A_820, %gt3A_822 : vector<16xi32>
      %lt3A_824 = arith.constant 1 : i32
      %lt3A_825 = vector.broadcast %lt3A_824 : i32 to vector<16xi32>
      %lt3A_826 = arith.cmpi slt, %add3A_783, %lt3A_825 : vector<16xi32>
      %and3A_827 = arith.andi %gt3A_823, %lt3A_826 : vector<16xi1>
      %broadcast_in_dim3A_828 = arith.constant 1 : i32
      %broadcast_in_dim3A_829 = vector.broadcast %broadcast_in_dim3A_828 : i32 to vector<16xi32>
      %broadcast_in_dim3A_830 = arith.constant 8 : i32
      %broadcast_in_dim3A_831 = vector.broadcast %broadcast_in_dim3A_830 : i32 to vector<16xi32>
      %select_n3A_832 = arith.select %and3A_827, %broadcast_in_dim3A_829, %broadcast_in_dim3A_831 : vector<16xi1>, vector<16xi32>
      %min3A_833 = arith.minsi %min3A_807, %select_n3A_832 : vector<16xi32>
      %gt3A_834 = arith.constant 1 : i32
      %gt3A_835 = vector.broadcast %gt3A_834 : i32 to vector<16xi32>
      %gt3A_836 = arith.cmpi sgt, %add3A_783, %gt3A_835 : vector<16xi32>
      %and3A_837 = arith.andi %gt3A_823, %gt3A_836 : vector<16xi1>
      %jit3A_838 = arith.constant 1 : i32
      %jit3A_839 = arith.constant 0 : i32
      %broadcast_in_dim3A_840 = vector.broadcast %jit3A_838 : i32 to vector<16xi32>
      %broadcast_in_dim3A_841 = vector.broadcast %jit3A_839 : i32 to vector<16xi32>
      %select_n3A_842 = arith.select %and3A_837, %broadcast_in_dim3A_840, %broadcast_in_dim3A_841 : vector<16xi1>, vector<16xi32>
      %add3A_843 = arith.addi %add3A_817, %select_n3A_842 : vector<16xi32>
      %slice3A_844 = vector.extract_strided_slice %shift_left3A_10 {offsets = [2], sizes = [1], strides = [1]} : vector<16xi32> to vector<1xi32>
      %squeeze3A_845 = vector.extract %slice3A_844[0] : i32 from vector<1xi32>
      %broadcast_in_dim3A_846 = vector.broadcast %squeeze3A_845 : i32 to vector<16xi32>
      %gt3A_847 = arith.constant 0 : i32
      %gt3A_848 = vector.broadcast %gt3A_847 : i32 to vector<16xi32>
      %gt3A_849 = arith.cmpi sgt, %broadcast_in_dim3A_846, %gt3A_848 : vector<16xi32>
      %lt3A_850 = arith.constant 2 : i32
      %lt3A_851 = vector.broadcast %lt3A_850 : i32 to vector<16xi32>
      %lt3A_852 = arith.cmpi slt, %add3A_783, %lt3A_851 : vector<16xi32>
      %and3A_853 = arith.andi %gt3A_849, %lt3A_852 : vector<16xi1>
      %broadcast_in_dim3A_854 = arith.constant 2 : i32
      %broadcast_in_dim3A_855 = vector.broadcast %broadcast_in_dim3A_854 : i32 to vector<16xi32>
      %broadcast_in_dim3A_856 = arith.constant 8 : i32
      %broadcast_in_dim3A_857 = vector.broadcast %broadcast_in_dim3A_856 : i32 to vector<16xi32>
      %select_n3A_858 = arith.select %and3A_853, %broadcast_in_dim3A_855, %broadcast_in_dim3A_857 : vector<16xi1>, vector<16xi32>
      %min3A_859 = arith.minsi %min3A_833, %select_n3A_858 : vector<16xi32>
      %gt3A_860 = arith.constant 2 : i32
      %gt3A_861 = vector.broadcast %gt3A_860 : i32 to vector<16xi32>
      %gt3A_862 = arith.cmpi sgt, %add3A_783, %gt3A_861 : vector<16xi32>
      %and3A_863 = arith.andi %gt3A_849, %gt3A_862 : vector<16xi1>
      %jit3A_864 = arith.constant 1 : i32
      %jit3A_865 = arith.constant 0 : i32
      %broadcast_in_dim3A_866 = vector.broadcast %jit3A_864 : i32 to vector<16xi32>
      %broadcast_in_dim3A_867 = vector.broadcast %jit3A_865 : i32 to vector<16xi32>
      %select_n3A_868 = arith.select %and3A_863, %broadcast_in_dim3A_866, %broadcast_in_dim3A_867 : vector<16xi1>, vector<16xi32>
      %add3A_869 = arith.addi %add3A_843, %select_n3A_868 : vector<16xi32>
      %slice3A_870 = vector.extract_strided_slice %shift_left3A_10 {offsets = [3], sizes = [1], strides = [1]} : vector<16xi32> to vector<1xi32>
      %squeeze3A_871 = vector.extract %slice3A_870[0] : i32 from vector<1xi32>
      %broadcast_in_dim3A_872 = vector.broadcast %squeeze3A_871 : i32 to vector<16xi32>
      %gt3A_873 = arith.constant 0 : i32
      %gt3A_874 = vector.broadcast %gt3A_873 : i32 to vector<16xi32>
      %gt3A_875 = arith.cmpi sgt, %broadcast_in_dim3A_872, %gt3A_874 : vector<16xi32>
      %lt3A_876 = arith.constant 3 : i32
      %lt3A_877 = vector.broadcast %lt3A_876 : i32 to vector<16xi32>
      %lt3A_878 = arith.cmpi slt, %add3A_783, %lt3A_877 : vector<16xi32>
      %and3A_879 = arith.andi %gt3A_875, %lt3A_878 : vector<16xi1>
      %broadcast_in_dim3A_880 = arith.constant 3 : i32
      %broadcast_in_dim3A_881 = vector.broadcast %broadcast_in_dim3A_880 : i32 to vector<16xi32>
      %broadcast_in_dim3A_882 = arith.constant 8 : i32
      %broadcast_in_dim3A_883 = vector.broadcast %broadcast_in_dim3A_882 : i32 to vector<16xi32>
      %select_n3A_884 = arith.select %and3A_879, %broadcast_in_dim3A_881, %broadcast_in_dim3A_883 : vector<16xi1>, vector<16xi32>
      %min3A_885 = arith.minsi %min3A_859, %select_n3A_884 : vector<16xi32>
      %gt3A_886 = arith.constant 3 : i32
      %gt3A_887 = vector.broadcast %gt3A_886 : i32 to vector<16xi32>
      %gt3A_888 = arith.cmpi sgt, %add3A_783, %gt3A_887 : vector<16xi32>
      %and3A_889 = arith.andi %gt3A_875, %gt3A_888 : vector<16xi1>
      %jit3A_890 = arith.constant 1 : i32
      %jit3A_891 = arith.constant 0 : i32
      %broadcast_in_dim3A_892 = vector.broadcast %jit3A_890 : i32 to vector<16xi32>
      %broadcast_in_dim3A_893 = vector.broadcast %jit3A_891 : i32 to vector<16xi32>
      %select_n3A_894 = arith.select %and3A_889, %broadcast_in_dim3A_892, %broadcast_in_dim3A_893 : vector<16xi1>, vector<16xi32>
      %add3A_895 = arith.addi %add3A_869, %select_n3A_894 : vector<16xi32>
      %slice3A_896 = vector.extract_strided_slice %shift_left3A_10 {offsets = [4], sizes = [1], strides = [1]} : vector<16xi32> to vector<1xi32>
      %squeeze3A_897 = vector.extract %slice3A_896[0] : i32 from vector<1xi32>
      %broadcast_in_dim3A_898 = vector.broadcast %squeeze3A_897 : i32 to vector<16xi32>
      %gt3A_899 = arith.constant 0 : i32
      %gt3A_900 = vector.broadcast %gt3A_899 : i32 to vector<16xi32>
      %gt3A_901 = arith.cmpi sgt, %broadcast_in_dim3A_898, %gt3A_900 : vector<16xi32>
      %lt3A_902 = arith.constant 4 : i32
      %lt3A_903 = vector.broadcast %lt3A_902 : i32 to vector<16xi32>
      %lt3A_904 = arith.cmpi slt, %add3A_783, %lt3A_903 : vector<16xi32>
      %and3A_905 = arith.andi %gt3A_901, %lt3A_904 : vector<16xi1>
      %broadcast_in_dim3A_906 = arith.constant 4 : i32
      %broadcast_in_dim3A_907 = vector.broadcast %broadcast_in_dim3A_906 : i32 to vector<16xi32>
      %broadcast_in_dim3A_908 = arith.constant 8 : i32
      %broadcast_in_dim3A_909 = vector.broadcast %broadcast_in_dim3A_908 : i32 to vector<16xi32>
      %select_n3A_910 = arith.select %and3A_905, %broadcast_in_dim3A_907, %broadcast_in_dim3A_909 : vector<16xi1>, vector<16xi32>
      %min3A_911 = arith.minsi %min3A_885, %select_n3A_910 : vector<16xi32>
      %gt3A_912 = arith.constant 4 : i32
      %gt3A_913 = vector.broadcast %gt3A_912 : i32 to vector<16xi32>
      %gt3A_914 = arith.cmpi sgt, %add3A_783, %gt3A_913 : vector<16xi32>
      %and3A_915 = arith.andi %gt3A_901, %gt3A_914 : vector<16xi1>
      %jit3A_916 = arith.constant 1 : i32
      %jit3A_917 = arith.constant 0 : i32
      %broadcast_in_dim3A_918 = vector.broadcast %jit3A_916 : i32 to vector<16xi32>
      %broadcast_in_dim3A_919 = vector.broadcast %jit3A_917 : i32 to vector<16xi32>
      %select_n3A_920 = arith.select %and3A_915, %broadcast_in_dim3A_918, %broadcast_in_dim3A_919 : vector<16xi1>, vector<16xi32>
      %add3A_921 = arith.addi %add3A_895, %select_n3A_920 : vector<16xi32>
      %slice3A_922 = vector.extract_strided_slice %shift_left3A_10 {offsets = [5], sizes = [1], strides = [1]} : vector<16xi32> to vector<1xi32>
      %squeeze3A_923 = vector.extract %slice3A_922[0] : i32 from vector<1xi32>
      %broadcast_in_dim3A_924 = vector.broadcast %squeeze3A_923 : i32 to vector<16xi32>
      %gt3A_925 = arith.constant 0 : i32
      %gt3A_926 = vector.broadcast %gt3A_925 : i32 to vector<16xi32>
      %gt3A_927 = arith.cmpi sgt, %broadcast_in_dim3A_924, %gt3A_926 : vector<16xi32>
      %lt3A_928 = arith.constant 5 : i32
      %lt3A_929 = vector.broadcast %lt3A_928 : i32 to vector<16xi32>
      %lt3A_930 = arith.cmpi slt, %add3A_783, %lt3A_929 : vector<16xi32>
      %and3A_931 = arith.andi %gt3A_927, %lt3A_930 : vector<16xi1>
      %broadcast_in_dim3A_932 = arith.constant 5 : i32
      %broadcast_in_dim3A_933 = vector.broadcast %broadcast_in_dim3A_932 : i32 to vector<16xi32>
      %broadcast_in_dim3A_934 = arith.constant 8 : i32
      %broadcast_in_dim3A_935 = vector.broadcast %broadcast_in_dim3A_934 : i32 to vector<16xi32>
      %select_n3A_936 = arith.select %and3A_931, %broadcast_in_dim3A_933, %broadcast_in_dim3A_935 : vector<16xi1>, vector<16xi32>
      %min3A_937 = arith.minsi %min3A_911, %select_n3A_936 : vector<16xi32>
      %gt3A_938 = arith.constant 5 : i32
      %gt3A_939 = vector.broadcast %gt3A_938 : i32 to vector<16xi32>
      %gt3A_940 = arith.cmpi sgt, %add3A_783, %gt3A_939 : vector<16xi32>
      %and3A_941 = arith.andi %gt3A_927, %gt3A_940 : vector<16xi1>
      %jit3A_942 = arith.constant 1 : i32
      %jit3A_943 = arith.constant 0 : i32
      %broadcast_in_dim3A_944 = vector.broadcast %jit3A_942 : i32 to vector<16xi32>
      %broadcast_in_dim3A_945 = vector.broadcast %jit3A_943 : i32 to vector<16xi32>
      %select_n3A_946 = arith.select %and3A_941, %broadcast_in_dim3A_944, %broadcast_in_dim3A_945 : vector<16xi1>, vector<16xi32>
      %add3A_947 = arith.addi %add3A_921, %select_n3A_946 : vector<16xi32>
      %slice3A_948 = vector.extract_strided_slice %shift_left3A_10 {offsets = [6], sizes = [1], strides = [1]} : vector<16xi32> to vector<1xi32>
      %squeeze3A_949 = vector.extract %slice3A_948[0] : i32 from vector<1xi32>
      %broadcast_in_dim3A_950 = vector.broadcast %squeeze3A_949 : i32 to vector<16xi32>
      %gt3A_951 = arith.constant 0 : i32
      %gt3A_952 = vector.broadcast %gt3A_951 : i32 to vector<16xi32>
      %gt3A_953 = arith.cmpi sgt, %broadcast_in_dim3A_950, %gt3A_952 : vector<16xi32>
      %lt3A_954 = arith.constant 6 : i32
      %lt3A_955 = vector.broadcast %lt3A_954 : i32 to vector<16xi32>
      %lt3A_956 = arith.cmpi slt, %add3A_783, %lt3A_955 : vector<16xi32>
      %and3A_957 = arith.andi %gt3A_953, %lt3A_956 : vector<16xi1>
      %broadcast_in_dim3A_958 = arith.constant 6 : i32
      %broadcast_in_dim3A_959 = vector.broadcast %broadcast_in_dim3A_958 : i32 to vector<16xi32>
      %broadcast_in_dim3A_960 = arith.constant 8 : i32
      %broadcast_in_dim3A_961 = vector.broadcast %broadcast_in_dim3A_960 : i32 to vector<16xi32>
      %select_n3A_962 = arith.select %and3A_957, %broadcast_in_dim3A_959, %broadcast_in_dim3A_961 : vector<16xi1>, vector<16xi32>
      %min3A_963 = arith.minsi %min3A_937, %select_n3A_962 : vector<16xi32>
      %gt3A_964 = arith.constant 6 : i32
      %gt3A_965 = vector.broadcast %gt3A_964 : i32 to vector<16xi32>
      %gt3A_966 = arith.cmpi sgt, %add3A_783, %gt3A_965 : vector<16xi32>
      %and3A_967 = arith.andi %gt3A_953, %gt3A_966 : vector<16xi1>
      %jit3A_968 = arith.constant 1 : i32
      %jit3A_969 = arith.constant 0 : i32
      %broadcast_in_dim3A_970 = vector.broadcast %jit3A_968 : i32 to vector<16xi32>
      %broadcast_in_dim3A_971 = vector.broadcast %jit3A_969 : i32 to vector<16xi32>
      %select_n3A_972 = arith.select %and3A_967, %broadcast_in_dim3A_970, %broadcast_in_dim3A_971 : vector<16xi1>, vector<16xi32>
      %add3A_973 = arith.addi %add3A_947, %select_n3A_972 : vector<16xi32>
      %slice3A_974 = vector.extract_strided_slice %shift_left3A_10 {offsets = [7], sizes = [1], strides = [1]} : vector<16xi32> to vector<1xi32>
      %squeeze3A_975 = vector.extract %slice3A_974[0] : i32 from vector<1xi32>
      %broadcast_in_dim3A_976 = vector.broadcast %squeeze3A_975 : i32 to vector<16xi32>
      %gt3A_977 = arith.constant 0 : i32
      %gt3A_978 = vector.broadcast %gt3A_977 : i32 to vector<16xi32>
      %gt3A_979 = arith.cmpi sgt, %broadcast_in_dim3A_976, %gt3A_978 : vector<16xi32>
      %lt3A_980 = arith.constant 7 : i32
      %lt3A_981 = vector.broadcast %lt3A_980 : i32 to vector<16xi32>
      %lt3A_982 = arith.cmpi slt, %add3A_783, %lt3A_981 : vector<16xi32>
      %and3A_983 = arith.andi %gt3A_979, %lt3A_982 : vector<16xi1>
      %broadcast_in_dim3A_984 = arith.constant 7 : i32
      %broadcast_in_dim3A_985 = vector.broadcast %broadcast_in_dim3A_984 : i32 to vector<16xi32>
      %broadcast_in_dim3A_986 = arith.constant 8 : i32
      %broadcast_in_dim3A_987 = vector.broadcast %broadcast_in_dim3A_986 : i32 to vector<16xi32>
      %select_n3A_988 = arith.select %and3A_983, %broadcast_in_dim3A_985, %broadcast_in_dim3A_987 : vector<16xi1>, vector<16xi32>
      %min3A_989 = arith.minsi %min3A_963, %select_n3A_988 : vector<16xi32>
      %gt3A_990 = arith.constant 7 : i32
      %gt3A_991 = vector.broadcast %gt3A_990 : i32 to vector<16xi32>
      %gt3A_992 = arith.cmpi sgt, %add3A_783, %gt3A_991 : vector<16xi32>
      %and3A_993 = arith.andi %gt3A_979, %gt3A_992 : vector<16xi1>
      %jit3A_994 = arith.constant 1 : i32
      %jit3A_995 = arith.constant 0 : i32
      %broadcast_in_dim3A_996 = vector.broadcast %jit3A_994 : i32 to vector<16xi32>
      %broadcast_in_dim3A_997 = vector.broadcast %jit3A_995 : i32 to vector<16xi32>
      %select_n3A_998 = arith.select %and3A_993, %broadcast_in_dim3A_996, %broadcast_in_dim3A_997 : vector<16xi1>, vector<16xi32>
      %add3A_999 = arith.addi %add3A_973, %select_n3A_998 : vector<16xi32>
      %swap3A_1000 = arith.constant 2 : i32
      %swap3A_1001 = arith.index_cast %swap3A_1000 : i32 to index
      %swap3A_1002 = arith.constant 16 : index
      %swap3A_1003 = tpu.vector_load %arg16[%swap3A_1001, %swap3A_1002] {strides = array<i32>} : memref<5x32xi32, #tpu.memory_space<vmem>>, vector<16xi32>,
      tpu.vector_store %arg16[%swap3A_1001, %swap3A_1002], %min3A_989 {strides = array<i32>} : memref<5x32xi32, #tpu.memory_space<vmem>>, vector<16xi32>,
      %sub3A_1004 = arith.constant 1 : i32
      %sub3A_1005 = vector.broadcast %sub3A_1004 : i32 to vector<16xi32>
      %sub3A_1006 = arith.subi %broadcast_in_dim3A_383, %sub3A_1005 : vector<16xi32>
      %min3A_1007 = arith.minsi %add3A_701, %sub3A_1006 : vector<16xi32>
      %swap3A_1008 = arith.constant 3 : i32
      %swap3A_1009 = arith.index_cast %swap3A_1008 : i32 to index
      %swap3A_1010 = arith.constant 16 : index
      %swap3A_1011 = tpu.vector_load %arg16[%swap3A_1009, %swap3A_1010] {strides = array<i32>} : memref<5x32xi32, #tpu.memory_space<vmem>>, vector<16xi32>,
      tpu.vector_store %arg16[%swap3A_1009, %swap3A_1010], %min3A_1007 {strides = array<i32>} : memref<5x32xi32, #tpu.memory_space<vmem>>, vector<16xi32>,
      %and3A_1012 = arith.constant 1 : i32
      %and3A_1013 = vector.broadcast %and3A_1012 : i32 to vector<16xi32>
      %and3A_1014 = arith.andi %add3A_999, %and3A_1013 : vector<16xi32>
      %swap3A_1015 = arith.constant 4 : i32
      %swap3A_1016 = arith.index_cast %swap3A_1015 : i32 to index
      %swap3A_1017 = arith.constant 16 : index
      %swap3A_1018 = tpu.vector_load %arg16[%swap3A_1016, %swap3A_1017] {strides = array<i32>} : memref<5x32xi32, #tpu.memory_space<vmem>>, vector<16xi32>,
      tpu.vector_store %arg16[%swap3A_1016, %swap3A_1017], %and3A_1014 {strides = array<i32>} : memref<5x32xi32, #tpu.memory_space<vmem>>, vector<16xi32>,
      %sub3A_1019 = arith.constant 1 : i32
      %sub3A_1020 = vector.broadcast %sub3A_1019 : i32 to vector<16xi32>
      %sub3A_1021 = arith.subi %iota3A_382, %sub3A_1020 : vector<16xi32>
      %max3A_1022 = arith.constant 0 : i32
      %max3A_1023 = vector.broadcast %max3A_1022 : i32 to vector<16xi32>
      %max3A_1024 = arith.maxsi %sub3A_1021, %max3A_1023 : vector<16xi32>
      %reshape3A_1025 = vector.shape_cast %max3A_1024 : vector<16xi32> to vector<16x1xi32>
      %gather3A_1026 = vector.shape_cast %reshape3A_1025 : vector<16x1xi32> to vector<16xi32>
      %gather3A_1027 = tpu.dynamic_gather %add3A_467[%gather3A_1026] in [0] : vector<16xi32>, vector<16xi32> -> vector<16xi32>
      %eq3A_1028 = arith.constant 0 : i32
      %eq3A_1029 = vector.broadcast %eq3A_1028 : i32 to vector<16xi32>
      %eq3A_1030 = arith.cmpi eq, %iota3A_382, %eq3A_1029 : vector<16xi32>
      %ne3A = arith.cmpi ne, %add3A_467, %gather3A_1027 : vector<16xi32>
      %or3A = arith.ori %eq3A_1030, %ne3A : vector<16xi1>
      %jit3A_1031 = arith.constant 1 : i32
      %jit3A_1032 = arith.constant 0 : i32
      %broadcast_in_dim3A_1033 = vector.broadcast %jit3A_1031 : i32 to vector<16xi32>
      %broadcast_in_dim3A_1034 = vector.broadcast %jit3A_1032 : i32 to vector<16xi32>
      %select_n3A_1035 = arith.select %or3A, %broadcast_in_dim3A_1033, %broadcast_in_dim3A_1034 : vector<16xi1>, vector<16xi32>
      %broadcast_in_dim3A_1036 = arith.constant 15 : i32
      %broadcast_in_dim3A_1037 = vector.broadcast %broadcast_in_dim3A_1036 : i32 to vector<16xi32>
      %reshape3A_1038 = vector.shape_cast %broadcast_in_dim3A_1037 : vector<16xi32> to vector<16x1xi32>
      %gather3A_1039 = vector.shape_cast %reshape3A_1038 : vector<16x1xi32> to vector<16xi32>
      %gather3A_1040 = tpu.dynamic_gather %add3A_467[%gather3A_1039] in [0] : vector<16xi32>, vector<16xi32> -> vector<16xi32>
      %sub3A_1041 = arith.constant 1 : i32
      %sub3A_1042 = vector.broadcast %sub3A_1041 : i32 to vector<16xi32>
      %sub3A_1043 = arith.subi %iota3A_382, %sub3A_1042 : vector<16xi32>
      %max3A_1044 = arith.constant 0 : i32
      %max3A_1045 = vector.broadcast %max3A_1044 : i32 to vector<16xi32>
      %max3A_1046 = arith.maxsi %sub3A_1043, %max3A_1045 : vector<16xi32>
      %reshape3A_1047 = vector.shape_cast %max3A_1046 : vector<16xi32> to vector<16x1xi32>
      %gather3A_1048 = vector.shape_cast %reshape3A_1047 : vector<16x1xi32> to vector<16xi32>
      %gather3A_1049 = tpu.dynamic_gather %add3A_783[%gather3A_1048] in [0] : vector<16xi32>, vector<16xi32> -> vector<16xi32>
      %eq3A_1050 = arith.constant 0 : i32
      %eq3A_1051 = vector.broadcast %eq3A_1050 : i32 to vector<16xi32>
      %eq3A_1052 = arith.cmpi eq, %iota3A_382, %eq3A_1051 : vector<16xi32>
      %select_n3A_1053 = arith.select %eq3A_1052, %gather3A_1040, %gather3A_1049 : vector<16xi1>, vector<16xi32>
      %ne3A_1054 = arith.cmpi ne, %add3A_783, %select_n3A_1053 : vector<16xi32>
      %jit3A_1055 = arith.constant 1 : i32
      %jit3A_1056 = arith.constant 0 : i32
      %broadcast_in_dim3A_1057 = vector.broadcast %jit3A_1055 : i32 to vector<16xi32>
      %broadcast_in_dim3A_1058 = vector.broadcast %jit3A_1056 : i32 to vector<16xi32>
      %select_n3A_1059 = arith.select %ne3A_1054, %broadcast_in_dim3A_1057, %broadcast_in_dim3A_1058 : vector<16xi1>, vector<16xi32>
      %swap3A_1060 = arith.constant 1 : i32
      %swap3A_1061 = arith.index_cast %swap3A_1060 : i32 to index
      %swap3A_1062 = arith.constant 0 : index
      %swap3A_1063 = tpu.vector_load %arg16[%swap3A_1061, %swap3A_1062] {strides = array<i32>} : memref<5x32xi32, #tpu.memory_space<vmem>>, vector<16xi32>,
      tpu.vector_store %arg16[%swap3A_1061, %swap3A_1062], %select_n3A_1035 {strides = array<i32>} : memref<5x32xi32, #tpu.memory_space<vmem>>, vector<16xi32>,
      %swap3A_1064 = arith.constant 1 : i32
      %swap3A_1065 = arith.index_cast %swap3A_1064 : i32 to index
      %swap3A_1066 = arith.constant 16 : index
      %swap3A_1067 = tpu.vector_load %arg16[%swap3A_1065, %swap3A_1066] {strides = array<i32>} : memref<5x32xi32, #tpu.memory_space<vmem>>, vector<16xi32>,
      tpu.vector_store %arg16[%swap3A_1065, %swap3A_1066], %select_n3A_1059 {strides = array<i32>} : memref<5x32xi32, #tpu.memory_space<vmem>>, vector<16xi32>,
      "tpu.region"() ({
        %run_scoped3A = tpu.sem_alloc : memref<!tpu.dma_semaphore, #tpu.memory_space<semaphore_mem>>
        tpu.enqueue_dma source(%arg16 : memref<5x32xi32, #tpu.memory_space<vmem>>) target(%arg8 : memref<5x32xi32, #tpu.memory_space<hbm>>) target_semaphore(%run_scoped3A : memref<!tpu.dma_semaphore, #tpu.memory_space<semaphore_mem>>)
        tpu.wait_dma2 semaphore(%run_scoped3A : memref<!tpu.dma_semaphore, #tpu.memory_space<semaphore_mem>>) src(%arg16 : memref<5x32xi32, #tpu.memory_space<vmem>>) dst(%arg8 : memref<5x32xi32, #tpu.memory_space<hbm>>)
        tpu.yield
      }) : () -> ()
    } else {
    }
    "tpu.region"() ({
      %run_scoped3A = tpu.sem_alloc : memref<!tpu.dma_semaphore, #tpu.memory_space<semaphore_mem>>
      %dma_start3A_382 = arith.constant 0 : i32
      %dma_start3A_383 = tpu.memref_slice %arg2[%mul3A_2, %dma_start3A_382] : memref<2048x8xf32, #tpu.memory_space<hbm>> -> memref<64x8xf32, #tpu.memory_space<hbm>>
      %dma_start3A_384 = arith.constant 0 : i32
      %dma_start3A_385 = tpu.memref_slice %arg2[%mul3A_2, %dma_start3A_384] : memref<2048x8xf32, #tpu.memory_space<hbm>> -> memref<64x8xf32, #tpu.memory_space<hbm>>
      tpu.enqueue_dma source(%dma_start3A_385 : memref<64x8xf32, #tpu.memory_space<hbm>>) target(%arg12 : memref<64x8xf32, #tpu.memory_space<vmem>>) target_semaphore(%run_scoped3A : memref<!tpu.dma_semaphore, #tpu.memory_space<semaphore_mem>>)
      %dma_wait3A_386 = arith.constant 0 : i32
      %dma_wait3A_387 = tpu.memref_slice %arg2[%mul3A_2, %dma_wait3A_386] : memref<2048x8xf32, #tpu.memory_space<hbm>> -> memref<64x8xf32, #tpu.memory_space<hbm>>
      %dma_wait3A_388 = arith.constant 0 : i32
      %dma_wait3A_389 = tpu.memref_slice %arg2[%mul3A_2, %dma_wait3A_388] : memref<2048x8xf32, #tpu.memory_space<hbm>> -> memref<64x8xf32, #tpu.memory_space<hbm>>
      tpu.wait_dma2 semaphore(%run_scoped3A : memref<!tpu.dma_semaphore, #tpu.memory_space<semaphore_mem>>) src(%dma_wait3A_389 : memref<64x8xf32, #tpu.memory_space<hbm>>) dst(%arg12 : memref<64x8xf32, #tpu.memory_space<vmem>>)
      tpu.yield
    }) : () -> ()
    %iota3A_142 = tpu.iota {dimensions = array<i32: 0>} : vector<16xi32>
    %broadcast_in_dim3A_143 = arith.constant 0 : i32
    %broadcast_in_dim3A_144 = vector.broadcast %broadcast_in_dim3A_143 : i32 to vector<16xi32>
    %add3A_145 = arith.constant 0 : i32
    %add3A_146 = vector.broadcast %add3A_145 : i32 to vector<16xi32>
    %add3A_147 = arith.addi %iota3A_142, %add3A_146 : vector<16xi32>
    %gather3A_148 = tpu.vector_load_idx %arg12[%add3A_147, %broadcast_in_dim3A_144] : memref<64x8xf32, #tpu.memory_space<vmem>>[vector<16xi32>, vector<16xi32>], vector<16xf32>,
    %convert_element_type3A_149 = arith.fptosi %gather3A_148 : vector<16xf32> to vector<16xi32>
    %add3A_150 = arith.constant 1 : i32
    %add3A_151 = vector.broadcast %add3A_150 : i32 to vector<16xi32>
    %add3A_152 = arith.addi %broadcast_in_dim3A_144, %add3A_151 : vector<16xi32>
    %gather3A_153 = tpu.vector_load_idx %arg12[%add3A_147, %add3A_152] : memref<64x8xf32, #tpu.memory_space<vmem>>[vector<16xi32>, vector<16xi32>], vector<16xf32>,
    %convert_element_type3A_154 = arith.fptosi %gather3A_153 : vector<16xf32> to vector<16xi32>
    %add3A_155 = arith.constant 2 : i32
    %add3A_156 = vector.broadcast %add3A_155 : i32 to vector<16xi32>
    %add3A_157 = arith.addi %broadcast_in_dim3A_144, %add3A_156 : vector<16xi32>
    %gather3A_158 = tpu.vector_load_idx %arg12[%add3A_147, %add3A_157] : memref<64x8xf32, #tpu.memory_space<vmem>>[vector<16xi32>, vector<16xi32>], vector<16xf32>,
    %convert_element_type3A_159 = arith.fptosi %gather3A_158 : vector<16xf32> to vector<16xi32>
    %add3A_160 = arith.constant 3 : i32
    %add3A_161 = vector.broadcast %add3A_160 : i32 to vector<16xi32>
    %add3A_162 = arith.addi %broadcast_in_dim3A_144, %add3A_161 : vector<16xi32>
    %gather3A_163 = tpu.vector_load_idx %arg12[%add3A_147, %add3A_162] : memref<64x8xf32, #tpu.memory_space<vmem>>[vector<16xi32>, vector<16xi32>], vector<16xf32>,
    %convert_element_type3A_164 = arith.fptosi %gather3A_163 : vector<16xf32> to vector<16xi32>
    %gather3A_165 = tpu.vector_load_idx %arg11[%convert_element_type3A_149] : memref<16xi32, #tpu.memory_space<vmem>>[vector<16xi32>], vector<16xi32>,
    %add3A_166 = arith.addi %convert_element_type3A_159, %gather3A_165 : vector<16xi32>
    %swap3A_167 = arith.constant 0 : index
    %swap3A_168 = tpu.vector_load %arg13[%swap3A_167] {strides = array<i32>} : memref<64xi32, #tpu.memory_space<vmem>>, vector<16xi32>,
    tpu.vector_store %arg13[%swap3A_167], %add3A_166 {strides = array<i32>} : memref<64xi32, #tpu.memory_space<vmem>>, vector<16xi32>,
    %gather3A_169 = tpu.vector_load_idx %arg11[%convert_element_type3A_154] : memref<16xi32, #tpu.memory_space<vmem>>[vector<16xi32>], vector<16xi32>,
    %add3A_170 = arith.addi %convert_element_type3A_164, %gather3A_169 : vector<16xi32>
    %swap3A_171 = arith.constant 0 : index
    %swap3A_172 = tpu.vector_load %arg14[%swap3A_171] {strides = array<i32>} : memref<64xi32, #tpu.memory_space<vmem>>, vector<16xi32>,
    tpu.vector_store %arg14[%swap3A_171], %add3A_170 {strides = array<i32>} : memref<64xi32, #tpu.memory_space<vmem>>, vector<16xi32>,
    %add3A_173 = arith.constant 16 : i32
    %add3A_174 = vector.broadcast %add3A_173 : i32 to vector<16xi32>
    %add3A_175 = arith.addi %iota3A_142, %add3A_174 : vector<16xi32>
    %gather3A_176 = tpu.vector_load_idx %arg12[%add3A_175, %broadcast_in_dim3A_144] : memref<64x8xf32, #tpu.memory_space<vmem>>[vector<16xi32>, vector<16xi32>], vector<16xf32>,
    %convert_element_type3A_177 = arith.fptosi %gather3A_176 : vector<16xf32> to vector<16xi32>
    %add3A_178 = arith.constant 1 : i32
    %add3A_179 = vector.broadcast %add3A_178 : i32 to vector<16xi32>
    %add3A_180 = arith.addi %broadcast_in_dim3A_144, %add3A_179 : vector<16xi32>
    %gather3A_181 = tpu.vector_load_idx %arg12[%add3A_175, %add3A_180] : memref<64x8xf32, #tpu.memory_space<vmem>>[vector<16xi32>, vector<16xi32>], vector<16xf32>,
    %convert_element_type3A_182 = arith.fptosi %gather3A_181 : vector<16xf32> to vector<16xi32>
    %add3A_183 = arith.constant 2 : i32
    %add3A_184 = vector.broadcast %add3A_183 : i32 to vector<16xi32>
    %add3A_185 = arith.addi %broadcast_in_dim3A_144, %add3A_184 : vector<16xi32>
    %gather3A_186 = tpu.vector_load_idx %arg12[%add3A_175, %add3A_185] : memref<64x8xf32, #tpu.memory_space<vmem>>[vector<16xi32>, vector<16xi32>], vector<16xf32>,
    %convert_element_type3A_187 = arith.fptosi %gather3A_186 : vector<16xf32> to vector<16xi32>
    %add3A_188 = arith.constant 3 : i32
    %add3A_189 = vector.broadcast %add3A_188 : i32 to vector<16xi32>
    %add3A_190 = arith.addi %broadcast_in_dim3A_144, %add3A_189 : vector<16xi32>
    %gather3A_191 = tpu.vector_load_idx %arg12[%add3A_175, %add3A_190] : memref<64x8xf32, #tpu.memory_space<vmem>>[vector<16xi32>, vector<16xi32>], vector<16xf32>,
    %convert_element_type3A_192 = arith.fptosi %gather3A_191 : vector<16xf32> to vector<16xi32>
    %gather3A_193 = tpu.vector_load_idx %arg11[%convert_element_type3A_177] : memref<16xi32, #tpu.memory_space<vmem>>[vector<16xi32>], vector<16xi32>,
    %add3A_194 = arith.addi %convert_element_type3A_187, %gather3A_193 : vector<16xi32>
    %swap3A_195 = arith.constant 16 : index
    %swap3A_196 = tpu.vector_load %arg13[%swap3A_195] {strides = array<i32>} : memref<64xi32, #tpu.memory_space<vmem>>, vector<16xi32>,
    tpu.vector_store %arg13[%swap3A_195], %add3A_194 {strides = array<i32>} : memref<64xi32, #tpu.memory_space<vmem>>, vector<16xi32>,
    %gather3A_197 = tpu.vector_load_idx %arg11[%convert_element_type3A_182] : memref<16xi32, #tpu.memory_space<vmem>>[vector<16xi32>], vector<16xi32>,
    %add3A_198 = arith.addi %convert_element_type3A_192, %gather3A_197 : vector<16xi32>
    %swap3A_199 = arith.constant 16 : index
    %swap3A_200 = tpu.vector_load %arg14[%swap3A_199] {strides = array<i32>} : memref<64xi32, #tpu.memory_space<vmem>>, vector<16xi32>,
    tpu.vector_store %arg14[%swap3A_199], %add3A_198 {strides = array<i32>} : memref<64xi32, #tpu.memory_space<vmem>>, vector<16xi32>,
    %add3A_201 = arith.constant 32 : i32
    %add3A_202 = vector.broadcast %add3A_201 : i32 to vector<16xi32>
    %add3A_203 = arith.addi %iota3A_142, %add3A_202 : vector<16xi32>
    %gather3A_204 = tpu.vector_load_idx %arg12[%add3A_203, %broadcast_in_dim3A_144] : memref<64x8xf32, #tpu.memory_space<vmem>>[vector<16xi32>, vector<16xi32>], vector<16xf32>,
    %convert_element_type3A_205 = arith.fptosi %gather3A_204 : vector<16xf32> to vector<16xi32>
    %add3A_206 = arith.constant 1 : i32
    %add3A_207 = vector.broadcast %add3A_206 : i32 to vector<16xi32>
    %add3A_208 = arith.addi %broadcast_in_dim3A_144, %add3A_207 : vector<16xi32>
    %gather3A_209 = tpu.vector_load_idx %arg12[%add3A_203, %add3A_208] : memref<64x8xf32, #tpu.memory_space<vmem>>[vector<16xi32>, vector<16xi32>], vector<16xf32>,
    %convert_element_type3A_210 = arith.fptosi %gather3A_209 : vector<16xf32> to vector<16xi32>
    %add3A_211 = arith.constant 2 : i32
    %add3A_212 = vector.broadcast %add3A_211 : i32 to vector<16xi32>
    %add3A_213 = arith.addi %broadcast_in_dim3A_144, %add3A_212 : vector<16xi32>
    %gather3A_214 = tpu.vector_load_idx %arg12[%add3A_203, %add3A_213] : memref<64x8xf32, #tpu.memory_space<vmem>>[vector<16xi32>, vector<16xi32>], vector<16xf32>,
    %convert_element_type3A_215 = arith.fptosi %gather3A_214 : vector<16xf32> to vector<16xi32>
    %add3A_216 = arith.constant 3 : i32
    %add3A_217 = vector.broadcast %add3A_216 : i32 to vector<16xi32>
    %add3A_218 = arith.addi %broadcast_in_dim3A_144, %add3A_217 : vector<16xi32>
    %gather3A_219 = tpu.vector_load_idx %arg12[%add3A_203, %add3A_218] : memref<64x8xf32, #tpu.memory_space<vmem>>[vector<16xi32>, vector<16xi32>], vector<16xf32>,
    %convert_element_type3A_220 = arith.fptosi %gather3A_219 : vector<16xf32> to vector<16xi32>
    %gather3A_221 = tpu.vector_load_idx %arg11[%convert_element_type3A_205] : memref<16xi32, #tpu.memory_space<vmem>>[vector<16xi32>], vector<16xi32>,
    %add3A_222 = arith.addi %convert_element_type3A_215, %gather3A_221 : vector<16xi32>
    %swap3A_223 = arith.constant 32 : index
    %swap3A_224 = tpu.vector_load %arg13[%swap3A_223] {strides = array<i32>} : memref<64xi32, #tpu.memory_space<vmem>>, vector<16xi32>,
    tpu.vector_store %arg13[%swap3A_223], %add3A_222 {strides = array<i32>} : memref<64xi32, #tpu.memory_space<vmem>>, vector<16xi32>,
    %gather3A_225 = tpu.vector_load_idx %arg11[%convert_element_type3A_210] : memref<16xi32, #tpu.memory_space<vmem>>[vector<16xi32>], vector<16xi32>,
    %add3A_226 = arith.addi %convert_element_type3A_220, %gather3A_225 : vector<16xi32>
    %swap3A_227 = arith.constant 32 : index
    %swap3A_228 = tpu.vector_load %arg14[%swap3A_227] {strides = array<i32>} : memref<64xi32, #tpu.memory_space<vmem>>, vector<16xi32>,
    tpu.vector_store %arg14[%swap3A_227], %add3A_226 {strides = array<i32>} : memref<64xi32, #tpu.memory_space<vmem>>, vector<16xi32>,
    %add3A_229 = arith.constant 48 : i32
    %add3A_230 = vector.broadcast %add3A_229 : i32 to vector<16xi32>
    %add3A_231 = arith.addi %iota3A_142, %add3A_230 : vector<16xi32>
    %gather3A_232 = tpu.vector_load_idx %arg12[%add3A_231, %broadcast_in_dim3A_144] : memref<64x8xf32, #tpu.memory_space<vmem>>[vector<16xi32>, vector<16xi32>], vector<16xf32>,
    %convert_element_type3A_233 = arith.fptosi %gather3A_232 : vector<16xf32> to vector<16xi32>
    %add3A_234 = arith.constant 1 : i32
    %add3A_235 = vector.broadcast %add3A_234 : i32 to vector<16xi32>
    %add3A_236 = arith.addi %broadcast_in_dim3A_144, %add3A_235 : vector<16xi32>
    %gather3A_237 = tpu.vector_load_idx %arg12[%add3A_231, %add3A_236] : memref<64x8xf32, #tpu.memory_space<vmem>>[vector<16xi32>, vector<16xi32>], vector<16xf32>,
    %convert_element_type3A_238 = arith.fptosi %gather3A_237 : vector<16xf32> to vector<16xi32>
    %add3A_239 = arith.constant 2 : i32
    %add3A_240 = vector.broadcast %add3A_239 : i32 to vector<16xi32>
    %add3A_241 = arith.addi %broadcast_in_dim3A_144, %add3A_240 : vector<16xi32>
    %gather3A_242 = tpu.vector_load_idx %arg12[%add3A_231, %add3A_241] : memref<64x8xf32, #tpu.memory_space<vmem>>[vector<16xi32>, vector<16xi32>], vector<16xf32>,
    %convert_element_type3A_243 = arith.fptosi %gather3A_242 : vector<16xf32> to vector<16xi32>
    %add3A_244 = arith.constant 3 : i32
    %add3A_245 = vector.broadcast %add3A_244 : i32 to vector<16xi32>
    %add3A_246 = arith.addi %broadcast_in_dim3A_144, %add3A_245 : vector<16xi32>
    %gather3A_247 = tpu.vector_load_idx %arg12[%add3A_231, %add3A_246] : memref<64x8xf32, #tpu.memory_space<vmem>>[vector<16xi32>, vector<16xi32>], vector<16xf32>,
    %convert_element_type3A_248 = arith.fptosi %gather3A_247 : vector<16xf32> to vector<16xi32>
    %gather3A_249 = tpu.vector_load_idx %arg11[%convert_element_type3A_233] : memref<16xi32, #tpu.memory_space<vmem>>[vector<16xi32>], vector<16xi32>,
    %add3A_250 = arith.addi %convert_element_type3A_243, %gather3A_249 : vector<16xi32>
    %swap3A_251 = arith.constant 48 : index
    %swap3A_252 = tpu.vector_load %arg13[%swap3A_251] {strides = array<i32>} : memref<64xi32, #tpu.memory_space<vmem>>, vector<16xi32>,
    tpu.vector_store %arg13[%swap3A_251], %add3A_250 {strides = array<i32>} : memref<64xi32, #tpu.memory_space<vmem>>, vector<16xi32>,
    %gather3A_253 = tpu.vector_load_idx %arg11[%convert_element_type3A_238] : memref<16xi32, #tpu.memory_space<vmem>>[vector<16xi32>], vector<16xi32>,
    %add3A_254 = arith.addi %convert_element_type3A_248, %gather3A_253 : vector<16xi32>
    %swap3A_255 = arith.constant 48 : index
    %swap3A_256 = tpu.vector_load %arg14[%swap3A_255] {strides = array<i32>} : memref<64xi32, #tpu.memory_space<vmem>>, vector<16xi32>,
    tpu.vector_store %arg14[%swap3A_255], %add3A_254 {strides = array<i32>} : memref<64xi32, #tpu.memory_space<vmem>>, vector<16xi32>,
    "tpu.region"() ({
      %run_scoped3A = tpu.sem_alloc : memref<!tpu.dma_semaphore, #tpu.memory_space<semaphore_mem>>
      %dma_start3A_382 = tpu.memref_slice %arg6[%mul3A_2] : memref<2048xi32, #tpu.memory_space<hbm>> -> memref<64xi32, #tpu.memory_space<hbm>>
      %dma_start3A_383 = tpu.memref_slice %arg6[%mul3A_2] : memref<2048xi32, #tpu.memory_space<hbm>> -> memref<64xi32, #tpu.memory_space<hbm>>
      tpu.enqueue_dma source(%arg13 : memref<64xi32, #tpu.memory_space<vmem>>) target(%dma_start3A_383 : memref<64xi32, #tpu.memory_space<hbm>>) target_semaphore(%run_scoped3A : memref<!tpu.dma_semaphore, #tpu.memory_space<semaphore_mem>>)
      %dma_wait3A_384 = tpu.memref_slice %arg6[%mul3A_2] : memref<2048xi32, #tpu.memory_space<hbm>> -> memref<64xi32, #tpu.memory_space<hbm>>
      %dma_wait3A_385 = tpu.memref_slice %arg6[%mul3A_2] : memref<2048xi32, #tpu.memory_space<hbm>> -> memref<64xi32, #tpu.memory_space<hbm>>
      tpu.wait_dma2 semaphore(%run_scoped3A : memref<!tpu.dma_semaphore, #tpu.memory_space<semaphore_mem>>) src(%arg13 : memref<64xi32, #tpu.memory_space<vmem>>) dst(%dma_wait3A_385 : memref<64xi32, #tpu.memory_space<hbm>>)
      tpu.yield
    }) : () -> ()
    "tpu.region"() ({
      %run_scoped3A = tpu.sem_alloc : memref<!tpu.dma_semaphore, #tpu.memory_space<semaphore_mem>>
      %dma_start3A_382 = tpu.memref_slice %arg7[%mul3A_2] : memref<2048xi32, #tpu.memory_space<hbm>> -> memref<64xi32, #tpu.memory_space<hbm>>
      %dma_start3A_383 = tpu.memref_slice %arg7[%mul3A_2] : memref<2048xi32, #tpu.memory_space<hbm>> -> memref<64xi32, #tpu.memory_space<hbm>>
      tpu.enqueue_dma source(%arg14 : memref<64xi32, #tpu.memory_space<vmem>>) target(%dma_start3A_383 : memref<64xi32, #tpu.memory_space<hbm>>) target_semaphore(%run_scoped3A : memref<!tpu.dma_semaphore, #tpu.memory_space<semaphore_mem>>)
      %dma_wait3A_384 = tpu.memref_slice %arg7[%mul3A_2] : memref<2048xi32, #tpu.memory_space<hbm>> -> memref<64xi32, #tpu.memory_space<hbm>>
      %dma_wait3A_385 = tpu.memref_slice %arg7[%mul3A_2] : memref<2048xi32, #tpu.memory_space<hbm>> -> memref<64xi32, #tpu.memory_space<hbm>>
      tpu.wait_dma2 semaphore(%run_scoped3A : memref<!tpu.dma_semaphore, #tpu.memory_space<semaphore_mem>>) src(%arg14 : memref<64xi32, #tpu.memory_space<vmem>>) dst(%dma_wait3A_385 : memref<64xi32, #tpu.memory_space<hbm>>)
      tpu.yield
    }) : () -> ()
    "tpu.region"() ({
      %run_scoped3A = tpu.sem_alloc : memref<!tpu.dma_semaphore, #tpu.memory_space<semaphore_mem>>
      %dma_start3A_382 = arith.constant 0 : i32
      %dma_start3A_383 = tpu.memref_slice %arg4[%mul3A_2, %dma_start3A_382] : memref<2048x768xf32, #tpu.memory_space<hbm>> -> memref<64x768xf32, #tpu.memory_space<hbm>>
      %dma_start3A_384 = arith.constant 0 : i32
      %dma_start3A_385 = tpu.memref_slice %arg4[%mul3A_2, %dma_start3A_384] : memref<2048x768xf32, #tpu.memory_space<hbm>> -> memref<64x768xf32, #tpu.memory_space<hbm>>
      tpu.enqueue_dma source(%dma_start3A_385 : memref<64x768xf32, #tpu.memory_space<hbm>>) target(%arg15 : memref<64x768xf32, #tpu.memory_space<vmem>>) target_semaphore(%run_scoped3A : memref<!tpu.dma_semaphore, #tpu.memory_space<semaphore_mem>>)
      %dma_wait3A_386 = arith.constant 0 : i32
      %dma_wait3A_387 = tpu.memref_slice %arg4[%mul3A_2, %dma_wait3A_386] : memref<2048x768xf32, #tpu.memory_space<hbm>> -> memref<64x768xf32, #tpu.memory_space<hbm>>
      %dma_wait3A_388 = arith.constant 0 : i32
      %dma_wait3A_389 = tpu.memref_slice %arg4[%mul3A_2, %dma_wait3A_388] : memref<2048x768xf32, #tpu.memory_space<hbm>> -> memref<64x768xf32, #tpu.memory_space<hbm>>
      tpu.wait_dma2 semaphore(%run_scoped3A : memref<!tpu.dma_semaphore, #tpu.memory_space<semaphore_mem>>) src(%dma_wait3A_389 : memref<64x768xf32, #tpu.memory_space<hbm>>) dst(%arg15 : memref<64x768xf32, #tpu.memory_space<vmem>>)
      tpu.yield
    }) : () -> ()
    %dma_start3A = arith.constant 0 : i32
    %dma_start3A_257 = arith.constant 0 : i32
    %dma_start3A_258 = tpu.memref_slice %arg5[%dma_start3A, %dma_start3A_257] : memref<6144x768xf32, #tpu.memory_space<hbm>> -> memref<6144x768xf32, #tpu.memory_space<hbm>>
    tpu.enqueue_indirect_dma source(%arg15 : memref<64x768xf32, #tpu.memory_space<vmem>>) target(%dma_start3A_258 : memref<6144x768xf32, #tpu.memory_space<hbm>>) offsets(%arg13 : memref<64xi32, #tpu.memory_space<vmem>>) semaphore(%arg18 : memref<!tpu.dma_semaphore, #tpu.memory_space<semaphore_mem>>)
    %dma_wait3A = arith.constant 0 : i32
    %dma_wait3A_259 = arith.constant 0 : i32
    %dma_wait3A_260 = tpu.memref_slice %arg5[%dma_wait3A, %dma_wait3A_259] : memref<6144x768xf32, #tpu.memory_space<hbm>> -> memref<6144x768xf32, #tpu.memory_space<hbm>>
    tpu.wait_indirect_dma semaphore(%arg18 : memref<!tpu.dma_semaphore, #tpu.memory_space<semaphore_mem>>) src(%arg15 : memref<64x768xf32, #tpu.memory_space<vmem>>) dst(%dma_wait3A_260 : memref<6144x768xf32, #tpu.memory_space<hbm>>)
    %dma_start3A_261 = arith.constant 0 : i32
    %dma_start3A_262 = arith.constant 0 : i32
    %dma_start3A_263 = tpu.memref_slice %arg5[%dma_start3A_261, %dma_start3A_262] : memref<6144x768xf32, #tpu.memory_space<hbm>> -> memref<6144x768xf32, #tpu.memory_space<hbm>>
    tpu.enqueue_indirect_dma source(%arg15 : memref<64x768xf32, #tpu.memory_space<vmem>>) target(%dma_start3A_263 : memref<6144x768xf32, #tpu.memory_space<hbm>>) offsets(%arg14 : memref<64xi32, #tpu.memory_space<vmem>>) semaphore(%arg18 : memref<!tpu.dma_semaphore, #tpu.memory_space<semaphore_mem>>)
    %dma_wait3A_264 = arith.constant 0 : i32
    %dma_wait3A_265 = arith.constant 0 : i32
    %dma_wait3A_266 = tpu.memref_slice %arg5[%dma_wait3A_264, %dma_wait3A_265] : memref<6144x768xf32, #tpu.memory_space<hbm>> -> memref<6144x768xf32, #tpu.memory_space<hbm>>
    tpu.wait_indirect_dma semaphore(%arg18 : memref<!tpu.dma_semaphore, #tpu.memory_space<semaphore_mem>>) src(%arg15 : memref<64x768xf32, #tpu.memory_space<vmem>>) dst(%dma_wait3A_266 : memref<6144x768xf32, #tpu.memory_space<hbm>>)
    %add3A_267 = arith.constant 0 : i32
    %add3A_268 = vector.broadcast %add3A_267 : i32 to vector<16xi32>
    %add3A_269 = arith.addi %iota3A_142, %add3A_268 : vector<16xi32>
    %add3A_270 = arith.constant 4 : i32
    %add3A_271 = vector.broadcast %add3A_270 : i32 to vector<16xi32>
    %add3A_272 = arith.addi %broadcast_in_dim3A_144, %add3A_271 : vector<16xi32>
    %gather3A_273 = tpu.vector_load_idx %arg12[%add3A_269, %add3A_272] : memref<64x8xf32, #tpu.memory_space<vmem>>[vector<16xi32>, vector<16xi32>], vector<16xf32>,
    %scan3A = arith.constant 0 : i32
    %scan3A_274 = arith.constant 0 : i32
    %scan3A_275 = arith.constant 16 : i32
    %scan3A_276 = arith.addi %scan3A_274, %scan3A_275 : i32
    %scan3A_277 = arith.constant 1 : i32
    scf.for %scan3A_382 = %scan3A_274 to %scan3A_276 step %scan3A_277  : i32 {
      %broadcast_in_dim3A_383 = vector.broadcast %scan3A_382 : i32 to vector<16xi32>
      %reshape3A_384 = vector.shape_cast %broadcast_in_dim3A_383 : vector<16xi32> to vector<16x1xi32>
      %gather3A_385 = vector.shape_cast %reshape3A_384 : vector<16x1xi32> to vector<16xi32>
      %gather3A_386 = tpu.dynamic_gather %gather3A_273[%gather3A_385] in [0] : vector<16xf32>, vector<16xi32> -> vector<16xf32>
      %add3A_387 = arith.constant 0 : i32
      %add3A_388 = arith.addi %add3A_387, %scan3A_382 : i32
      %swap3A_389 = arith.index_cast %add3A_388 : i32 to index
      %swap3A_390 = arith.constant 0 : index
      %swap3A_391 = tpu.vector_load %arg17[%swap3A_389, %swap3A_390] {strides = array<i32>} : memref<64x128xf32, #tpu.memory_space<vmem>>, vector<16xf32>,
      tpu.vector_store %arg17[%swap3A_389, %swap3A_390], %gather3A_386 {strides = array<i32>} : memref<64x128xf32, #tpu.memory_space<vmem>>, vector<16xf32>,
    }
    %scan3A_278 = arith.constant 16 : i32
    %add3A_279 = arith.constant 16 : i32
    %add3A_280 = vector.broadcast %add3A_279 : i32 to vector<16xi32>
    %add3A_281 = arith.addi %iota3A_142, %add3A_280 : vector<16xi32>
    %add3A_282 = arith.constant 4 : i32
    %add3A_283 = vector.broadcast %add3A_282 : i32 to vector<16xi32>
    %add3A_284 = arith.addi %broadcast_in_dim3A_144, %add3A_283 : vector<16xi32>
    %gather3A_285 = tpu.vector_load_idx %arg12[%add3A_281, %add3A_284] : memref<64x8xf32, #tpu.memory_space<vmem>>[vector<16xi32>, vector<16xi32>], vector<16xf32>,
    %scan3A_286 = arith.constant 0 : i32
    %scan3A_287 = arith.constant 0 : i32
    %scan3A_288 = arith.constant 16 : i32
    %scan3A_289 = arith.addi %scan3A_287, %scan3A_288 : i32
    %scan3A_290 = arith.constant 1 : i32
    scf.for %scan3A_382 = %scan3A_287 to %scan3A_289 step %scan3A_290  : i32 {
      %broadcast_in_dim3A_383 = vector.broadcast %scan3A_382 : i32 to vector<16xi32>
      %reshape3A_384 = vector.shape_cast %broadcast_in_dim3A_383 : vector<16xi32> to vector<16x1xi32>
      %gather3A_385 = vector.shape_cast %reshape3A_384 : vector<16x1xi32> to vector<16xi32>
      %gather3A_386 = tpu.dynamic_gather %gather3A_285[%gather3A_385] in [0] : vector<16xf32>, vector<16xi32> -> vector<16xf32>
      %add3A_387 = arith.constant 16 : i32
      %add3A_388 = arith.addi %add3A_387, %scan3A_382 : i32
      %swap3A_389 = arith.index_cast %add3A_388 : i32 to index
      %swap3A_390 = arith.constant 0 : index
      %swap3A_391 = tpu.vector_load %arg17[%swap3A_389, %swap3A_390] {strides = array<i32>} : memref<64x128xf32, #tpu.memory_space<vmem>>, vector<16xf32>,
      tpu.vector_store %arg17[%swap3A_389, %swap3A_390], %gather3A_386 {strides = array<i32>} : memref<64x128xf32, #tpu.memory_space<vmem>>, vector<16xf32>,
    }
    %scan3A_291 = arith.constant 16 : i32
    %add3A_292 = arith.constant 32 : i32
    %add3A_293 = vector.broadcast %add3A_292 : i32 to vector<16xi32>
    %add3A_294 = arith.addi %iota3A_142, %add3A_293 : vector<16xi32>
    %add3A_295 = arith.constant 4 : i32
    %add3A_296 = vector.broadcast %add3A_295 : i32 to vector<16xi32>
    %add3A_297 = arith.addi %broadcast_in_dim3A_144, %add3A_296 : vector<16xi32>
    %gather3A_298 = tpu.vector_load_idx %arg12[%add3A_294, %add3A_297] : memref<64x8xf32, #tpu.memory_space<vmem>>[vector<16xi32>, vector<16xi32>], vector<16xf32>,
    %scan3A_299 = arith.constant 0 : i32
    %scan3A_300 = arith.constant 0 : i32
    %scan3A_301 = arith.constant 16 : i32
    %scan3A_302 = arith.addi %scan3A_300, %scan3A_301 : i32
    %scan3A_303 = arith.constant 1 : i32
    scf.for %scan3A_382 = %scan3A_300 to %scan3A_302 step %scan3A_303  : i32 {
      %broadcast_in_dim3A_383 = vector.broadcast %scan3A_382 : i32 to vector<16xi32>
      %reshape3A_384 = vector.shape_cast %broadcast_in_dim3A_383 : vector<16xi32> to vector<16x1xi32>
      %gather3A_385 = vector.shape_cast %reshape3A_384 : vector<16x1xi32> to vector<16xi32>
      %gather3A_386 = tpu.dynamic_gather %gather3A_298[%gather3A_385] in [0] : vector<16xf32>, vector<16xi32> -> vector<16xf32>
      %add3A_387 = arith.constant 32 : i32
      %add3A_388 = arith.addi %add3A_387, %scan3A_382 : i32
      %swap3A_389 = arith.index_cast %add3A_388 : i32 to index
      %swap3A_390 = arith.constant 0 : index
      %swap3A_391 = tpu.vector_load %arg17[%swap3A_389, %swap3A_390] {strides = array<i32>} : memref<64x128xf32, #tpu.memory_space<vmem>>, vector<16xf32>,
      tpu.vector_store %arg17[%swap3A_389, %swap3A_390], %gather3A_386 {strides = array<i32>} : memref<64x128xf32, #tpu.memory_space<vmem>>, vector<16xf32>,
    }
    %scan3A_304 = arith.constant 16 : i32
    %add3A_305 = arith.constant 48 : i32
    %add3A_306 = vector.broadcast %add3A_305 : i32 to vector<16xi32>
    %add3A_307 = arith.addi %iota3A_142, %add3A_306 : vector<16xi32>
    %add3A_308 = arith.constant 4 : i32
    %add3A_309 = vector.broadcast %add3A_308 : i32 to vector<16xi32>
    %add3A_310 = arith.addi %broadcast_in_dim3A_144, %add3A_309 : vector<16xi32>
    %gather3A_311 = tpu.vector_load_idx %arg12[%add3A_307, %add3A_310] : memref<64x8xf32, #tpu.memory_space<vmem>>[vector<16xi32>, vector<16xi32>], vector<16xf32>,
    %scan3A_312 = arith.constant 0 : i32
    %scan3A_313 = arith.constant 0 : i32
    %scan3A_314 = arith.constant 16 : i32
    %scan3A_315 = arith.addi %scan3A_313, %scan3A_314 : i32
    %scan3A_316 = arith.constant 1 : i32
    scf.for %scan3A_382 = %scan3A_313 to %scan3A_315 step %scan3A_316  : i32 {
      %broadcast_in_dim3A_383 = vector.broadcast %scan3A_382 : i32 to vector<16xi32>
      %reshape3A_384 = vector.shape_cast %broadcast_in_dim3A_383 : vector<16xi32> to vector<16x1xi32>
      %gather3A_385 = vector.shape_cast %reshape3A_384 : vector<16x1xi32> to vector<16xi32>
      %gather3A_386 = tpu.dynamic_gather %gather3A_311[%gather3A_385] in [0] : vector<16xf32>, vector<16xi32> -> vector<16xf32>
      %add3A_387 = arith.constant 48 : i32
      %add3A_388 = arith.addi %add3A_387, %scan3A_382 : i32
      %swap3A_389 = arith.index_cast %add3A_388 : i32 to index
      %swap3A_390 = arith.constant 0 : index
      %swap3A_391 = tpu.vector_load %arg17[%swap3A_389, %swap3A_390] {strides = array<i32>} : memref<64x128xf32, #tpu.memory_space<vmem>>, vector<16xf32>,
      tpu.vector_store %arg17[%swap3A_389, %swap3A_390], %gather3A_386 {strides = array<i32>} : memref<64x128xf32, #tpu.memory_space<vmem>>, vector<16xf32>,
    }
    %scan3A_317 = arith.constant 16 : i32
    %dma_start3A_318 = arith.constant 0 : i32
    %dma_start3A_319 = arith.constant 0 : i32
    %dma_start3A_320 = tpu.memref_slice %arg9[%dma_start3A_318, %dma_start3A_319] : memref<6144x128xf32, #tpu.memory_space<hbm>> -> memref<6144x128xf32, #tpu.memory_space<hbm>>
    tpu.enqueue_indirect_dma source(%arg17 : memref<64x128xf32, #tpu.memory_space<vmem>>) target(%dma_start3A_320 : memref<6144x128xf32, #tpu.memory_space<hbm>>) offsets(%arg13 : memref<64xi32, #tpu.memory_space<vmem>>) semaphore(%arg18 : memref<!tpu.dma_semaphore, #tpu.memory_space<semaphore_mem>>)
    %dma_wait3A_321 = arith.constant 0 : i32
    %dma_wait3A_322 = arith.constant 0 : i32
    %dma_wait3A_323 = tpu.memref_slice %arg9[%dma_wait3A_321, %dma_wait3A_322] : memref<6144x128xf32, #tpu.memory_space<hbm>> -> memref<6144x128xf32, #tpu.memory_space<hbm>>
    tpu.wait_indirect_dma semaphore(%arg18 : memref<!tpu.dma_semaphore, #tpu.memory_space<semaphore_mem>>) src(%arg17 : memref<64x128xf32, #tpu.memory_space<vmem>>) dst(%dma_wait3A_323 : memref<6144x128xf32, #tpu.memory_space<hbm>>)
    %add3A_324 = arith.constant 0 : i32
    %add3A_325 = vector.broadcast %add3A_324 : i32 to vector<16xi32>
    %add3A_326 = arith.addi %iota3A_142, %add3A_325 : vector<16xi32>
    %add3A_327 = arith.constant 5 : i32
    %add3A_328 = vector.broadcast %add3A_327 : i32 to vector<16xi32>
    %add3A_329 = arith.addi %broadcast_in_dim3A_144, %add3A_328 : vector<16xi32>
    %gather3A_330 = tpu.vector_load_idx %arg12[%add3A_326, %add3A_329] : memref<64x8xf32, #tpu.memory_space<vmem>>[vector<16xi32>, vector<16xi32>], vector<16xf32>,
    %scan3A_331 = arith.constant 0 : i32
    %scan3A_332 = arith.constant 0 : i32
    %scan3A_333 = arith.constant 16 : i32
    %scan3A_334 = arith.addi %scan3A_332, %scan3A_333 : i32
    %scan3A_335 = arith.constant 1 : i32
    scf.for %scan3A_382 = %scan3A_332 to %scan3A_334 step %scan3A_335  : i32 {
      %broadcast_in_dim3A_383 = vector.broadcast %scan3A_382 : i32 to vector<16xi32>
      %reshape3A_384 = vector.shape_cast %broadcast_in_dim3A_383 : vector<16xi32> to vector<16x1xi32>
      %gather3A_385 = vector.shape_cast %reshape3A_384 : vector<16x1xi32> to vector<16xi32>
      %gather3A_386 = tpu.dynamic_gather %gather3A_330[%gather3A_385] in [0] : vector<16xf32>, vector<16xi32> -> vector<16xf32>
      %add3A_387 = arith.constant 0 : i32
      %add3A_388 = arith.addi %add3A_387, %scan3A_382 : i32
      %swap3A_389 = arith.index_cast %add3A_388 : i32 to index
      %swap3A_390 = arith.constant 0 : index
      %swap3A_391 = tpu.vector_load %arg17[%swap3A_389, %swap3A_390] {strides = array<i32>} : memref<64x128xf32, #tpu.memory_space<vmem>>, vector<16xf32>,
      tpu.vector_store %arg17[%swap3A_389, %swap3A_390], %gather3A_386 {strides = array<i32>} : memref<64x128xf32, #tpu.memory_space<vmem>>, vector<16xf32>,
    }
    %scan3A_336 = arith.constant 16 : i32
    %add3A_337 = arith.constant 16 : i32
    %add3A_338 = vector.broadcast %add3A_337 : i32 to vector<16xi32>
    %add3A_339 = arith.addi %iota3A_142, %add3A_338 : vector<16xi32>
    %add3A_340 = arith.constant 5 : i32
    %add3A_341 = vector.broadcast %add3A_340 : i32 to vector<16xi32>
    %add3A_342 = arith.addi %broadcast_in_dim3A_144, %add3A_341 : vector<16xi32>
    %gather3A_343 = tpu.vector_load_idx %arg12[%add3A_339, %add3A_342] : memref<64x8xf32, #tpu.memory_space<vmem>>[vector<16xi32>, vector<16xi32>], vector<16xf32>,
    %scan3A_344 = arith.constant 0 : i32
    %scan3A_345 = arith.constant 0 : i32
    %scan3A_346 = arith.constant 16 : i32
    %scan3A_347 = arith.addi %scan3A_345, %scan3A_346 : i32
    %scan3A_348 = arith.constant 1 : i32
    scf.for %scan3A_382 = %scan3A_345 to %scan3A_347 step %scan3A_348  : i32 {
      %broadcast_in_dim3A_383 = vector.broadcast %scan3A_382 : i32 to vector<16xi32>
      %reshape3A_384 = vector.shape_cast %broadcast_in_dim3A_383 : vector<16xi32> to vector<16x1xi32>
      %gather3A_385 = vector.shape_cast %reshape3A_384 : vector<16x1xi32> to vector<16xi32>
      %gather3A_386 = tpu.dynamic_gather %gather3A_343[%gather3A_385] in [0] : vector<16xf32>, vector<16xi32> -> vector<16xf32>
      %add3A_387 = arith.constant 16 : i32
      %add3A_388 = arith.addi %add3A_387, %scan3A_382 : i32
      %swap3A_389 = arith.index_cast %add3A_388 : i32 to index
      %swap3A_390 = arith.constant 0 : index
      %swap3A_391 = tpu.vector_load %arg17[%swap3A_389, %swap3A_390] {strides = array<i32>} : memref<64x128xf32, #tpu.memory_space<vmem>>, vector<16xf32>,
      tpu.vector_store %arg17[%swap3A_389, %swap3A_390], %gather3A_386 {strides = array<i32>} : memref<64x128xf32, #tpu.memory_space<vmem>>, vector<16xf32>,
    }
    %scan3A_349 = arith.constant 16 : i32
    %add3A_350 = arith.constant 32 : i32
    %add3A_351 = vector.broadcast %add3A_350 : i32 to vector<16xi32>
    %add3A_352 = arith.addi %iota3A_142, %add3A_351 : vector<16xi32>
    %add3A_353 = arith.constant 5 : i32
    %add3A_354 = vector.broadcast %add3A_353 : i32 to vector<16xi32>
    %add3A_355 = arith.addi %broadcast_in_dim3A_144, %add3A_354 : vector<16xi32>
    %gather3A_356 = tpu.vector_load_idx %arg12[%add3A_352, %add3A_355] : memref<64x8xf32, #tpu.memory_space<vmem>>[vector<16xi32>, vector<16xi32>], vector<16xf32>,
    %scan3A_357 = arith.constant 0 : i32
    %scan3A_358 = arith.constant 0 : i32
    %scan3A_359 = arith.constant 16 : i32
    %scan3A_360 = arith.addi %scan3A_358, %scan3A_359 : i32
    %scan3A_361 = arith.constant 1 : i32
    scf.for %scan3A_382 = %scan3A_358 to %scan3A_360 step %scan3A_361  : i32 {
      %broadcast_in_dim3A_383 = vector.broadcast %scan3A_382 : i32 to vector<16xi32>
      %reshape3A_384 = vector.shape_cast %broadcast_in_dim3A_383 : vector<16xi32> to vector<16x1xi32>
      %gather3A_385 = vector.shape_cast %reshape3A_384 : vector<16x1xi32> to vector<16xi32>
      %gather3A_386 = tpu.dynamic_gather %gather3A_356[%gather3A_385] in [0] : vector<16xf32>, vector<16xi32> -> vector<16xf32>
      %add3A_387 = arith.constant 32 : i32
      %add3A_388 = arith.addi %add3A_387, %scan3A_382 : i32
      %swap3A_389 = arith.index_cast %add3A_388 : i32 to index
      %swap3A_390 = arith.constant 0 : index
      %swap3A_391 = tpu.vector_load %arg17[%swap3A_389, %swap3A_390] {strides = array<i32>} : memref<64x128xf32, #tpu.memory_space<vmem>>, vector<16xf32>,
      tpu.vector_store %arg17[%swap3A_389, %swap3A_390], %gather3A_386 {strides = array<i32>} : memref<64x128xf32, #tpu.memory_space<vmem>>, vector<16xf32>,
    }
    %scan3A_362 = arith.constant 16 : i32
    %add3A_363 = arith.constant 48 : i32
    %add3A_364 = vector.broadcast %add3A_363 : i32 to vector<16xi32>
    %add3A_365 = arith.addi %iota3A_142, %add3A_364 : vector<16xi32>
    %add3A_366 = arith.constant 5 : i32
    %add3A_367 = vector.broadcast %add3A_366 : i32 to vector<16xi32>
    %add3A_368 = arith.addi %broadcast_in_dim3A_144, %add3A_367 : vector<16xi32>
    %gather3A_369 = tpu.vector_load_idx %arg12[%add3A_365, %add3A_368] : memref<64x8xf32, #tpu.memory_space<vmem>>[vector<16xi32>, vector<16xi32>], vector<16xf32>,
    %scan3A_370 = arith.constant 0 : i32
    %scan3A_371 = arith.constant 0 : i32
    %scan3A_372 = arith.constant 16 : i32
    %scan3A_373 = arith.addi %scan3A_371, %scan3A_372 : i32
    %scan3A_374 = arith.constant 1 : i32
    scf.for %scan3A_382 = %scan3A_371 to %scan3A_373 step %scan3A_374  : i32 {
      %broadcast_in_dim3A_383 = vector.broadcast %scan3A_382 : i32 to vector<16xi32>
      %reshape3A_384 = vector.shape_cast %broadcast_in_dim3A_383 : vector<16xi32> to vector<16x1xi32>
      %gather3A_385 = vector.shape_cast %reshape3A_384 : vector<16x1xi32> to vector<16xi32>
      %gather3A_386 = tpu.dynamic_gather %gather3A_369[%gather3A_385] in [0] : vector<16xf32>, vector<16xi32> -> vector<16xf32>
      %add3A_387 = arith.constant 48 : i32
      %add3A_388 = arith.addi %add3A_387, %scan3A_382 : i32
      %swap3A_389 = arith.index_cast %add3A_388 : i32 to index
      %swap3A_390 = arith.constant 0 : index
      %swap3A_391 = tpu.vector_load %arg17[%swap3A_389, %swap3A_390] {strides = array<i32>} : memref<64x128xf32, #tpu.memory_space<vmem>>, vector<16xf32>,
      tpu.vector_store %arg17[%swap3A_389, %swap3A_390], %gather3A_386 {strides = array<i32>} : memref<64x128xf32, #tpu.memory_space<vmem>>, vector<16xf32>,
    }
    %scan3A_375 = arith.constant 16 : i32
    %dma_start3A_376 = arith.constant 0 : i32
    %dma_start3A_377 = arith.constant 0 : i32
    %dma_start3A_378 = tpu.memref_slice %arg9[%dma_start3A_376, %dma_start3A_377] : memref<6144x128xf32, #tpu.memory_space<hbm>> -> memref<6144x128xf32, #tpu.memory_space<hbm>>
    tpu.enqueue_indirect_dma source(%arg17 : memref<64x128xf32, #tpu.memory_space<vmem>>) target(%dma_start3A_378 : memref<6144x128xf32, #tpu.memory_space<hbm>>) offsets(%arg14 : memref<64xi32, #tpu.memory_space<vmem>>) semaphore(%arg18 : memref<!tpu.dma_semaphore, #tpu.memory_space<semaphore_mem>>)
    %dma_wait3A_379 = arith.constant 0 : i32
    %dma_wait3A_380 = arith.constant 0 : i32
    %dma_wait3A_381 = tpu.memref_slice %arg9[%dma_wait3A_379, %dma_wait3A_380] : memref<6144x128xf32, #tpu.memory_space<hbm>> -> memref<6144x128xf32, #tpu.memory_space<hbm>>
    tpu.wait_indirect_dma semaphore(%arg18 : memref<!tpu.dma_semaphore, #tpu.memory_space<semaphore_mem>>) src(%arg17 : memref<64x128xf32, #tpu.memory_space<vmem>>) dst(%dma_wait3A_381 : memref<6144x128xf32, #tpu.memory_space<hbm>>)
    return
  }
}

module attributes {stable_mosaic.version = 14 : i64} {
  func.func @_expert_mm_kernel(%arg0: i32, %arg1: memref<5x32xi32, #tpu.memory_space<smem>>, %arg2: memref<256x768xf32, #tpu.memory_space<vmem>>, %arg3: memref<256x128xf32, #tpu.memory_space<vmem>>, %arg4: memref<8x1536x768xf32, #tpu.memory_space<any>>, %arg5: memref<8x1536x768xf32, #tpu.memory_space<any>>, %arg6: memref<8x768x1536xf32, #tpu.memory_space<any>>, %arg7: memref<256x768xf32, #tpu.memory_space<vmem>>, %arg8: memref<2x1536x768xf32, #tpu.memory_space<vmem>>, %arg9: memref<2x1536x768xf32, #tpu.memory_space<vmem>>, %arg10: memref<2x768x1536xf32, #tpu.memory_space<vmem>>, %arg11: memref<2x!tpu.dma_semaphore, #tpu.memory_space<semaphore_mem>>) attributes {dimension_semantics = [#tpu.dimension_semantics<arbitrary>], iteration_bounds = array<i64: 24>, scalar_prefetch = 1 : i64, scratch_operands = 4 : i64, tpu.core_type = #tpu.core_type<tc>, window_params = [{transform_indices = @transform_0, window_bounds = array<i64: 256, 768>}, {transform_indices = @transform_1, window_bounds = array<i64: 256, 128>}, {}, {}, {}, {transform_indices = @transform_5, window_bounds = array<i64: 256, 768>}]} {
    %get3A = arith.constant 0 : index
    %get3A_0 = arith.index_cast %arg0 : i32 to index
    %get3A_1 = memref.load %arg1[%get3A, %get3A_0] : memref<5x32xi32, #tpu.memory_space<smem>>
    %get3A_2 = arith.constant 1 : index
    %get3A_3 = arith.index_cast %arg0 : i32 to index
    %get3A_4 = memref.load %arg1[%get3A_2, %get3A_3] : memref<5x32xi32, #tpu.memory_space<smem>>
    %get3A_5 = arith.constant 2 : index
    %get3A_6 = arith.index_cast %arg0 : i32 to index
    %get3A_7 = memref.load %arg1[%get3A_5, %get3A_6] : memref<5x32xi32, #tpu.memory_space<smem>>
    %get3A_8 = arith.constant 3 : index
    %get3A_9 = arith.index_cast %arg0 : i32 to index
    %get3A_10 = memref.load %arg1[%get3A_8, %get3A_9] : memref<5x32xi32, #tpu.memory_space<smem>>
    %eq3A = arith.cmpi eq, %get3A_10, %arg0 : i32
    %get3A_11 = arith.constant 4 : index
    %get3A_12 = arith.index_cast %arg0 : i32 to index
    %get3A_13 = memref.load %arg1[%get3A_11, %get3A_12] : memref<5x32xi32, #tpu.memory_space<smem>>
    %eq3A_14 = arith.constant 0 : i32
    %eq3A_15 = arith.cmpi eq, %arg0, %eq3A_14 : i32
    %convert_element_type3A = arith.extui %eq3A_15 : i1 to i32
    %cond3A = arith.constant 0 : i32
    %cond3A_16 = arith.cmpi ne, %convert_element_type3A, %cond3A : i32
    scf.if %cond3A_16 {
      %dma_start3A = tpu.memref_slice %arg11[%get3A_13] : memref<2x!tpu.dma_semaphore, #tpu.memory_space<semaphore_mem>> -> memref<1x!tpu.dma_semaphore, #tpu.memory_space<semaphore_mem>>
      %dma_start3A_25 = tpu.memref_squeeze %dma_start3A : memref<1x!tpu.dma_semaphore, #tpu.memory_space<semaphore_mem>> -> memref<!tpu.dma_semaphore, #tpu.memory_space<semaphore_mem>>
      %dma_start3A_26 = arith.constant 0 : i32
      %dma_start3A_27 = arith.constant 0 : i32
      %dma_start3A_28 = tpu.memref_slice %arg8[%get3A_13, %dma_start3A_26, %dma_start3A_27] : memref<2x1536x768xf32, #tpu.memory_space<vmem>> -> memref<1x1536x768xf32, #tpu.memory_space<vmem>>
      %dma_start3A_29 = tpu.memref_squeeze %dma_start3A_28 : memref<1x1536x768xf32, #tpu.memory_space<vmem>> -> memref<1536x768xf32, #tpu.memory_space<vmem>>
      %dma_start3A_30 = arith.constant 0 : i32
      %dma_start3A_31 = arith.constant 0 : i32
      %dma_start3A_32 = tpu.memref_slice %arg4[%get3A_1, %dma_start3A_30, %dma_start3A_31] : memref<8x1536x768xf32, #tpu.memory_space<any>> -> memref<1x1536x768xf32, #tpu.memory_space<any>>
      %dma_start3A_33 = tpu.memref_squeeze %dma_start3A_32 : memref<1x1536x768xf32, #tpu.memory_space<any>> -> memref<1536x768xf32, #tpu.memory_space<any>>
      tpu.enqueue_dma source(%dma_start3A_33 : memref<1536x768xf32, #tpu.memory_space<any>>) target(%dma_start3A_29 : memref<1536x768xf32, #tpu.memory_space<vmem>>) target_semaphore(%dma_start3A_25 : memref<!tpu.dma_semaphore, #tpu.memory_space<semaphore_mem>>)
      %dma_start3A_34 = tpu.memref_slice %arg11[%get3A_13] : memref<2x!tpu.dma_semaphore, #tpu.memory_space<semaphore_mem>> -> memref<1x!tpu.dma_semaphore, #tpu.memory_space<semaphore_mem>>
      %dma_start3A_35 = tpu.memref_squeeze %dma_start3A_34 : memref<1x!tpu.dma_semaphore, #tpu.memory_space<semaphore_mem>> -> memref<!tpu.dma_semaphore, #tpu.memory_space<semaphore_mem>>
      %dma_start3A_36 = arith.constant 0 : i32
      %dma_start3A_37 = arith.constant 0 : i32
      %dma_start3A_38 = tpu.memref_slice %arg9[%get3A_13, %dma_start3A_36, %dma_start3A_37] : memref<2x1536x768xf32, #tpu.memory_space<vmem>> -> memref<1x1536x768xf32, #tpu.memory_space<vmem>>
      %dma_start3A_39 = tpu.memref_squeeze %dma_start3A_38 : memref<1x1536x768xf32, #tpu.memory_space<vmem>> -> memref<1536x768xf32, #tpu.memory_space<vmem>>
      %dma_start3A_40 = arith.constant 0 : i32
      %dma_start3A_41 = arith.constant 0 : i32
      %dma_start3A_42 = tpu.memref_slice %arg5[%get3A_1, %dma_start3A_40, %dma_start3A_41] : memref<8x1536x768xf32, #tpu.memory_space<any>> -> memref<1x1536x768xf32, #tpu.memory_space<any>>
      %dma_start3A_43 = tpu.memref_squeeze %dma_start3A_42 : memref<1x1536x768xf32, #tpu.memory_space<any>> -> memref<1536x768xf32, #tpu.memory_space<any>>
      tpu.enqueue_dma source(%dma_start3A_43 : memref<1536x768xf32, #tpu.memory_space<any>>) target(%dma_start3A_39 : memref<1536x768xf32, #tpu.memory_space<vmem>>) target_semaphore(%dma_start3A_35 : memref<!tpu.dma_semaphore, #tpu.memory_space<semaphore_mem>>)
      %dma_start3A_44 = tpu.memref_slice %arg11[%get3A_13] : memref<2x!tpu.dma_semaphore, #tpu.memory_space<semaphore_mem>> -> memref<1x!tpu.dma_semaphore, #tpu.memory_space<semaphore_mem>>
      %dma_start3A_45 = tpu.memref_squeeze %dma_start3A_44 : memref<1x!tpu.dma_semaphore, #tpu.memory_space<semaphore_mem>> -> memref<!tpu.dma_semaphore, #tpu.memory_space<semaphore_mem>>
      %dma_start3A_46 = arith.constant 0 : i32
      %dma_start3A_47 = arith.constant 0 : i32
      %dma_start3A_48 = tpu.memref_slice %arg10[%get3A_13, %dma_start3A_46, %dma_start3A_47] : memref<2x768x1536xf32, #tpu.memory_space<vmem>> -> memref<1x768x1536xf32, #tpu.memory_space<vmem>>
      %dma_start3A_49 = tpu.memref_squeeze %dma_start3A_48 : memref<1x768x1536xf32, #tpu.memory_space<vmem>> -> memref<768x1536xf32, #tpu.memory_space<vmem>>
      %dma_start3A_50 = arith.constant 0 : i32
      %dma_start3A_51 = arith.constant 0 : i32
      %dma_start3A_52 = tpu.memref_slice %arg6[%get3A_1, %dma_start3A_50, %dma_start3A_51] : memref<8x768x1536xf32, #tpu.memory_space<any>> -> memref<1x768x1536xf32, #tpu.memory_space<any>>
      %dma_start3A_53 = tpu.memref_squeeze %dma_start3A_52 : memref<1x768x1536xf32, #tpu.memory_space<any>> -> memref<768x1536xf32, #tpu.memory_space<any>>
      tpu.enqueue_dma source(%dma_start3A_53 : memref<768x1536xf32, #tpu.memory_space<any>>) target(%dma_start3A_49 : memref<768x1536xf32, #tpu.memory_space<vmem>>) target_semaphore(%dma_start3A_45 : memref<!tpu.dma_semaphore, #tpu.memory_space<semaphore_mem>>)
    } else {
    }
    %eq3A_17 = arith.constant 1 : i32
    %eq3A_18 = arith.cmpi eq, %get3A_4, %eq3A_17 : i32
    %convert_element_type3A_19 = arith.extui %eq3A_18 : i1 to i32
    %cond3A_20 = arith.constant 0 : i32
    %cond3A_21 = arith.cmpi ne, %convert_element_type3A_19, %cond3A_20 : i32
    scf.if %cond3A_21 {
      %lt3A = arith.constant 8 : i32
      %lt3A_25 = arith.cmpi slt, %get3A_7, %lt3A : i32
      %convert_element_type3A_26 = arith.extui %lt3A_25 : i1 to i32
      %cond3A_27 = arith.constant 0 : i32
      %cond3A_28 = arith.cmpi ne, %convert_element_type3A_26, %cond3A_27 : i32
      scf.if %cond3A_28 {
        %sub3A = arith.constant 1 : i32
        %sub3A_58 = arith.subi %sub3A, %get3A_13 : i32
        %dma_start3A = tpu.memref_slice %arg11[%sub3A_58] : memref<2x!tpu.dma_semaphore, #tpu.memory_space<semaphore_mem>> -> memref<1x!tpu.dma_semaphore, #tpu.memory_space<semaphore_mem>>
        %dma_start3A_59 = tpu.memref_squeeze %dma_start3A : memref<1x!tpu.dma_semaphore, #tpu.memory_space<semaphore_mem>> -> memref<!tpu.dma_semaphore, #tpu.memory_space<semaphore_mem>>
        %dma_start3A_60 = arith.constant 0 : i32
        %dma_start3A_61 = arith.constant 0 : i32
        %dma_start3A_62 = tpu.memref_slice %arg8[%sub3A_58, %dma_start3A_60, %dma_start3A_61] : memref<2x1536x768xf32, #tpu.memory_space<vmem>> -> memref<1x1536x768xf32, #tpu.memory_space<vmem>>
        %dma_start3A_63 = tpu.memref_squeeze %dma_start3A_62 : memref<1x1536x768xf32, #tpu.memory_space<vmem>> -> memref<1536x768xf32, #tpu.memory_space<vmem>>
        %dma_start3A_64 = arith.constant 0 : i32
        %dma_start3A_65 = arith.constant 0 : i32
        %dma_start3A_66 = tpu.memref_slice %arg4[%get3A_7, %dma_start3A_64, %dma_start3A_65] : memref<8x1536x768xf32, #tpu.memory_space<any>> -> memref<1x1536x768xf32, #tpu.memory_space<any>>
        %dma_start3A_67 = tpu.memref_squeeze %dma_start3A_66 : memref<1x1536x768xf32, #tpu.memory_space<any>> -> memref<1536x768xf32, #tpu.memory_space<any>>
        tpu.enqueue_dma source(%dma_start3A_67 : memref<1536x768xf32, #tpu.memory_space<any>>) target(%dma_start3A_63 : memref<1536x768xf32, #tpu.memory_space<vmem>>) target_semaphore(%dma_start3A_59 : memref<!tpu.dma_semaphore, #tpu.memory_space<semaphore_mem>>)
        %sub3A_68 = arith.constant 1 : i32
        %sub3A_69 = arith.subi %sub3A_68, %get3A_13 : i32
        %dma_start3A_70 = tpu.memref_slice %arg11[%sub3A_69] : memref<2x!tpu.dma_semaphore, #tpu.memory_space<semaphore_mem>> -> memref<1x!tpu.dma_semaphore, #tpu.memory_space<semaphore_mem>>
        %dma_start3A_71 = tpu.memref_squeeze %dma_start3A_70 : memref<1x!tpu.dma_semaphore, #tpu.memory_space<semaphore_mem>> -> memref<!tpu.dma_semaphore, #tpu.memory_space<semaphore_mem>>
        %dma_start3A_72 = arith.constant 0 : i32
        %dma_start3A_73 = arith.constant 0 : i32
        %dma_start3A_74 = tpu.memref_slice %arg9[%sub3A_69, %dma_start3A_72, %dma_start3A_73] : memref<2x1536x768xf32, #tpu.memory_space<vmem>> -> memref<1x1536x768xf32, #tpu.memory_space<vmem>>
        %dma_start3A_75 = tpu.memref_squeeze %dma_start3A_74 : memref<1x1536x768xf32, #tpu.memory_space<vmem>> -> memref<1536x768xf32, #tpu.memory_space<vmem>>
        %dma_start3A_76 = arith.constant 0 : i32
        %dma_start3A_77 = arith.constant 0 : i32
        %dma_start3A_78 = tpu.memref_slice %arg5[%get3A_7, %dma_start3A_76, %dma_start3A_77] : memref<8x1536x768xf32, #tpu.memory_space<any>> -> memref<1x1536x768xf32, #tpu.memory_space<any>>
        %dma_start3A_79 = tpu.memref_squeeze %dma_start3A_78 : memref<1x1536x768xf32, #tpu.memory_space<any>> -> memref<1536x768xf32, #tpu.memory_space<any>>
        tpu.enqueue_dma source(%dma_start3A_79 : memref<1536x768xf32, #tpu.memory_space<any>>) target(%dma_start3A_75 : memref<1536x768xf32, #tpu.memory_space<vmem>>) target_semaphore(%dma_start3A_71 : memref<!tpu.dma_semaphore, #tpu.memory_space<semaphore_mem>>)
        %sub3A_80 = arith.constant 1 : i32
        %sub3A_81 = arith.subi %sub3A_80, %get3A_13 : i32
        %dma_start3A_82 = tpu.memref_slice %arg11[%sub3A_81] : memref<2x!tpu.dma_semaphore, #tpu.memory_space<semaphore_mem>> -> memref<1x!tpu.dma_semaphore, #tpu.memory_space<semaphore_mem>>
        %dma_start3A_83 = tpu.memref_squeeze %dma_start3A_82 : memref<1x!tpu.dma_semaphore, #tpu.memory_space<semaphore_mem>> -> memref<!tpu.dma_semaphore, #tpu.memory_space<semaphore_mem>>
        %dma_start3A_84 = arith.constant 0 : i32
        %dma_start3A_85 = arith.constant 0 : i32
        %dma_start3A_86 = tpu.memref_slice %arg10[%sub3A_81, %dma_start3A_84, %dma_start3A_85] : memref<2x768x1536xf32, #tpu.memory_space<vmem>> -> memref<1x768x1536xf32, #tpu.memory_space<vmem>>
        %dma_start3A_87 = tpu.memref_squeeze %dma_start3A_86 : memref<1x768x1536xf32, #tpu.memory_space<vmem>> -> memref<768x1536xf32, #tpu.memory_space<vmem>>
        %dma_start3A_88 = arith.constant 0 : i32
        %dma_start3A_89 = arith.constant 0 : i32
        %dma_start3A_90 = tpu.memref_slice %arg6[%get3A_7, %dma_start3A_88, %dma_start3A_89] : memref<8x768x1536xf32, #tpu.memory_space<any>> -> memref<1x768x1536xf32, #tpu.memory_space<any>>
        %dma_start3A_91 = tpu.memref_squeeze %dma_start3A_90 : memref<1x768x1536xf32, #tpu.memory_space<any>> -> memref<768x1536xf32, #tpu.memory_space<any>>
        tpu.enqueue_dma source(%dma_start3A_91 : memref<768x1536xf32, #tpu.memory_space<any>>) target(%dma_start3A_87 : memref<768x1536xf32, #tpu.memory_space<vmem>>) target_semaphore(%dma_start3A_83 : memref<!tpu.dma_semaphore, #tpu.memory_space<semaphore_mem>>)
      } else {
      }
      %dma_wait3A = tpu.memref_slice %arg11[%get3A_13] : memref<2x!tpu.dma_semaphore, #tpu.memory_space<semaphore_mem>> -> memref<1x!tpu.dma_semaphore, #tpu.memory_space<semaphore_mem>>
      %dma_wait3A_29 = tpu.memref_squeeze %dma_wait3A : memref<1x!tpu.dma_semaphore, #tpu.memory_space<semaphore_mem>> -> memref<!tpu.dma_semaphore, #tpu.memory_space<semaphore_mem>>
      %dma_wait3A_30 = arith.constant 0 : i32
      %dma_wait3A_31 = arith.constant 0 : i32
      %dma_wait3A_32 = tpu.memref_slice %arg8[%get3A_13, %dma_wait3A_30, %dma_wait3A_31] : memref<2x1536x768xf32, #tpu.memory_space<vmem>> -> memref<1x1536x768xf32, #tpu.memory_space<vmem>>
      %dma_wait3A_33 = tpu.memref_squeeze %dma_wait3A_32 : memref<1x1536x768xf32, #tpu.memory_space<vmem>> -> memref<1536x768xf32, #tpu.memory_space<vmem>>
      %dma_wait3A_34 = arith.constant 0 : i32
      %dma_wait3A_35 = arith.constant 0 : i32
      %dma_wait3A_36 = tpu.memref_slice %arg4[%get3A_1, %dma_wait3A_34, %dma_wait3A_35] : memref<8x1536x768xf32, #tpu.memory_space<any>> -> memref<1x1536x768xf32, #tpu.memory_space<any>>
      %dma_wait3A_37 = tpu.memref_squeeze %dma_wait3A_36 : memref<1x1536x768xf32, #tpu.memory_space<any>> -> memref<1536x768xf32, #tpu.memory_space<any>>
      tpu.wait_dma2 semaphore(%dma_wait3A_29 : memref<!tpu.dma_semaphore, #tpu.memory_space<semaphore_mem>>) src(%dma_wait3A_37 : memref<1536x768xf32, #tpu.memory_space<any>>) dst(%dma_wait3A_33 : memref<1536x768xf32, #tpu.memory_space<vmem>>)
      %dma_wait3A_38 = tpu.memref_slice %arg11[%get3A_13] : memref<2x!tpu.dma_semaphore, #tpu.memory_space<semaphore_mem>> -> memref<1x!tpu.dma_semaphore, #tpu.memory_space<semaphore_mem>>
      %dma_wait3A_39 = tpu.memref_squeeze %dma_wait3A_38 : memref<1x!tpu.dma_semaphore, #tpu.memory_space<semaphore_mem>> -> memref<!tpu.dma_semaphore, #tpu.memory_space<semaphore_mem>>
      %dma_wait3A_40 = arith.constant 0 : i32
      %dma_wait3A_41 = arith.constant 0 : i32
      %dma_wait3A_42 = tpu.memref_slice %arg9[%get3A_13, %dma_wait3A_40, %dma_wait3A_41] : memref<2x1536x768xf32, #tpu.memory_space<vmem>> -> memref<1x1536x768xf32, #tpu.memory_space<vmem>>
      %dma_wait3A_43 = tpu.memref_squeeze %dma_wait3A_42 : memref<1x1536x768xf32, #tpu.memory_space<vmem>> -> memref<1536x768xf32, #tpu.memory_space<vmem>>
      %dma_wait3A_44 = arith.constant 0 : i32
      %dma_wait3A_45 = arith.constant 0 : i32
      %dma_wait3A_46 = tpu.memref_slice %arg5[%get3A_1, %dma_wait3A_44, %dma_wait3A_45] : memref<8x1536x768xf32, #tpu.memory_space<any>> -> memref<1x1536x768xf32, #tpu.memory_space<any>>
      %dma_wait3A_47 = tpu.memref_squeeze %dma_wait3A_46 : memref<1x1536x768xf32, #tpu.memory_space<any>> -> memref<1536x768xf32, #tpu.memory_space<any>>
      tpu.wait_dma2 semaphore(%dma_wait3A_39 : memref<!tpu.dma_semaphore, #tpu.memory_space<semaphore_mem>>) src(%dma_wait3A_47 : memref<1536x768xf32, #tpu.memory_space<any>>) dst(%dma_wait3A_43 : memref<1536x768xf32, #tpu.memory_space<vmem>>)
      %dma_wait3A_48 = tpu.memref_slice %arg11[%get3A_13] : memref<2x!tpu.dma_semaphore, #tpu.memory_space<semaphore_mem>> -> memref<1x!tpu.dma_semaphore, #tpu.memory_space<semaphore_mem>>
      %dma_wait3A_49 = tpu.memref_squeeze %dma_wait3A_48 : memref<1x!tpu.dma_semaphore, #tpu.memory_space<semaphore_mem>> -> memref<!tpu.dma_semaphore, #tpu.memory_space<semaphore_mem>>
      %dma_wait3A_50 = arith.constant 0 : i32
      %dma_wait3A_51 = arith.constant 0 : i32
      %dma_wait3A_52 = tpu.memref_slice %arg10[%get3A_13, %dma_wait3A_50, %dma_wait3A_51] : memref<2x768x1536xf32, #tpu.memory_space<vmem>> -> memref<1x768x1536xf32, #tpu.memory_space<vmem>>
      %dma_wait3A_53 = tpu.memref_squeeze %dma_wait3A_52 : memref<1x768x1536xf32, #tpu.memory_space<vmem>> -> memref<768x1536xf32, #tpu.memory_space<vmem>>
      %dma_wait3A_54 = arith.constant 0 : i32
      %dma_wait3A_55 = arith.constant 0 : i32
      %dma_wait3A_56 = tpu.memref_slice %arg6[%get3A_1, %dma_wait3A_54, %dma_wait3A_55] : memref<8x768x1536xf32, #tpu.memory_space<any>> -> memref<1x768x1536xf32, #tpu.memory_space<any>>
      %dma_wait3A_57 = tpu.memref_squeeze %dma_wait3A_56 : memref<1x768x1536xf32, #tpu.memory_space<any>> -> memref<768x1536xf32, #tpu.memory_space<any>>
      tpu.wait_dma2 semaphore(%dma_wait3A_49 : memref<!tpu.dma_semaphore, #tpu.memory_space<semaphore_mem>>) src(%dma_wait3A_57 : memref<768x1536xf32, #tpu.memory_space<any>>) dst(%dma_wait3A_53 : memref<768x1536xf32, #tpu.memory_space<vmem>>)
    } else {
    }
    %convert_element_type3A_22 = arith.extui %eq3A : i1 to i32
    %cond3A_23 = arith.constant 0 : i32
    %cond3A_24 = arith.cmpi ne, %convert_element_type3A_22, %cond3A_23 : i32
    scf.if %cond3A_24 {
      %get3A_25 = arith.constant 0 : index
      %get3A_26 = arith.constant 0 : index
      %get3A_27 = vector.load %arg2[%get3A_25, %get3A_26] : memref<256x768xf32, #tpu.memory_space<vmem>>, vector<256x768xf32>
      %get3A_28 = arith.index_cast %get3A_13 : i32 to index
      %get3A_29 = arith.constant 0 : index
      %get3A_30 = arith.constant 0 : index
      %get3A_31 = vector.load %arg8[%get3A_28, %get3A_29, %get3A_30] : memref<2x1536x768xf32, #tpu.memory_space<vmem>>, vector<1x1536x768xf32>
      %get3A_32 = vector.shape_cast %get3A_31 : vector<1x1536x768xf32> to vector<1536x768xf32>
      %dot_general3A = arith.constant dense<0.000000e+00> : vector<256x1536xf32>
      %dot_general3A_33 = tpu.matmul %get3A_27, %get3A_32, %dot_general3A {dimension_numbers = #tpu.dot_dimension_numbers<[1], [1], [0], [0], [0, 0, 1, 0], [], []>, transpose_lhs_hint = false} : vector<256x768xf32>, vector<1536x768xf32>, vector<256x1536xf32> -> vector<256x1536xf32>
      %get3A_34 = arith.index_cast %get3A_13 : i32 to index
      %get3A_35 = arith.constant 0 : index
      %get3A_36 = arith.constant 0 : index
      %get3A_37 = vector.load %arg9[%get3A_34, %get3A_35, %get3A_36] : memref<2x1536x768xf32, #tpu.memory_space<vmem>>, vector<1x1536x768xf32>
      %get3A_38 = vector.shape_cast %get3A_37 : vector<1x1536x768xf32> to vector<1536x768xf32>
      %dot_general3A_39 = arith.constant dense<0.000000e+00> : vector<256x1536xf32>
      %dot_general3A_40 = tpu.matmul %get3A_27, %get3A_38, %dot_general3A_39 {dimension_numbers = #tpu.dot_dimension_numbers<[1], [1], [0], [0], [0, 0, 1, 0], [], []>, transpose_lhs_hint = false} : vector<256x768xf32>, vector<1536x768xf32>, vector<256x1536xf32> -> vector<256x1536xf32>
      %neg3A = arith.constant 0.000000e+00 : f32
      %neg3A_41 = vector.broadcast %neg3A : f32 to vector<256x1536xf32>
      %neg3A_42 = arith.subf %neg3A_41, %dot_general3A_33 : vector<256x1536xf32>
      %exp3A = math.exp %neg3A_42 : vector<256x1536xf32>
      %add3A = arith.constant 1.000000e+00 : f32
      %add3A_43 = vector.broadcast %add3A : f32 to vector<256x1536xf32>
      %add3A_44 = arith.addf %add3A_43, %exp3A : vector<256x1536xf32>
      %div3A = arith.constant 1.000000e+00 : f32
      %div3A_45 = vector.broadcast %div3A : f32 to vector<256x1536xf32>
      %div3A_46 = arith.divf %div3A_45, %add3A_44 : vector<256x1536xf32>
      %mul3A = arith.mulf %dot_general3A_33, %div3A_46 : vector<256x1536xf32>
      %mul3A_47 = arith.mulf %mul3A, %dot_general3A_40 : vector<256x1536xf32>
      %get3A_48 = arith.constant 0 : index
      %get3A_49 = arith.constant 0 : index
      %get3A_50 = vector.load %arg3[%get3A_48, %get3A_49] : memref<256x128xf32, #tpu.memory_space<vmem>>, vector<256x128xf32>
      %slice3A = vector.extract_strided_slice %get3A_50 {offsets = [0, 0], sizes = [256, 1], strides = [1, 1]} : vector<256x128xf32> to vector<256x1xf32>
      %mul3A_51 = vector.broadcast %slice3A : vector<256x1xf32> to vector<256x1536xf32>
      %mul3A_52 = arith.mulf %mul3A_47, %mul3A_51 : vector<256x1536xf32>
      %get3A_53 = arith.index_cast %get3A_13 : i32 to index
      %get3A_54 = arith.constant 0 : index
      %get3A_55 = arith.constant 0 : index
      %get3A_56 = vector.load %arg10[%get3A_53, %get3A_54, %get3A_55] : memref<2x768x1536xf32, #tpu.memory_space<vmem>>, vector<1x768x1536xf32>
      %get3A_57 = vector.shape_cast %get3A_56 : vector<1x768x1536xf32> to vector<768x1536xf32>
      %dot_general3A_58 = arith.constant dense<0.000000e+00> : vector<256x768xf32>
      %dot_general3A_59 = tpu.matmul %mul3A_52, %get3A_57, %dot_general3A_58 {dimension_numbers = #tpu.dot_dimension_numbers<[1], [1], [0], [0], [0, 0, 1, 0], [], []>, transpose_lhs_hint = false} : vector<256x1536xf32>, vector<768x1536xf32>, vector<256x768xf32> -> vector<256x768xf32>
      %swap3A = arith.constant 0 : index
      %swap3A_60 = arith.constant 0 : index
      %swap3A_61 = vector.load %arg7[%swap3A, %swap3A_60] : memref<256x768xf32, #tpu.memory_space<vmem>>, vector<256x768xf32>
      tpu.vector_store %arg7[%swap3A, %swap3A_60], %dot_general3A_59 {strides = array<i32>} : memref<256x768xf32, #tpu.memory_space<vmem>>, vector<256x768xf32>,
    } else {
    }
    return
  }
  func.func @transform_0(%arg0: i32, %arg1: memref<5x32xi32, #tpu.memory_space<smem>>) -> (i32, i32) {
    %get3A = arith.constant 3 : index
    %get3A_0 = arith.index_cast %arg0 : i32 to index
    %get3A_1 = memref.load %arg1[%get3A, %get3A_0] : memref<5x32xi32, #tpu.memory_space<smem>>
    %c0_i32 = arith.constant 0 : i32
    %c0_i32_2 = arith.constant 0 : i32
    return %get3A_1, %c0_i32 : i32, i32
  }
  func.func @transform_1(%arg0: i32, %arg1: memref<5x32xi32, #tpu.memory_space<smem>>) -> (i32, i32) {
    %get3A = arith.constant 3 : index
    %get3A_0 = arith.index_cast %arg0 : i32 to index
    %get3A_1 = memref.load %arg1[%get3A, %get3A_0] : memref<5x32xi32, #tpu.memory_space<smem>>
    %c0_i32 = arith.constant 0 : i32
    %c0_i32_2 = arith.constant 0 : i32
    return %get3A_1, %c0_i32 : i32, i32
  }
  func.func @transform_5(%arg0: i32, %arg1: memref<5x32xi32, #tpu.memory_space<smem>>) -> (i32, i32) {
    %get3A = arith.constant 3 : index
    %get3A_0 = arith.index_cast %arg0 : i32 to index
    %get3A_1 = memref.load %arg1[%get3A, %get3A_0] : memref<5x32xi32, #tpu.memory_space<smem>>
    %c0_i32 = arith.constant 0 : i32
    %c0_i32_2 = arith.constant 0 : i32
    return %get3A_1, %c0_i32 : i32, i32
  }
}

module attributes {stable_mosaic.version = 14 : i64} {
  func.func @_route_kernel(%arg0: i32, %arg1: memref<512x768xf32, #tpu.memory_space<vmem>>, %arg2: memref<8x768xf32, #tpu.memory_space<vmem>>, %arg3: memref<512x8xf32, #tpu.memory_space<vmem>>, %arg4: memref<128xi32, #tpu.memory_space<vmem>>, %arg5: memref<1x8xf32, #tpu.memory_space<vmem>>) attributes {dimension_semantics = [#tpu.dimension_semantics<arbitrary>], iteration_bounds = array<i64: 4>, scalar_prefetch = 0 : i64, scratch_operands = 1 : i64, tpu.core_type = #tpu.core_type<tc>, window_params = [{transform_indices = @transform_0, window_bounds = array<i64: 512, 768>}, {pipeline_mode = #tpu.pipeline_mode<synchronous>, transform_indices = @transform_1, window_bounds = array<i64: 8, 768>}, {transform_indices = @transform_2, window_bounds = array<i64: 512, 8>}, {pipeline_mode = #tpu.pipeline_mode<synchronous>, transform_indices = @transform_3, window_bounds = array<i64: 128>}]} {
    %get3A = arith.constant 0 : index
    %get3A_0 = arith.constant 0 : index
    %get3A_1 = vector.load %arg1[%get3A, %get3A_0] : memref<512x768xf32, #tpu.memory_space<vmem>>, vector<512x768xf32>
    %get3A_2 = arith.constant 0 : index
    %get3A_3 = arith.constant 0 : index
    %get3A_4 = vector.load %arg2[%get3A_2, %get3A_3] : memref<8x768xf32, #tpu.memory_space<vmem>>, vector<8x768xf32>
    %dot_general3A = arith.constant dense<0.000000e+00> : vector<512x8xf32>
    %dot_general3A_5 = tpu.matmul %get3A_1, %get3A_4, %dot_general3A {dimension_numbers = #tpu.dot_dimension_numbers<[1], [1], [0], [0], [0, 0, 1, 0], [], []>, transpose_lhs_hint = false} : vector<512x768xf32>, vector<8x768xf32>, vector<512x8xf32> -> vector<512x8xf32>
    %iota3A = tpu.iota {dimensions = array<i32: 1>} : vector<512x8xi32>
    %reduce_max3A = arith.constant dense<0xFF800000> : vector<512xf32>
    %reduce_max3A_6 = vector.multi_reduction <maximumf>, %dot_general3A_5, %reduce_max3A [1] : vector<512x8xf32> to vector<512xf32>
    %broadcast_in_dim3A = vector.shape_cast %reduce_max3A_6 : vector<512xf32> to vector<512x1xf32>
    %eq3A = vector.broadcast %broadcast_in_dim3A : vector<512x1xf32> to vector<512x8xf32>
    %eq3A_7 = arith.cmpf oeq, %dot_general3A_5, %eq3A : vector<512x8xf32>
    %jit3A = arith.constant 8 : i32
    %broadcast_in_dim3A_8 = vector.broadcast %jit3A : i32 to vector<512x8xi32>
    %select_n3A = arith.select %eq3A_7, %iota3A, %broadcast_in_dim3A_8 : vector<512x8xi1>, vector<512x8xi32>
    %reduce_min3A = arith.constant dense<2147483647> : vector<512xi32>
    %reduce_min3A_9 = vector.multi_reduction <minsi>, %select_n3A, %reduce_min3A [1] : vector<512x8xi32> to vector<512xi32>
    %broadcast_in_dim3A_10 = vector.shape_cast %reduce_min3A_9 : vector<512xi32> to vector<512x1xi32>
    %eq3A_11 = vector.broadcast %broadcast_in_dim3A_10 : vector<512x1xi32> to vector<512x8xi32>
    %eq3A_12 = arith.cmpi eq, %iota3A, %eq3A_11 : vector<512x8xi32>
    %jit3A_13 = arith.constant 0xFF800000 : f32
    %broadcast_in_dim3A_14 = vector.broadcast %jit3A_13 : f32 to vector<512x8xf32>
    %select_n3A_15 = arith.select %eq3A_12, %broadcast_in_dim3A_14, %dot_general3A_5 : vector<512x8xi1>, vector<512x8xf32>
    %reduce_max3A_16 = arith.constant dense<0xFF800000> : vector<512xf32>
    %reduce_max3A_17 = vector.multi_reduction <maximumf>, %select_n3A_15, %reduce_max3A_16 [1] : vector<512x8xf32> to vector<512xf32>
    %broadcast_in_dim3A_18 = vector.shape_cast %reduce_max3A_17 : vector<512xf32> to vector<512x1xf32>
    %eq3A_19 = vector.broadcast %broadcast_in_dim3A_18 : vector<512x1xf32> to vector<512x8xf32>
    %eq3A_20 = arith.cmpf oeq, %select_n3A_15, %eq3A_19 : vector<512x8xf32>
    %jit3A_21 = arith.constant 8 : i32
    %broadcast_in_dim3A_22 = vector.broadcast %jit3A_21 : i32 to vector<512x8xi32>
    %select_n3A_23 = arith.select %eq3A_20, %iota3A, %broadcast_in_dim3A_22 : vector<512x8xi1>, vector<512x8xi32>
    %reduce_min3A_24 = arith.constant dense<2147483647> : vector<512xi32>
    %reduce_min3A_25 = vector.multi_reduction <minsi>, %select_n3A_23, %reduce_min3A_24 [1] : vector<512x8xi32> to vector<512xi32>
    %broadcast_in_dim3A_26 = vector.shape_cast %reduce_min3A_25 : vector<512xi32> to vector<512x1xi32>
    %sub3A = arith.subf %broadcast_in_dim3A_18, %broadcast_in_dim3A : vector<512x1xf32>
    %exp3A = math.exp %sub3A : vector<512x1xf32>
    %add3A = arith.constant 1.000000e+00 : f32
    %add3A_27 = vector.broadcast %add3A : f32 to vector<512x1xf32>
    %add3A_28 = arith.addf %add3A_27, %exp3A : vector<512x1xf32>
    %div3A = arith.constant 1.000000e+00 : f32
    %div3A_29 = vector.broadcast %div3A : f32 to vector<512x1xf32>
    %div3A_30 = arith.divf %div3A_29, %add3A_28 : vector<512x1xf32>
    %sub3A_31 = arith.subf %broadcast_in_dim3A, %broadcast_in_dim3A_18 : vector<512x1xf32>
    %exp3A_32 = math.exp %sub3A_31 : vector<512x1xf32>
    %add3A_33 = arith.constant 1.000000e+00 : f32
    %add3A_34 = vector.broadcast %add3A_33 : f32 to vector<512x1xf32>
    %add3A_35 = arith.addf %add3A_34, %exp3A_32 : vector<512x1xf32>
    %div3A_36 = arith.constant 1.000000e+00 : f32
    %div3A_37 = vector.broadcast %div3A_36 : f32 to vector<512x1xf32>
    %div3A_38 = arith.divf %div3A_37, %add3A_35 : vector<512x1xf32>
    %eq3A_39 = vector.broadcast %broadcast_in_dim3A_10 : vector<512x1xi32> to vector<512x8xi32>
    %eq3A_40 = arith.cmpi eq, %iota3A, %eq3A_39 : vector<512x8xi32>
    %convert_element_type3A = arith.extui %eq3A_40 : vector<512x8xi1> to vector<512x8xi32>
    %convert_element_type3A_41 = arith.sitofp %convert_element_type3A : vector<512x8xi32> to vector<512x8xf32>
    %eq3A_42 = vector.broadcast %broadcast_in_dim3A_26 : vector<512x1xi32> to vector<512x8xi32>
    %eq3A_43 = arith.cmpi eq, %iota3A, %eq3A_42 : vector<512x8xi32>
    %convert_element_type3A_44 = arith.extui %eq3A_43 : vector<512x8xi1> to vector<512x8xi32>
    %convert_element_type3A_45 = arith.sitofp %convert_element_type3A_44 : vector<512x8xi32> to vector<512x8xf32>
    %iota3A_46 = tpu.iota {dimensions = array<i32: 0>} : vector<512x512xi32>
    %iota3A_47 = tpu.iota {dimensions = array<i32: 1>} : vector<512x512xi32>
    %gt3A = arith.cmpi sgt, %iota3A_46, %iota3A_47 : vector<512x512xi32>
    %convert_element_type3A_48 = arith.extui %gt3A : vector<512x512xi1> to vector<512x512xi32>
    %convert_element_type3A_49 = arith.sitofp %convert_element_type3A_48 : vector<512x512xi32> to vector<512x512xf32>
    %convert_element_type3A_50 = arith.truncf %convert_element_type3A_49 : vector<512x512xf32> to vector<512x512xbf16>
    %convert_element_type3A_51 = arith.truncf %convert_element_type3A_41 : vector<512x8xf32> to vector<512x8xbf16>
    %dot_general3A_52 = arith.constant dense<0.000000e+00> : vector<512x8xf32>
    %dot_general3A_53 = tpu.matmul %convert_element_type3A_50, %convert_element_type3A_51, %dot_general3A_52 {dimension_numbers = #tpu.dot_dimension_numbers<[1], [0], [0], [1], [0, 0, 1, 1], [], []>, transpose_lhs_hint = false} : vector<512x512xbf16>, vector<512x8xbf16>, vector<512x8xf32> -> vector<512x8xf32>
    %convert_element_type3A_54 = arith.truncf %convert_element_type3A_45 : vector<512x8xf32> to vector<512x8xbf16>
    %dot_general3A_55 = arith.constant dense<0.000000e+00> : vector<512x8xf32>
    %dot_general3A_56 = tpu.matmul %convert_element_type3A_50, %convert_element_type3A_54, %dot_general3A_55 {dimension_numbers = #tpu.dot_dimension_numbers<[1], [0], [0], [1], [0, 0, 1, 1], [], []>, transpose_lhs_hint = false} : vector<512x512xbf16>, vector<512x8xbf16>, vector<512x8xf32> -> vector<512x8xf32>
    %eq3A_57 = arith.constant 0 : i32
    %eq3A_58 = arith.cmpi eq, %arg0, %eq3A_57 : i32
    %convert_element_type3A_59 = arith.extui %eq3A_58 : i1 to i32
    %cond3A = arith.constant 0 : i32
    %cond3A_60 = arith.cmpi ne, %convert_element_type3A_59, %cond3A : i32
    scf.if %cond3A_60 {
      %broadcast_in_dim3A_99 = arith.constant 0.000000e+00 : f32
      %broadcast_in_dim3A_100 = vector.broadcast %broadcast_in_dim3A_99 : f32 to vector<1x8xf32>
      %swap3A_101 = arith.constant 0 : index
      %swap3A_102 = arith.constant 0 : index
      %swap3A_103 = vector.load %arg5[%swap3A_101, %swap3A_102] : memref<1x8xf32, #tpu.memory_space<vmem>>, vector<1x8xf32>
      tpu.vector_store %arg5[%swap3A_101, %swap3A_102], %broadcast_in_dim3A_100 {strides = array<i32>} : memref<1x8xf32, #tpu.memory_space<vmem>>, vector<1x8xf32>,
    } else {
    }
    %get3A_61 = arith.constant 0 : index
    %get3A_62 = arith.constant 0 : index
    %get3A_63 = vector.load %arg5[%get3A_61, %get3A_62] : memref<1x8xf32, #tpu.memory_space<vmem>>, vector<1x8xf32>
    %reduce_sum3A = arith.constant dense<0.000000e+00> : vector<8xf32>
    %reduce_sum3A_64 = vector.multi_reduction <add>, %convert_element_type3A_41, %reduce_sum3A [0] : vector<512x8xf32> to vector<8xf32>
    %broadcast_in_dim3A_65 = vector.shape_cast %reduce_sum3A_64 : vector<8xf32> to vector<1x8xf32>
    %reduce_sum3A_66 = arith.constant dense<0.000000e+00> : vector<8xf32>
    %reduce_sum3A_67 = vector.multi_reduction <add>, %convert_element_type3A_45, %reduce_sum3A_66 [0] : vector<512x8xf32> to vector<8xf32>
    %broadcast_in_dim3A_68 = vector.shape_cast %reduce_sum3A_67 : vector<8xf32> to vector<1x8xf32>
    %add3A_69 = vector.broadcast %get3A_63 : vector<1x8xf32> to vector<512x8xf32>
    %add3A_70 = arith.addf %dot_general3A_53, %add3A_69 : vector<512x8xf32>
    %mul3A = arith.mulf %add3A_70, %convert_element_type3A_41 : vector<512x8xf32>
    %reduce_sum3A_71 = arith.constant dense<0.000000e+00> : vector<512xf32>
    %reduce_sum3A_72 = vector.multi_reduction <add>, %mul3A, %reduce_sum3A_71 [1] : vector<512x8xf32> to vector<512xf32>
    %broadcast_in_dim3A_73 = vector.shape_cast %reduce_sum3A_72 : vector<512xf32> to vector<512x1xf32>
    %add3A_74 = vector.broadcast %get3A_63 : vector<1x8xf32> to vector<512x8xf32>
    %add3A_75 = arith.addf %dot_general3A_56, %add3A_74 : vector<512x8xf32>
    %add3A_76 = vector.broadcast %broadcast_in_dim3A_65 : vector<1x8xf32> to vector<512x8xf32>
    %add3A_77 = arith.addf %add3A_75, %add3A_76 : vector<512x8xf32>
    %mul3A_78 = arith.mulf %add3A_77, %convert_element_type3A_45 : vector<512x8xf32>
    %reduce_sum3A_79 = arith.constant dense<0.000000e+00> : vector<512xf32>
    %reduce_sum3A_80 = vector.multi_reduction <add>, %mul3A_78, %reduce_sum3A_79 [1] : vector<512x8xf32> to vector<512xf32>
    %broadcast_in_dim3A_81 = vector.shape_cast %reduce_sum3A_80 : vector<512xf32> to vector<512x1xf32>
    %add3A_82 = arith.addf %get3A_63, %broadcast_in_dim3A_65 : vector<1x8xf32>
    %add3A_83 = arith.addf %add3A_82, %broadcast_in_dim3A_68 : vector<1x8xf32>
    %swap3A = arith.constant 0 : index
    %swap3A_84 = arith.constant 0 : index
    %swap3A_85 = vector.load %arg5[%swap3A, %swap3A_84] : memref<1x8xf32, #tpu.memory_space<vmem>>, vector<1x8xf32>
    tpu.vector_store %arg5[%swap3A, %swap3A_84], %add3A_83 {strides = array<i32>} : memref<1x8xf32, #tpu.memory_space<vmem>>, vector<1x8xf32>,
    %convert_element_type3A_86 = arith.sitofp %broadcast_in_dim3A_10 : vector<512x1xi32> to vector<512x1xf32>
    %convert_element_type3A_87 = arith.sitofp %broadcast_in_dim3A_26 : vector<512x1xi32> to vector<512x1xf32>
    %broadcast_in_dim3A_88 = arith.constant 0.000000e+00 : f32
    %broadcast_in_dim3A_89 = vector.broadcast %broadcast_in_dim3A_88 : f32 to vector<512x2xf32>
    %concatenate3A = tpu.concatenate %convert_element_type3A_86, %convert_element_type3A_87, %broadcast_in_dim3A_73, %broadcast_in_dim3A_81, %div3A_30, %div3A_38, %broadcast_in_dim3A_89 in 1 : vector<512x1xf32>, vector<512x1xf32>, vector<512x1xf32>, vector<512x1xf32>, vector<512x1xf32>, vector<512x1xf32>, vector<512x2xf32> -> vector<512x8xf32>
    %swap3A_90 = arith.constant 0 : index
    %swap3A_91 = arith.constant 0 : index
    %swap3A_92 = vector.load %arg3[%swap3A_90, %swap3A_91] : memref<512x8xf32, #tpu.memory_space<vmem>>, vector<512x8xf32>
    tpu.vector_store %arg3[%swap3A_90, %swap3A_91], %concatenate3A {strides = array<i32>} : memref<512x8xf32, #tpu.memory_space<vmem>>, vector<512x8xf32>,
    %broadcast_in_dim3A_93 = arith.constant 0.000000e+00 : f32
    %broadcast_in_dim3A_94 = vector.broadcast %broadcast_in_dim3A_93 : f32 to vector<1x120xf32>
    %concatenate3A_95 = tpu.concatenate %add3A_83, %broadcast_in_dim3A_94 in 1 : vector<1x8xf32>, vector<1x120xf32> -> vector<1x128xf32>
    %convert_element_type3A_96 = arith.fptosi %concatenate3A_95 : vector<1x128xf32> to vector<1x128xi32>
    %reshape3A = vector.shape_cast %convert_element_type3A_96 : vector<1x128xi32> to vector<128xi32>
    %swap3A_97 = arith.constant 0 : index
    %swap3A_98 = vector.load %arg4[%swap3A_97] : memref<128xi32, #tpu.memory_space<vmem>>, vector<128xi32>
    tpu.vector_store %arg4[%swap3A_97], %reshape3A {strides = array<i32>} : memref<128xi32, #tpu.memory_space<vmem>>, vector<128xi32>,
    return
  }
  func.func @transform_0(%arg0: i32) -> (i32, i32) {
    %c0_i32 = arith.constant 0 : i32
    %c0_i32_0 = arith.constant 0 : i32
    return %arg0, %c0_i32 : i32, i32
  }
  func.func @transform_1(%arg0: i32) -> (i32, i32) {
    %c0_i32 = arith.constant 0 : i32
    %c0_i32_0 = arith.constant 0 : i32
    %c0_i32_1 = arith.constant 0 : i32
    return %c0_i32, %c0_i32_0 : i32, i32
  }
  func.func @transform_2(%arg0: i32) -> (i32, i32) {
    %c0_i32 = arith.constant 0 : i32
    %c0_i32_0 = arith.constant 0 : i32
    return %arg0, %c0_i32 : i32, i32
  }
  func.func @transform_3(%arg0: i32) -> i32 {
    %c0_i32 = arith.constant 0 : i32
    %c0_i32_0 = arith.constant 0 : i32
    return %c0_i32 : i32
  }
}

</mosaic_0001>

<sc_bundles>
// kernel: kernel.6.cloned.1.call-start
scs
__scs_entry_jumppad:
0x0: {  	(pc) =	sbr.rel $0x88, $3  }
0x1: {  	(tag) =	ssettag $0x0;
	lr =	simm.s32 $0x1  }
0x2: {  	[smem:$0x3F9C] =	sst lr;
	_ =	strace $0xD0000000  }
0x3: {  	_ = 	snop  }
0x4: {  	_ = 	snop  }
0x5: {  	_ = 	snop  }
0x6: {  	_ = 	snop  }
0x7: {  	_ = 	snop  }
__scs_overlays_trampoline_lowered:
0x8: {  	[smem:$0x3FAB] =	sst s0  }
0x9: {  	[smem:$0x3FAC] =	sst s1  }
0xa: {  	[smem:$0x3FAD] =	sst s2  }
0xb: {  	[smem:$0x3FAE] =	sst s3  }
0xc: {  	[smem:$0x3FAF] =	sst s4  }
0xd: {  	[smem:$0x3FB0] =	sst s5  }
0xe: {  	[smem:$0x3FB1] =	sst s6  }
0xf: {  	[smem:$0x3FB2] =	sst s7  }
0x10: {  	[smem:$0x3FB3] =	sst s8  }
0x11: {  	[smem:$0x3FB4] =	sst s9;
	s0 =	simm.s32 @!p0 $0x0  }
0x12: {  	s1 =	sld [smem:$0x3F9A];
	s0 =	simm.s32 @p0 $0x1  }
0x13: {  	[smem:$0x3FB5] =	sst s0;
	s0 =	simm.s32 @!p1 $0x0  }
0x14: {  	s2 =	sld [smem:$0x3F99];
	s0 =	simm.s32 @p1 $0x1  }
0x15: {  	[smem:$0x3FB6] =	sst s0;
	s0 =	simm.s32 @!p2 $0x0  }
0x16: {  	s3 =	sld [smem:$0x3FDB];
	s0 =	simm.s32 @p2 $0x1  }
0x17: {  	s4 =	simm.s32 $0x1BF5;
	[smem:$0x3FB8] =	sst s0  }
0x18: {  	s0 =	sld [smem:$0x3F9B];
	_ =	swait.ge [sflag:s4], $0x0  }
0x19: {  	s7 =	sld [smem:$0x3F9C]  }
0x1a: {  	s8 =	sadd.s32 $0xFFFFE003, lr  }
0x1b: {  	s9 =	sadd.s32 $0xFFFFFEF7, lr;
	s5 =	simm.s32 $0xFFFFFFFF;
	p2 =	slt.u32 s8, $0xFFFFF086  }
0x1c: {  	p1 =	slt.u32 s9, $0xF7A;
	s5 =	simm.s32 @!p2 $0x0  }
0x1d: {  	s5 =	simm.s32 @p1 $0x1;
	p0 =	seq.s32 s7, s2  }
0x1e: {  	s7 =	smul.u32 @!p0 $0xF7A, s2;
	p2 =	seq.s32 @!p0 s5, $0x0  }
0x1f: {  	s9 =	smul.u32 $0xF7A, s1;
	s8 =	simm.s32 @!p0 $0x1BF5;
	p2 =	por !p2, p0  }
0x20: {  	[sflag:s8] =	ssyncset.s32 @!p0 $0xFFFFF086;
	s6 =	sadd.s32 @!p0 s3, s7;
	s7 =	simm.s32 @!p0 $0x108  }
0x21: {  	s3 =	sadd.s32 s3, s9;
	s6 =	sadd.s32 @!p0 $0x88, s6;
	s7 =	simm.s32 @p2 $0x1082  }
0x22: {  	[simem:s7], [sflag:s8] =	dma.local @!p0 [hbm:s6], $0xF7A  }
0x23: {  	s9 =	sor.u32 $0xD0000000, s2;
	s6 =	simm.s32 $0x108;
	_ =	swait.ge @!p0 [sflag:s8], $0x0  }
0x24: {  	s3 =	sadd.s32 $0x88, s3;
	s6 =	simm.s32 @!p1 $0x1082;
	[sflag:s4] =	ssyncset.s32 $0xFFFFF086  }
0x25: {  	[simem:s6], [sflag:s4] =	dma.local [hbm:s3], $0xF7A  }
0x26: {  	[smem:$0x3F9C] =	sst s1;
	(tag) =	ssettag s2;
	_ =	strace s9  }
0x27: {  	s1 =	sld [smem:$0x3FAC]  }
0x28: {  	s2 =	sld [smem:$0x3FAD]  }
0x29: {  	s4 =	sld [smem:$0x3FAF]  }
0x2a: {  	p0 =	seq.s32 s5, $0x0;
	s5 =	sld [smem:$0x3FB0]  }
0x2b: {  	s6 =	sld [smem:$0x3FB1]  }
0x2c: {  	s7 =	sld [smem:$0x3FB2]  }
0x2d: {  	s3 =	simm.s32 $0x108;
	s8 =	sld [smem:$0x3FB3]  }
0x2e: {  	s3 =	simm.s32 @!p0 $0x1082;
	s9 =	sld [smem:$0x3FB4]  }
0x2f: {  	lr =	sadd.s32 s0, s3;
	s0 =	sld [smem:$0x3FAB]  }
0x30: {  	s3 =	sld [smem:$0x3FAE]  }
0x31: {  	[smem:$0x3FB7] =	sst s10  }
0x32: {  	s10 =	sld [smem:$0x3FB5];
	_ =	sdelay $0x3  }
0x33: {  	p0 =	seq.s32 s10, $0x1;
	s10 =	sld [smem:$0x3FB7];
	_ =	sdelay $0x3  }
0x34: {  	[smem:$0x3FB7] =	sst s10  }
0x35: {  	s10 =	sld [smem:$0x3FB6];
	_ =	sdelay $0x3  }
0x36: {  	p1 =	seq.s32 s10, $0x1;
	s10 =	sld [smem:$0x3FB7];
	_ =	sdelay $0x3  }
0x37: {  	[smem:$0x3FB7] =	sst s10  }
0x38: {  	s10 =	sld [smem:$0x3FB8]  }
0x39: {  	_ = 	snop;
	(pc) =	sbr.ind lr, $3  }
0x3a: {  	_ = 	snop  }
0x3b: {  	_ = 	snop  }
0x3c: {  	p2 =	seq.s32 s10, $0x1;
	s10 =	sld [smem:$0x3FB7]  }
0x3d: {  	_ =	shalt  }
0x3e: {  	_ =	shalt  }
0x3f: {  	_ =	shalt  }
0x40: {  	_ =	shalt  }
0x41: {  	_ =	shalt  }
0x42: {  	_ =	shalt  }
0x43: {  	_ =	shalt  }
0x44: {  	_ =	shalt  }
0x45: {  	_ =	shalt  }
0x46: {  	_ =	shalt  }
0x47: {  	_ =	shalt  }
0x48: {  	_ =	shalt  }
0x49: {  	_ =	shalt  }
0x4a: {  	_ =	shalt  }
0x4b: {  	_ =	shalt  }
0x4c: {  	_ =	shalt  }
0x4d: {  	_ =	shalt  }
0x4e: {  	_ =	shalt  }
0x4f: {  	_ =	shalt  }
0x50: {  	_ =	shalt  }
0x51: {  	_ =	shalt  }
0x52: {  	_ =	shalt  }
0x53: {  	_ =	shalt  }
0x54: {  	_ =	shalt  }
0x55: {  	_ =	shalt  }
0x56: {  	_ =	shalt  }
0x57: {  	_ =	shalt  }
0x58: {  	_ =	shalt  }
0x59: {  	_ =	shalt  }
0x5a: {  	_ =	shalt  }
0x5b: {  	_ =	shalt  }
0x5c: {  	_ =	shalt  }
0x5d: {  	_ =	shalt  }
0x5e: {  	_ =	shalt  }
0x5f: {  	_ =	shalt  }
0x60: {  	_ =	shalt  }
0x61: {  	_ =	shalt  }
0x62: {  	_ =	shalt  }
0x63: {  	_ =	shalt  }
0x64: {  	_ =	shalt  }
0x65: {  	_ =	shalt  }
0x66: {  	_ =	shalt  }
0x67: {  	_ =	shalt  }
0x68: {  	_ =	shalt  }
0x69: {  	_ =	shalt  }
0x6a: {  	_ =	shalt  }
0x6b: {  	_ =	shalt  }
0x6c: {  	_ =	shalt  }
0x6d: {  	_ =	shalt  }
0x6e: {  	_ =	shalt  }
0x6f: {  	_ =	shalt  }
0x70: {  	_ =	shalt  }
0x71: {  	_ =	shalt  }
0x72: {  	_ =	shalt  }
0x73: {  	_ =	shalt  }
0x74: {  	_ =	shalt  }
0x75: {  	_ =	shalt  }
0x76: {  	_ =	shalt  }
0x77: {  	_ =	shalt  }
0x78: {  	_ =	shalt  }
0x79: {  	_ =	shalt  }
0x7a: {  	_ =	shalt  }
0x7b: {  	_ =	shalt  }
0x7c: {  	_ =	shalt  }
0x7d: {  	_ =	shalt  }
0x7e: {  	_ =	shalt  }
0x7f: {  	_ =	shalt  }
0x80: {  	_ =	shalt  }
0x81: {  	_ =	shalt  }
0x82: {  	_ =	shalt  }
0x83: {  	_ =	shalt  }
0x84: {  	_ =	shalt  }
0x85: {  	_ =	shalt  }
0x86: {  	_ =	shalt  }
0x87: {  	_ =	shalt  }
.Lfunc_end0:
.L_simem_size_0:
called_computation_lowered:
.L_overlay_start_0:
0x88: {  	s2 =	sld [smem:$0x3FD9]  }
0x89: {  	s3 =	sld [smem:$0x3FFE];
	_ =	sdelay $0x1  }
0x8a: {  	s1 =	srdreg.scid  }
0x8b: {  	s0 =	sand.u32 $0x1, s1  }
0x8c: {  	s17 =	sshll.u32 s0, $0xA;
	s2 =	sadd.s32 s3, s2  }
0x8d: {  	s2 =	sadd.s32 s2, s17  }
0x8e: {  	[smem:$0x3FC3] =	sst s2  }
0x8f: {  	_ = 	snop  }
0x90: {  	s2 =	sld [smem:$0x3FC9]  }
0x91: {  	s18 =	sld [smem:$0x3FD0];
	(tm) =	ssettm $0x1  }
0x92: {  	s4 =	sld [smem:$0x3FFB];
	_ =	sdelay $0x3  }
0x93: {  	_ =	strace s4  }
0x94: {  	s4 =	sld [smem:$0x3FFC];
	_ =	sdelay $0x3  }
0x95: {  	_ =	strace s4  }
0x96: {  	s4 =	sld [smem:$0x3FFD];
	_ =	sdelay $0x3  }
0x97: {  	_ =	strace s4  }
0x98: {  	_ =	strace $0x8FFFFFFF  }
0x99: {  	s19 =	sld [smem:$0x3FDB];
	_ =	sdelay $0x1  }
0x9a: {  	s5 =	simm.s32 $_scs_section_size  }
0x9b: {  	s6 =	simm.s32 $_size__tile_overlayer_lowered;
	s7 =	simm.s32 $_tile_overlayer_lowered  }
0x9c: {  	s22 =	simm.s32 $0x1BFF;
	s21 =	sshll.u32 s7, $0x1;
	s4 =	sadd.s32 s5, s19  }
0x9d: {  	s8 =	simm.s32 $0x0;
	s20 =	sshll.u32 s6, $0x1;
	s6 =	sadd.s32 s21, s4  }
0x9e: {  	[timem:s8], [sflag:s22] =	dma.local [hbm:s6], s20  }
0x9f: {  	_ =	swait.ge [sflag:s22], s20  }
0xa0: {  	s5 =	ssub.s32 $0x0, s20;
	[sflag:s22] =	ssyncset.done $0x0  }
0xa1: {  	[sflag:s22] =	ssyncadd.s32 s5;
	_ =	sdelay $0x1  }
0xa2: {  	s23 =	simm.s32 $0x1B8B  }
0xa3: {  	_ =	swait.ge [sflag:s23], $0x1  }
0xa4: {  	[sflag:s23] =	ssyncset.done $0x0  }
0xa5: {  	s25 =	simm.s32 $0x1B8E;
	s24 =	sld [smem:$0x3FFE];
	[sflag:s23] =	ssyncadd.s32 $0xFFFFFFFF  }
0xa6: {  	s26 =	simm.s32 $execute0_lowered;
	[smem:$0x3FD2] =	sst s25  }
0xa7: {  	s6 =	sshll.u32 s26, $0x1;
	_ =	strace $0x80000046;
	[dreg:$0x1] =	wrdreg $0xFFFFFFFF  }
0xa8: {  	s28 =	simm.s32 $_size_execute0_lowered;
	s4 =	sadd.s32 s4, s6;
	[dreg:$0x0] =	wrdreg $0x0  }
0xa9: {  	s6 =	sshll.u32 s28, $0x1;
	[dreg:$0x2] =	wrdreg s4  }
0xaa: {  	[dreg:$0x3] =	wrdreg s6  }
0xab: {  	[dreg:$0x4] =	wrdreg $0xC0  }
0xac: {  	_ =	task [dreg:s8], $0x5FFFF  }
0xad: {  	[dreg:$0x1] =	wrdreg $0xFFFFFFFF  }
0xae: {  	[dreg:$0x0] =	wrdreg $0x60  }
0xaf: {  	[dreg:$0x2] =	wrdreg s24  }
0xb0: {  	[dreg:$0x3] =	wrdreg s2  }
0xb1: {  	[dreg:$0x4] =	wrdreg s18  }
0xb2: {  	[dreg:$0x5] =	wrdreg $0x9  }
0xb3: {  	_ =	task.clear_ibuf [dreg:s8], $0x6FFFF;
	_ =	strace $0x90000046  }
0xb4: {  	s29 =	simm.s32 $0x9;
	_ =	strace $0x80000048  }
0xb5: {  	_ =	swait.ge [sflag:s29], $0x1  }
0xb6: {  	[sflag:s29] =	ssyncadd.s32 $0xFFFFFFFF  }
0xb7: {  	_ =	strace $0x90000048  }
0xb8: {  	_ =	sfence  }
0xb9: {  	s30 =	sld [smem:$0x0];
	_ =	sdelay $0x2  }
0xba: {  	s31 =	sshll.u32 s1, $0xD;
	s1 =	sshrl.u32 s1, $0x2  }
0xbb: {  	s3 =	sand.u32 $0x4000, s31;
	s1 =	sadd.s32 s1, s30  }
0xbc: {  	s0 =	sor.u32 s3, s0;
	s1 =	sshll.u32 s1, $0x11  }
0xbd: {  	s0 =	sor.u32 s1, s0  }
0xbe: {  	s0 =	sadd.s32 $0x8F2B, s0  }
0xbf: {  	[sflag:s0] =	ssyncadd.remote.s32 $0x1  }
0xc0: {  	_ =	sfence.sel $0xFFFF  }
0xc1: {  	[dreg:$0x0] =	wrdreg $0xFFFFFFFF;
	(pc) =	sbr.abs _section_cstart, $3  }
0xc2: {  	[dreg:$0x1] =	wrdreg $0xFFFFFFFF  }
0xc3: {  	_ =	task.clear_ibuf [dreg:s8], $0x2FFFF;
	_ =	strace $0x9FFFFFFF  }
0xc4: {  	(tm) =	ssettm $0x7FFFFFFF  }
0xc5: {  	_ =	shalt  }
tec
execute0_lowered:
.L_overlay_start_1:
0x0: {  	(tag) =	ssettag $0x1  }
0x1: {  	v0 =	vimm.s32 $0xEDCBA987  }
0x2: {  	v1 =	vimm.s32 $0x65432100;
	v2 =	vimm.s32 $0xDCBA9876;
	v3 =	vimm.s32 $0x54321000  }
0x3: {  	v4 =	vimm.s32 $0xCBA98765;
	v5 =	vimm.s32 $0x43210000;
	v6 =	vimm.s32 $0xBA987654  }
0x4: {  	vm1 =	vmmov $0x3;
	v8 =	vimm.s32 $0x39000;
	vm2 =	vmmov $0x7  }
0x5: {  	v9 =	vimm.s32 $0xE4000;
	vm3 =	vmmov $0xf;
	vm0 =	vcmask $0x3F24  }
0x6: {  	v11 =	vimm.s32 $0xE40000;
	vm4 =	vmmov $0x1f;
	vm5 =	vmmov $0x3f  }
0x7: {  	vm6 =	vcmask $0x3F30;
	vm7 =	vmmov $0x7f;
	v15 =	vimm.s32 $0x0  }
0x8: {  	vm8 =	vmmov $0xffff;
	v41 =	vimm.s32 $0x0;
	v60 =	vimm.s32 $0x0  }
0x9: {  	v61 =	vimm.s32 $0x0;
	v62 =	vimm.s32 $0x0;
	v63 =	vimm.s32 $0x0  }
0xa: {  	s0 =	rddreg [dreg:$0x0];
	s4 =	simm.s32 $0x0;
	v0 =	vunpack.c.l.s4.s8 v0;
	v1 =	vunpack.c.l.s4.s8 v1;
	v2 =	vunpack.c.l.s4.s8 v2  }
0xb: {  	v3 =	vunpack.c.l.s4.s8 v3;
	v4 =	vunpack.c.l.s4.s8 v4;
	[smem:$0x7FF] =	sst s4;
	v41 =	vsel vm1, $0xFFFFFFFF, v41  }
0xc: {  	s1 =	rddreg [dreg:$0x1];
	v5 =	vunpack.c.l.s4.s8 v5;
	_ =	strace $0x80000047;
	[tilespmem:$0x1FFB0] =	vst v41;
	v41 =	vsel vm2, $0xFFFFFFFF, v60;
	v0 =	vunpack.c.0.s8.s32 v0  }
0xd: {  	v1 =	vunpack.c.0.s8.s32 v1;
	v2 =	vunpack.c.0.s8.s32 v2;
	v3 =	vunpack.c.0.s8.s32 v3  }
0xe: {  	v4 =	vunpack.c.0.s8.s32 v4;
	v5 =	vunpack.c.0.s8.s32 v5;
	[tilespmem:$0x1FFC0] =	vst v41;
	v41 =	vsel vm3, $0xFFFFFFFF, v61  }
0xf: {  	[tilespmem:$0x1FFD0] =	vst v41;
	v41 =	vsel vm7, $0xFFFFFFFF, v62;
	v0 =	vand.u32 $0xF, v0;
	v2 =	vand.u32 $0xF, v2  }
0x10: {  	v4 =	vand.u32 $0xF, v4;
	v0 =	vcombine.low v1, v0;
	v1 =	vlaneseq.u32  }
0x11: {  	v2 =	vcombine.low v3, v2;
	v3 =	vunpack.c.l.s4.s8 v6;
	v6 =	vimm.s32 $0x32100000  }
0x12: {  	v6 =	vunpack.c.l.s4.s8 v6;
	v12 =	vor.u32 $0x10, v1;
	v13 =	vmul.u32 $0x80, v1  }
0x13: {  	v14 =	vadd.s32 $0x11, v1;
	v31 =	vand.u32 $0x7, v1;
	v32 =	vshrl.u32 v1, $0x3  }
0x14: {  	v33 =	vor.u32 $0x8, v1;
	v7 =	vunpack.c.0.s8.s32 v3;
	v3 =	vcombine.low v5, v4  }
0x15: {  	v4 =	vunpack.c.l.s2.s4 v8;
	v32 =	vmul.u32 $0x8, v32;
	v5 =	vunpack.c.0.s8.s32 v6  }
0x16: {  	v16 =	vor.u32 $0x1, v13;
	v17 =	vor.u32 $0x2, v13;
	v18 =	vor.u32 $0x3, v13  }
0x17: {  	v19 =	vor.u32 $0x800, v13;
	v20 =	vor.u32 $0x801, v13;
	v21 =	vor.u32 $0x802, v13  }
0x18: {  	v22 =	vor.u32 $0x803, v13;
	v23 =	vor.u32 $0x1000, v13;
	v24 =	vor.u32 $0x1001, v13  }
0x19: {  	v25 =	vor.u32 $0x1002, v13;
	v26 =	vor.u32 $0x1003, v13;
	v27 =	vor.u32 $0x1800, v13  }
0x1a: {  	s2 =	srdreg.scid;
	s3 =	stileid.u32;
	v28 =	vor.u32 $0x1801, v13;
	v29 =	vor.u32 $0x1802, v13;
	v30 =	vor.u32 $0x1803, v13  }
0x1b: {  	s14 =	simm.s32 $0x2;
	s16 =	simm.s32 $0x100;
	s28 =	simm.s32 $0x3A00;
	v34 =	vor.u32 $0x4, v13;
	v6 =	vand.u32 $0xF, v7;
	v7 =	vimm.s32 $0xA9876540  }
0x1c: {  	s29 =	simm.s32 $0x4200;
	s30 =	simm.s32 $0x4A00;
	s31 =	simm.s32 $0x5200;
	v35 =	vor.u32 $0x804, v13;
	v36 =	vor.u32 $0x1004, v13;
	v7 =	vunpack.c.l.s4.s8 v7  }
0x1d: {  	s15 =	simm.s32 $0x6A00;
	s9 =	simm.s32 $0xA200;
	s10 =	simm.s32 $0xAA00;
	v8 =	vunpack.c.l.s4.s8 v4;
	v4 =	vcombine.low v5, v6;
	v5 =	vunpack.c.l.s2.s4 v9  }
0x1e: {  	s13 =	simm.s32 $0xB200;
	s18 =	simm.s32 $0xBA00;
	s21 =	simm.s32 $0xC200;
	v37 =	vor.u32 $0x1804, v13;
	v38 =	vor.u32 $0x5, v13;
	v6 =	vunpack.c.0.s8.s32 v7  }
0x1f: {  	s20 =	simm.s32 $0xCA00;
	s17 =	simm.s32 $0xD200;
	s19 =	simm.s32 $0xDA00;
	v7 =	vunpack.c.0.s8.s32 v8;
	v8 =	vimm.s32 $0x390000;
	v5 =	vunpack.c.l.s4.s8 v5  }
0x20: {  	s2 =	sand.u32 $0x1, s2;
	s3 =	sshll.u32 s3, $0x1;
	s5 =	sadd.s32 $0x9C00, s0;
	v39 =	vor.u32 $0x805, v13;
	v9 =	vimm.s32 $0x98765400;
	v8 =	vunpack.c.l.s2.s4 v8  }
0x21: {  	s8 =	sadd.s32 $0x9E00, s0;
	s11 =	sadd.s32 $0xA100, s0;
	s12 =	sadd.s32 $0xA200, s0;
	v9 =	vunpack.c.l.s4.s8 v9;
	v7 =	vand.u32 $0x3, v7;
	v10 =	vunpack.c.0.s8.s32 v5  }
0x22: {  	s3 =	sor.u32 s2, s3;
	[dreg:$0x4] =	wrdreg s5;
	s2 =	ssub.s32 $0x2, s2;
	v8 =	vunpack.c.l.s4.s8 v8;
	v5 =	vsel vm0, v6, v7;
	v7 =	vunpack.c.l.s2.s4 v11  }
0x23: {  	s5 =	sadd.s32 $0xA000, s0;
	[dreg:$0x5] =	wrdreg s8;
	s8 =	simm.s32 $0x9A00;
	v6 =	vunpack.c.0.s8.s32 v9;
	vm0 =	vcmask $0x3F28;
	v9 =	vand.u32 $0x3, v10  }
0x24: {  	s22 =	sshll.u32 s3, $0xA;
	s6 =	sshll.u32 s3, $0x3;
	s7 =	sshrl.u32 s2, $0x1;
	v10 =	vimm.s32 $0x7060504;
	v8 =	vunpack.c.0.s8.s32 v8;
	v7 =	vunpack.c.l.s4.s8 v7  }
0x25: {  	s23 =	smul.u32 $0x1800, s3;
	p0 =	sne.s32 s3, $0x0;
	s4 =	sadd.s32 s22, s0;
	v6 =	vsel vm0, v6, v9;
	vm0 =	vcmask $0x2B00;
	v9 =	vimm.s32 $0x4070605  }
0x26: {  	s3 =	simm.s32 $0x7A00;
	s6 =	sadd.s32 s6, s0;
	s4 =	sadd.s32 $0x1C00, s4;
	v9 =	vunpack.c.0.s8.s32 v9;
	v8 =	vand.u32 $0x3, v8;
	v7 =	vunpack.c.0.s8.s32 v7  }
0x27: {  	s2 =	ssub.s32 s2, s7;
	s24 =	sadd.s32 $0x9A000, s6;
	[dreg:$0x6] =	wrdreg s4;
	v10 =	vunpack.c.0.s8.s32 v10;
	v8 =	vnsel vm0, $0x8, v8;
	vm0 =	vcmask $0x3B2C  }
0x28: {  	s0 =	simm.s32 $0x0;
	s25 =	sadd.s32 $0x9A200, s6;
	[dreg:$0x7] =	wrdreg s24;
	v11 =	vand.u32 $0x3, v7;
	v7 =	vsel vm0, v9, v8;
	vm0 =	vmmov $0x1  }
0x29: {  	s7 =	simm.s32 $0x9200;
	s1 =	sadd.s32 s1, s23;
	[tilespmem:$0x1FFE0] =	vst v41;
	[dreg:$0x8] =	wrdreg s25;
	v8 =	vsel vm6, v10, v11;
	vm6 =	vmmov $0xff;
	v15 =	vsel vm0, $0xFFFFFFFF, v15  }
0x2a: {  	s22 =	simm.s32 $0x1;
	s26 =	smax.u32 s2, $0x1;
	[dreg:$0x9] =	wrdreg s1;
	v40 =	vor.u32 $0x1005, v13;
	v9 =	vimm.s32 $0x8;
	[tilespmem:$0x1FFA0] =	vst v15;
	v41 =	vsel vm6, $0xFFFFFFFF, v63  }
0x2b: {  	s6 =	simm.s32 $0x7200;
	[dreg:$0xa] =	wrdreg s26;
	s4 =	simm.s32 $0x8A00;
	v10 =	vimm.s32 $0x0;
	v11 =	vadd.s32 $0x1, v1;
	v15 =	vimm.s32 $0xF;
	[tilespmem:$0x1FFF0] =	vst v41  }
.LBB2_1:
0x2c: {  	[dreg:$0xb] =	wrdreg s0  }
0x2d: {  	s23 =	simm.s32 $0x0;
	s24 =	rddreg [dreg:$0x4]  }
0x2e: {  	[tilespmem:s23], [sflag:$0x2] =	stream.linear.gather [hbm4b:s24+s23], $0x10, $0x38;
	[tilespmem:$0x10600] =	vst v63  }
0x2f: {  	_ =	swait.ge [sflag:s14], $0x10  }
0x30: {  	[sflag:s14] =	ssyncset.done $0x0  }
0x31: {  	[sflag:s14] =	ssyncadd.s32 $0xFFFFFFF0  }
0x32: {  	v41 =	vld [tilespmem:$0x0];
	_ =	sdelay $0x4  }
0x33: {  	v41 =	vadd.s32 $0xFF, v41  }
0x34: {  	v42 =	vand.u32 $0xFFFFFF00, v41  }
0x35: {  	v43 =	vperm.xlane v42, v0;
	v44 =	vperm.xlane v42, v2  }
0x36: {  	vm0 =	veq.s32 v1, $0x0;
	v45 =	vperm.xlane v42, v3  }
0x37: {  	v46 =	vperm.xlane v42, v4;
	v43 =	vsel vm0, $0x0, v43;
	v44 =	vsel vm1, $0x0, v44  }
0x38: {  	v57 =	vperm.xlane v42, v5;
	v56 =	vsel vm2, $0x0, v45;
	v43 =	vadd.s32 v43, v44  }
0x39: {  	v59 =	vperm.xlane v42, v6;
	v58 =	vsel vm3, $0x0, v46;
	v43 =	vadd.s32 v56, v43  }
0x3a: {  	v61 =	vperm.xlane v42, v7;
	v60 =	vsel vm4, $0x0, v57;
	v43 =	vadd.s32 v58, v43  }
.Ltmp0:
0x3b: {  	v42 =	vperm.xlane v42, v8;
	v62 =	vsel vm5, $0x0, v59;
	v43 =	vadd.s32 v60, v43;
	(pc) =	sbr.rel @p0 .LBB2_3-.Ltmp0, $4  }
0x3c: {  	v63 =	vsel vm7, $0x0, v61;
	v43 =	vadd.s32 v62, v43  }
0x3d: {  	v42 =	vsel vm6, $0x0, v42;
	v43 =	vadd.s32 v63, v43  }
0x3e: {  	v42 =	vadd.s32 v42, v43  }
0x3f: {  	[tilespmem:$0x80] =	vst v42  }
0x40: {  	v42 =	vshra.s32 v42, $0x8  }
0x41: {  	v43 =	vbroadcast v42, $0x0;
	v44 =	vbroadcast v42, $0x1  }
0x42: {  	vm6 =	vmmov vm5;
	v45 =	vbroadcast v42, $0x2;
	v48 =	vbroadcast v42, $0x3  }
0x43: {  	vm5 =	vmmov vm4;
	v49 =	vbroadcast v42, $0x4;
	v50 =	vbroadcast v42, $0x5  }
0x44: {  	v51 =	vbroadcast v42, $0x6;
	v52 =	vbroadcast v42, $0x7;
	v42 =	vadd.s32 $0xFFFFFFFF, v42  }
0x45: {  	v42 =	vbroadcast v42, $0x8;
	vm0 =	vgt.s32 v43, v1;
	vm7 =	vlt.s32 v44, v11  }
0x46: {  	v46 =	vsel vm0, $0xFFFFFFFF, v10;
	v47 =	vsel vm7, $0x1, v10;
	vm0 =	vlt.s32 v45, v11  }
0x47: {  	vm7 =	vlt.s32 v51, v11;
	v56 =	vsel vm0, $0x1, v10;
	vm0 =	vlt.s32 v48, v11  }
0x48: {  	v46 =	vadd.s32 v47, v46;
	v57 =	vsel vm0, $0x1, v10;
	vm0 =	vlt.s32 v49, v11  }
0x49: {  	v46 =	vadd.s32 v56, v46;
	v58 =	vsel vm0, $0x1, v10;
	vm0 =	vlt.s32 v50, v11  }
0x4a: {  	v46 =	vadd.s32 v57, v46;
	v59 =	vsel vm0, $0x1, v10;
	vm0 =	vgt.s32 v41, $0xFF  }
0x4b: {  	v61 =	vsel vm7, $0x1, v10;
	v46 =	vadd.s32 v58, v46;
	v53 =	vsel vm0, $0x1, v10  }
0x4c: {  	v60 =	vadd.s32 v59, v46;
	vm0 =	vlt.s32 v52, v11;
	v62 =	vbroadcast v53, $0x0  }
0x4d: {  	v41 =	vadd.s32 v61, v60;
	v54 =	vbroadcast v53, $0x1;
	v57 =	vbroadcast v53, $0x2  }
0x4e: {  	v63 =	vsel vm0, $0x1, v10;
	v59 =	vbroadcast v53, $0x3;
	v61 =	vbroadcast v53, $0x4  }
0x4f: {  	v41 =	vadd.s32 v63, v41;
	v63 =	vbroadcast v53, $0x7;
	v47 =	vand.u32 $0x1, v62  }
0x50: {  	vm0 =	vgt.s32 v41, $0x0;
	v56 =	vand.u32 $0x1, v54;
	vm7 =	vgt.s32 v41, $0x1  }
0x51: {  	v58 =	vand.u32 $0x1, v57;
	vm9 =	vgt.s32 v41, $0x2;
	v60 =	vand.u32 $0x1, v59  }
0x52: {  	vm10 =	vgt.s32 v41, $0x3;
	v46 =	vand.u32 $0x1, v61;
	v62 =	vbroadcast v53, $0x5  }
0x53: {  	v53 =	vbroadcast v53, $0x6;
	vm2 =	vlt.s32 v41, $0x6;
	vm3 =	vlt.s32 v41, $0x5  }
0x54: {  	vm4 =	vlt.s32 v41, $0x2;
	vm13 =	veq.s32 v47, $0x1;
	vm14 =	veq.s32 v56, $0x1  }
0x55: {  	vm15 =	veq.s32 v58, $0x1;
	vm0 =	vmand vm13, vm0;
	vm7 =	vmand vm14, vm7  }
0x56: {  	vm0 =	vmxor vm0, vm7;
	vm7 =	vmand vm15, vm9;
	vm9 =	veq.s32 v60, $0x1  }
0x57: {  	v47 =	vand.u32 $0x1, v62;
	vm0 =	vmxor vm7, vm0;
	vm7 =	vmand vm9, vm10  }
0x58: {  	vm10 =	veq.s32 v46, $0x1;
	vm0 =	vmxor vm7, vm0;
	vm7 =	vgt.s32 v41, $0x4  }
0x59: {  	v53 =	vand.u32 $0x1, v53;
	v46 =	vand.u32 $0x1, v63;
	vm7 =	vmand vm10, vm7  }
0x5a: {  	vm1 =	vmxor vm7, vm0;
	vm7 =	veq.s32 v46, $0x1;
	vm0 =	vlt.s32 v41, $0x7  }
0x5b: {  	vm12 =	veq.s32 v47, $0x1;
	vm11 =	veq.s32 v53, $0x1;
	vm0 =	vmand vm7, vm0  }
0x5c: {  	vm2 =	vmand vm11, vm2;
	vm3 =	vmand vm12, vm3;
	v54 =	vsel vm0, $0x7, v9  }
0x5d: {  	vm0 =	vlt.s32 v41, $0x4;
	v46 =	vsel vm2, $0x6, v54;
	vm2 =	vlt.s32 v41, $0x3  }
0x5e: {  	vm0 =	vmand vm10, vm0;
	v46 =	vsel vm3, $0x5, v46;
	vm3 =	vlt.s32 v41, $0x0  }
0x5f: {  	vm2 =	vmand vm9, vm2;
	v46 =	vsel vm0, $0x4, v46;
	vm0 =	vmand vm13, vm3  }
0x60: {  	vm3 =	vmand vm15, vm4;
	v46 =	vsel vm2, $0x3, v46;
	vm2 =	vgt.s32 v41, $0x5  }
0x61: {  	vm2 =	vmand vm12, vm2;
	v46 =	vsel vm3, $0x2, v46;
	vm3 =	vlt.s32 v45, v14  }
0x62: {  	vm1 =	vmxor vm2, vm1;
	vm2 =	vgt.s32 v43, v12;
	v45 =	vsel vm3, $0x1, v10  }
0x63: {  	vm3 =	vlt.s32 v41, $0x1;
	v43 =	vsel vm2, $0xFFFFFFFF, v10;
	vm2 =	vlt.s32 v44, v14  }
0x64: {  	vm3 =	vmand vm14, vm3;
	v44 =	vsel vm2, $0x1, v10;
	vm2 =	vlt.s32 v48, v14  }
0x65: {  	v60 =	vsel vm3, $0x1, v46;
	v55 =	vsel vm2, $0x1, v10;
	vm2 =	vlt.s32 v49, v14  }
0x66: {  	v43 =	vadd.s32 v44, v43;
	v61 =	vsel vm0, $0x0, v60;
	vm0 =	vlt.s32 v42, v1  }
0x67: {  	v56 =	vsel vm2, $0x1, v10;
	vm2 =	vlt.s32 v50, v14;
	v43 =	vadd.s32 v45, v43  }
0x68: {  	v57 =	vsel vm2, $0x1, v10;
	vm2 =	vlt.s32 v51, v14;
	v43 =	vadd.s32 v55, v43  }
0x69: {  	v58 =	vsel vm2, $0x1, v10;
	vm2 =	vlt.s32 v52, v14;
	v43 =	vadd.s32 v56, v43  }
0x6a: {  	v59 =	vsel vm2, $0x1, v10;
	vm2 =	vgt.s32 v41, $0x6;
	v43 =	vadd.s32 v57, v43  }
0x6b: {  	v62 =	vsel vm0, v42, v1;
	vm2 =	vmand vm11, vm2;
	v43 =	vadd.s32 v58, v43  }
0x6c: {  	v56 =	vperm.xlane v41, v0;
	vm1 =	vmxor vm2, vm1;
	v43 =	vadd.s32 v59, v43  }
0x6d: {  	v57 =	vperm.xlane v41, v15;
	vm2 =	vlt.s32 v43, $0x0;
	v63 =	vsel vm1, $0x1, v10  }
0x6e: {  	vm1 =	vgt.s32 v43, $0x0;
	vm3 =	vgt.s32 v43, $0x1;
	vm4 =	vlt.s32 v43, $0x3  }
0x6f: {  	v58 =	vperm.xlane v43, v0;
	vm0 =	vmand vm13, vm2;
	vm2 =	vlt.s32 v43, $0x1  }
0x70: {  	vm1 =	vmand vm13, vm1;
	vm13 =	vmand vm14, vm2;
	vm2 =	vmand vm14, vm3  }
0x71: {  	vm3 =	vgt.s32 v43, $0x2;
	vm1 =	vmxor vm1, vm2;
	vm2 =	vlt.s32 v43, $0x2  }
0x72: {  	vm14 =	vgt.s32 v43, $0x3;
	vm3 =	vmand vm15, vm3;
	vm2 =	vmand vm15, vm2  }
0x73: {  	[tilespmem:$0xE380] =	vst v62;
	v62 =	vld [tilespmem:$0x1FFA0];
	vm1 =	vmxor vm3, vm1;
	vm3 =	vmand vm9, vm4;
	vm4 =	vlt.s32 v43, $0x7  }
0x74: {  	vm9 =	vmand vm9, vm14;
	vm4 =	vmand vm7, vm4;
	vm7 =	vlt.s32 v43, $0x6  }
0x75: {  	v51 =	vsel vm4, $0x7, v9;
	vm4 =	vlt.s32 v43, $0x5;
	vm7 =	vmand vm11, vm7  }
0x76: {  	v47 =	vsel vm7, $0x6, v51;
	vm7 =	vlt.s32 v43, $0x4;
	vm4 =	vmand vm12, vm4  }
0x77: {  	vm1 =	vmxor vm9, vm1;
	v47 =	vsel vm4, $0x5, v47;
	vm4 =	vmand vm10, vm7  }
0x78: {  	vm9 =	vnez.u8 v62;
	v47 =	vsel vm4, $0x4, v47;
	vm4 =	vgt.s32 v43, $0x4  }
0x79: {  	[tilespmem:$0xE200] =	vst v41;
	vm4 =	vmand vm10, vm4;
	v47 =	vsel vm3, $0x3, v47;
	vm3 =	vgt.s32 v43, $0x5  }
0x7a: {  	[tilespmem:$0xE300] =	vst v61;
	vm1 =	vmxor vm4, vm1;
	vm3 =	vmand vm12, vm3;
	v47 =	vsel vm2, $0x2, v47  }
0x7b: {  	[tilespmem:$0xE210] =	vst v43;
	vm2 =	vgt.s32 v43, $0x6;
	vm1 =	vmxor vm3, vm1;
	v55 =	vsel vm13, $0x1, v47  }
0x7c: {  	v53 =	vld [tilespmem:$0x1FFF0];
	[tilespmem:$0xE400] =	vst v63;
	vm2 =	vmand vm11, vm2;
	v44 =	vsel vm0, $0x0, v55;
	vm0 =	vlt.s32 v42, v12  }
0x7d: {  	v54 =	vld [tilespmem:$0x1FFD0];
	vm1 =	vmxor vm2, vm1;
	[tilespmem:$0xE310] =	vst v44;
	v42 =	vsel vm0, v42, v12;
	vm0 =	vne.s32 v41, v56  }
0x7e: {  	v52 =	vld [tilespmem:$0x1FFE0];
	v60 =	vsel vm1, $0x1, v10;
	[tilespmem:$0xE390] =	vst v42;
	vm0 =	vmor vm0, vm9;
	v42 =	vsel vm9, v57, v58  }
0x7f: {  	v61 =	vld [tilespmem:$0x1FFB0];
	[tilespmem:$0xE410] =	vst v60;
	v63 =	vsel vm0, $0x1, v10;
	vm0 =	vne.s32 v43, v42  }
0x80: {  	v59 =	vld [tilespmem:$0x1FFC0];
	v42 =	vsel vm0, $0x1, v10;
	[tilespmem:$0xE280] =	vst v63  }
0x81: {  	s23 =	simm.s32 $0x0;
	s24 =	rddreg [dreg:$0x5];
	s25 =	simm.s32 $0xE200;
	[tilespmem:$0xE290] =	vst v42  }
0x82: {  	[hbm4b:s24+s23] =	stream.linear.scatter [tilespmem:s25], [sflag:$0x2], $0x280, $0x38;
	[tilespmem:$0x10600] =	vst v63  }
0x83: {  	vm7 =	vnez.u8 v52;
	_ =	swait.ge [sflag:s14], $0x280  }
0x84: {  	vm4 =	vmmov vm5;
	vm5 =	vmmov vm6;
	vm6 =	vnez.u8 v53;
	[sflag:s14] =	ssyncset.done $0x0  }
0x85: {  	vm3 =	vnez.u8 v54;
	vm2 =	vnez.u8 v59;
	vm1 =	vnez.u8 v61;
	[sflag:s14] =	ssyncadd.s32 $0xFFFFFD80  }
.LBB2_3:
0x86: {  	s23 =	simm.s32 $0x0;
	s24 =	rddreg [dreg:$0x6]  }
0x87: {  	[tilespmem:s16], [sflag:$0x2] =	stream.linear.gather [hbm4b:s24+s23], $0x2000, $0x38;
	[tilespmem:$0x10600] =	vst v63  }
0x88: {  	_ =	swait.ge [sflag:s14], $0x2000  }
0x89: {  	[sflag:s14] =	ssyncset.done $0x0  }
0x8a: {  	[sflag:s14] =	ssyncadd.s32 $0xFFFFE000  }
0x8b: {  	v41 =	vld.idx.msk [tilespmem:v13+s16+$0x0], $0xffff;
	_ =	sdelay $0x4  }
0x8c: {  	v41 =	vtrunc.f32 v41  }
0x8d: {  	v41 =	vcvt.f32.s32 v41  }
0x8e: {  	v42 =	vld.idx.msk [tilespmem:v16+s16+$0x0], $0xffff;
	_ =	sdelay $0x1  }
0x8f: {  	v43 =	vld.idx.msk [tilespmem:v17+s16+$0x0], $0xffff;
	_ =	sdelay $0x1  }
0x90: {  	s0 =	simm.s32 $0x80  }
0x91: {  	v42 =	vtrunc.f32 v42;
	v41 =	vld.idx.msk [tilespmem:v41+s0+$0x0], $0xffff  }
0x92: {  	v42 =	vcvt.f32.s32 v42  }
0x93: {  	v43 =	vtrunc.f32 v43  }
0x94: {  	v43 =	vcvt.f32.s32 v43  }
0x95: {  	v44 =	vld.idx.msk [tilespmem:v18+s16+$0x0], $0xffff  }
0x96: {  	v41 =	vadd.s32 v43, v41  }
0x97: {  	[tilespmem:$0x2100] =	vst v41  }
0x98: {  	v41 =	vld.idx.msk [tilespmem:v42+s0+$0x0], $0xffff;
	_ =	sdelay $0x1  }
0x99: {  	v56 =	vtrunc.f32 v44  }
0x9a: {  	v42 =	vcvt.f32.s32 v56;
	_ =	sdelay $0x1  }
0x9b: {  	v41 =	vadd.s32 v42, v41  }
0x9c: {  	[tilespmem:$0x2180] =	vst v41  }
0x9d: {  	v41 =	vld.idx.msk [tilespmem:v19+s16+$0x0], $0xffff;
	_ =	sdelay $0x4  }
0x9e: {  	v41 =	vtrunc.f32 v41  }
0x9f: {  	v41 =	vcvt.f32.s32 v41  }
0xa0: {  	v57 =	vld.idx.msk [tilespmem:v20+s16+$0x0], $0xffff;
	_ =	sdelay $0x1  }
0xa1: {  	v58 =	vld.idx.msk [tilespmem:v21+s16+$0x0], $0xffff;
	_ =	sdelay $0x2  }
0xa2: {  	v42 =	vtrunc.f32 v57;
	v41 =	vld.idx.msk [tilespmem:v41+s0+$0x0], $0xffff  }
0xa3: {  	v42 =	vcvt.f32.s32 v42  }
0xa4: {  	v43 =	vtrunc.f32 v58  }
0xa5: {  	v43 =	vcvt.f32.s32 v43  }
0xa6: {  	v59 =	vld.idx.msk [tilespmem:v22+s16+$0x0], $0xffff  }
0xa7: {  	v41 =	vadd.s32 v43, v41  }
0xa8: {  	[tilespmem:$0x2110] =	vst v41  }
0xa9: {  	v41 =	vld.idx.msk [tilespmem:v42+s0+$0x0], $0xffff;
	_ =	sdelay $0x1  }
0xaa: {  	v60 =	vtrunc.f32 v59  }
0xab: {  	v42 =	vcvt.f32.s32 v60;
	_ =	sdelay $0x1  }
0xac: {  	v41 =	vadd.s32 v42, v41  }
0xad: {  	[tilespmem:$0x2190] =	vst v41  }
0xae: {  	v41 =	vld.idx.msk [tilespmem:v23+s16+$0x0], $0xffff;
	_ =	sdelay $0x4  }
0xaf: {  	v41 =	vtrunc.f32 v41  }
0xb0: {  	v41 =	vcvt.f32.s32 v41  }
0xb1: {  	v61 =	vld.idx.msk [tilespmem:v24+s16+$0x0], $0xffff;
	_ =	sdelay $0x1  }
0xb2: {  	v62 =	vld.idx.msk [tilespmem:v25+s16+$0x0], $0xffff;
	_ =	sdelay $0x2  }
0xb3: {  	v42 =	vtrunc.f32 v61;
	v41 =	vld.idx.msk [tilespmem:v41+s0+$0x0], $0xffff  }
0xb4: {  	v42 =	vcvt.f32.s32 v42  }
0xb5: {  	v43 =	vtrunc.f32 v62  }
0xb6: {  	v43 =	vcvt.f32.s32 v43  }
0xb7: {  	v63 =	vld.idx.msk [tilespmem:v26+s16+$0x0], $0xffff  }
0xb8: {  	v41 =	vadd.s32 v43, v41  }
0xb9: {  	[tilespmem:$0x2120] =	vst v41  }
0xba: {  	v41 =	vld.idx.msk [tilespmem:v42+s0+$0x0], $0xffff;
	_ =	sdelay $0x1  }
0xbb: {  	v48 =	vtrunc.f32 v63  }
0xbc: {  	v42 =	vcvt.f32.s32 v48;
	_ =	sdelay $0x1  }
0xbd: {  	v41 =	vadd.s32 v42, v41  }
0xbe: {  	[tilespmem:$0x21A0] =	vst v41  }
0xbf: {  	v41 =	vld.idx.msk [tilespmem:v27+s16+$0x0], $0xffff;
	_ =	sdelay $0x4  }
0xc0: {  	v41 =	vtrunc.f32 v41  }
0xc1: {  	v41 =	vcvt.f32.s32 v41  }
0xc2: {  	v49 =	vld.idx.msk [tilespmem:v28+s16+$0x0], $0xffff;
	_ =	sdelay $0x1  }
0xc3: {  	v50 =	vld.idx.msk [tilespmem:v29+s16+$0x0], $0xffff;
	_ =	sdelay $0x2  }
0xc4: {  	v42 =	vtrunc.f32 v49;
	v41 =	vld.idx.msk [tilespmem:v41+s0+$0x0], $0xffff  }
0xc5: {  	v42 =	vcvt.f32.s32 v42  }
0xc6: {  	v43 =	vtrunc.f32 v50  }
0xc7: {  	v43 =	vcvt.f32.s32 v43  }
0xc8: {  	v51 =	vld.idx.msk [tilespmem:v30+s16+$0x0], $0xffff  }
0xc9: {  	v41 =	vadd.s32 v43, v41  }
0xca: {  	[tilespmem:$0x2130] =	vst v41  }
0xcb: {  	v41 =	vld.idx.msk [tilespmem:v42+s0+$0x0], $0xffff;
	_ =	sdelay $0x1  }
0xcc: {  	v52 =	vtrunc.f32 v51  }
0xcd: {  	v42 =	vcvt.f32.s32 v52;
	_ =	sdelay $0x1  }
0xce: {  	v41 =	vadd.s32 v42, v41  }
0xcf: {  	s2 =	simm.s32 $0x2100;
	s1 =	rddreg [dreg:$0x7];
	[tilespmem:$0x21B0] =	vst v41  }
0xd0: {  	[hbm4b:s1+s23] =	stream.linear.scatter [tilespmem:s2], [sflag:$0x2], $0x40, $0x38;
	[tilespmem:$0x10600] =	vst v63  }
0xd1: {  	_ =	swait.ge [sflag:s14], $0x40  }
0xd2: {  	[sflag:s14] =	ssyncset.done $0x0  }
0xd3: {  	s26 =	simm.s32 $0x2180;
	s25 =	rddreg [dreg:$0x8];
	[sflag:s14] =	ssyncadd.s32 $0xFFFFFFC0  }
0xd4: {  	[hbm4b:s25+s23] =	stream.linear.scatter [tilespmem:s26], [sflag:$0x2], $0x40, $0x38;
	[tilespmem:$0x10600] =	vst v63  }
0xd5: {  	_ =	swait.ge [sflag:s14], $0x40  }
0xd6: {  	[sflag:s14] =	ssyncset.done $0x0  }
0xd7: {  	s25 =	simm.s32 $0x2200;
	s26 =	rddreg [dreg:$0x9];
	[sflag:s14] =	ssyncadd.s32 $0xFFFFFFC0  }
0xd8: {  	[tilespmem:s25], [sflag:$0x2] =	stream.linear.gather [hbm4b:s26+s23], $0xC000, $0x38;
	[tilespmem:$0x10600] =	vst v63  }
0xd9: {  	_ =	swait.ge [sflag:s14], $0xC000  }
0xda: {  	[sflag:s14] =	ssyncset.done $0x0  }
0xdb: {  	[sflag:s14] =	ssyncadd.s32 $0xFFFF4000  }
0xdc: {  	v53 =	vld [tilespmem:$0x2100];
	_ =	sdelay $0x4  }
0xdd: {  	v54 =	vshrl.u32 v53, $0x3  }
0xde: {  	v42 =	vmul.u32 $0x30, v54  }
0xdf: {  	v41 =	vand.u32 $0x7, v53  }
0xe0: {  	v41 =	vor.u32 v41, v42  }
0xe1: {  	v42 =	vperm.xlane v41, v31;
	_ =	sdelay $0x1  }
0xe2: {  	v42 =	vadd.s32 v32, v42;
	_ =	sdelay $0x3  }
0xe3: {  	v41 =	vperm.xlane v41, v33  }
0xe4: {  	[hbm4b:s5+s23] =	stream.indirect_vreg.scatter [tilespmem:s25], [sflag:$0x1], $0x80, v42, vm8, $0xb8;
	[tilespmem:$0x10600] =	vst v63  }
0xe5: {  	s24 =	simm.s32 $0x2A00;
	v41 =	vadd.s32 v32, v41  }
0xe6: {  	[hbm4b:s11+s23] =	stream.indirect_vreg.scatter [tilespmem:s24], [sflag:$0x1], $0x80, v42, vm8, $0xb8;
	[tilespmem:$0x10600] =	vst v63  }
0xe7: {  	s26 =	simm.s32 $0x3200  }
0xe8: {  	[hbm4b:s12+s23] =	stream.indirect_vreg.scatter [tilespmem:s26], [sflag:$0x1], $0x80, v42, vm8, $0xb8;
	[tilespmem:$0x10600] =	vst v63  }
0xe9: {  	_ = 	snop  }
0xea: {  	[hbm4b:s5+s23] =	stream.indirect_vreg.scatter [tilespmem:s28], [sflag:$0x1], $0x80, v41, vm8, $0xb8;
	[tilespmem:$0x10600] =	vst v63  }
0xeb: {  	_ = 	snop  }
0xec: {  	[hbm4b:s11+s23] =	stream.indirect_vreg.scatter [tilespmem:s29], [sflag:$0x1], $0x80, v41, vm8, $0xb8;
	[tilespmem:$0x10600] =	vst v63  }
0xed: {  	_ = 	snop  }
0xee: {  	[hbm4b:s12+s23] =	stream.indirect_vreg.scatter [tilespmem:s30], [sflag:$0x1], $0x80, v41, vm8, $0xb8;
	[tilespmem:$0x10600] =	vst v63  }
0xef: {  	v41 =	vld [tilespmem:$0x2110];
	_ =	sdelay $0x4  }
0xf0: {  	v55 =	vshrl.u32 v41, $0x3  }
0xf1: {  	v42 =	vmul.u32 $0x30, v55  }
0xf2: {  	v41 =	vand.u32 $0x7, v41  }
0xf3: {  	v41 =	vor.u32 v41, v42  }
0xf4: {  	v42 =	vperm.xlane v41, v31;
	_ =	sdelay $0x1  }
0xf5: {  	v42 =	vadd.s32 v32, v42;
	_ =	sdelay $0x3  }
0xf6: {  	v41 =	vperm.xlane v41, v33  }
0xf7: {  	[hbm4b:s5+s23] =	stream.indirect_vreg.scatter [tilespmem:s31], [sflag:$0x1], $0x80, v42, vm8, $0xb8;
	[tilespmem:$0x10600] =	vst v63  }
0xf8: {  	s1 =	simm.s32 $0x5A00;
	v41 =	vadd.s32 v32, v41  }
0xf9: {  	[hbm4b:s11+s23] =	stream.indirect_vreg.scatter [tilespmem:s1], [sflag:$0x1], $0x80, v42, vm8, $0xb8;
	[tilespmem:$0x10600] =	vst v63  }
0xfa: {  	s0 =	simm.s32 $0x6200  }
0xfb: {  	[hbm4b:s12+s23] =	stream.indirect_vreg.scatter [tilespmem:s0], [sflag:$0x1], $0x80, v42, vm8, $0xb8;
	[tilespmem:$0x10600] =	vst v63  }
0xfc: {  	_ = 	snop  }
0xfd: {  	[hbm4b:s5+s23] =	stream.indirect_vreg.scatter [tilespmem:s15], [sflag:$0x1], $0x80, v41, vm8, $0xb8;
	[tilespmem:$0x10600] =	vst v63  }
0xfe: {  	_ = 	snop  }
0xff: {  	[hbm4b:s11+s23] =	stream.indirect_vreg.scatter [tilespmem:s6], [sflag:$0x1], $0x80, v41, vm8, $0xb8;
	[tilespmem:$0x10600] =	vst v63  }
0x100: {  	_ = 	snop  }
0x101: {  	[hbm4b:s12+s23] =	stream.indirect_vreg.scatter [tilespmem:s3], [sflag:$0x1], $0x80, v41, vm8, $0xb8;
	[tilespmem:$0x10600] =	vst v63  }
0x102: {  	v41 =	vld [tilespmem:$0x2120];
	_ =	sdelay $0x4  }
0x103: {  	v56 =	vshrl.u32 v41, $0x3  }
0x104: {  	v42 =	vmul.u32 $0x30, v56  }
0x105: {  	v41 =	vand.u32 $0x7, v41  }
0x106: {  	v41 =	vor.u32 v41, v42  }
0x107: {  	v42 =	vperm.xlane v41, v31;
	_ =	sdelay $0x1  }
0x108: {  	v42 =	vadd.s32 v32, v42;
	_ =	sdelay $0x3  }
0x109: {  	s2 =	simm.s32 $0x8200;
	v41 =	vperm.xlane v41, v33  }
0x10a: {  	[hbm4b:s5+s23] =	stream.indirect_vreg.scatter [tilespmem:s2], [sflag:$0x1], $0x80, v42, vm8, $0xb8;
	[tilespmem:$0x10600] =	vst v63  }
0x10b: {  	v41 =	vadd.s32 v32, v41  }
0x10c: {  	[hbm4b:s11+s23] =	stream.indirect_vreg.scatter [tilespmem:s4], [sflag:$0x1], $0x80, v42, vm8, $0xb8;
	[tilespmem:$0x10600] =	vst v63  }
0x10d: {  	_ = 	snop  }
0x10e: {  	[hbm4b:s12+s23] =	stream.indirect_vreg.scatter [tilespmem:s7], [sflag:$0x1], $0x80, v42, vm8, $0xb8;
	[tilespmem:$0x10600] =	vst v63  }
0x10f: {  	_ = 	snop  }
0x110: {  	[hbm4b:s5+s23] =	stream.indirect_vreg.scatter [tilespmem:s8], [sflag:$0x1], $0x80, v41, vm8, $0xb8;
	[tilespmem:$0x10600] =	vst v63  }
0x111: {  	_ = 	snop  }
0x112: {  	[hbm4b:s11+s23] =	stream.indirect_vreg.scatter [tilespmem:s9], [sflag:$0x1], $0x80, v41, vm8, $0xb8;
	[tilespmem:$0x10600] =	vst v63  }
0x113: {  	_ = 	snop  }
0x114: {  	[hbm4b:s12+s23] =	stream.indirect_vreg.scatter [tilespmem:s10], [sflag:$0x1], $0x80, v41, vm8, $0xb8;
	[tilespmem:$0x10600] =	vst v63  }
0x115: {  	v41 =	vld [tilespmem:$0x2130];
	_ =	sdelay $0x4  }
0x116: {  	v57 =	vshrl.u32 v41, $0x3  }
0x117: {  	v42 =	vmul.u32 $0x30, v57  }
0x118: {  	v41 =	vand.u32 $0x7, v41  }
0x119: {  	v41 =	vor.u32 v41, v42  }
0x11a: {  	v42 =	vperm.xlane v41, v31;
	_ =	sdelay $0x1  }
0x11b: {  	v42 =	vadd.s32 v32, v42;
	_ =	sdelay $0x3  }
0x11c: {  	v41 =	vperm.xlane v41, v33  }
0x11d: {  	[hbm4b:s5+s23] =	stream.indirect_vreg.scatter [tilespmem:s13], [sflag:$0x1], $0x80, v42, vm8, $0xb8;
	[tilespmem:$0x10600] =	vst v63  }
0x11e: {  	v41 =	vadd.s32 v32, v41  }
0x11f: {  	[hbm4b:s11+s23] =	stream.indirect_vreg.scatter [tilespmem:s18], [sflag:$0x1], $0x80, v42, vm8, $0xb8;
	[tilespmem:$0x10600] =	vst v63  }
0x120: {  	_ = 	snop  }
0x121: {  	[hbm4b:s12+s23] =	stream.indirect_vreg.scatter [tilespmem:s21], [sflag:$0x1], $0x80, v42, vm8, $0xb8;
	[tilespmem:$0x10600] =	vst v63  }
0x122: {  	_ = 	snop  }
0x123: {  	[hbm4b:s5+s23] =	stream.indirect_vreg.scatter [tilespmem:s20], [sflag:$0x1], $0x80, v41, vm8, $0xb8;
	[tilespmem:$0x10600] =	vst v63  }
0x124: {  	_ = 	snop  }
0x125: {  	[hbm4b:s11+s23] =	stream.indirect_vreg.scatter [tilespmem:s17], [sflag:$0x1], $0x80, v41, vm8, $0xb8;
	[tilespmem:$0x10600] =	vst v63  }
0x126: {  	_ = 	snop  }
0x127: {  	[hbm4b:s12+s23] =	stream.indirect_vreg.scatter [tilespmem:s19], [sflag:$0x1], $0x80, v41, vm8, $0xb8;
	[tilespmem:$0x10600] =	vst v63  }
0x128: {  	_ =	swait.ge [sflag:s22], $0xC000  }
0x129: {  	[sflag:s22] =	ssyncset.done $0x0  }
0x12a: {  	[sflag:s22] =	ssyncadd.s32 $0xFFFF4000  }
0x12b: {  	v58 =	vld [tilespmem:$0x2180];
	_ =	sdelay $0x4  }
0x12c: {  	v59 =	vshrl.u32 v58, $0x3  }
0x12d: {  	v42 =	vmul.u32 $0x30, v59  }
0x12e: {  	v41 =	vand.u32 $0x7, v58  }
0x12f: {  	v41 =	vor.u32 v41, v42  }
0x130: {  	v42 =	vperm.xlane v41, v31;
	_ =	sdelay $0x1  }
0x131: {  	v42 =	vadd.s32 v32, v42;
	_ =	sdelay $0x3  }
0x132: {  	v41 =	vperm.xlane v41, v33  }
0x133: {  	[hbm4b:s5+s23] =	stream.indirect_vreg.scatter [tilespmem:s25], [sflag:$0x1], $0x80, v42, vm8, $0xb8;
	[tilespmem:$0x10600] =	vst v63  }
0x134: {  	v41 =	vadd.s32 v32, v41  }
0x135: {  	[hbm4b:s11+s23] =	stream.indirect_vreg.scatter [tilespmem:s24], [sflag:$0x1], $0x80, v42, vm8, $0xb8;
	[tilespmem:$0x10600] =	vst v63  }
0x136: {  	_ = 	snop  }
0x137: {  	[hbm4b:s12+s23] =	stream.indirect_vreg.scatter [tilespmem:s26], [sflag:$0x1], $0x80, v42, vm8, $0xb8;
	[tilespmem:$0x10600] =	vst v63  }
0x138: {  	_ = 	snop  }
0x139: {  	[hbm4b:s5+s23] =	stream.indirect_vreg.scatter [tilespmem:s28], [sflag:$0x1], $0x80, v41, vm8, $0xb8;
	[tilespmem:$0x10600] =	vst v63  }
0x13a: {  	_ = 	snop  }
0x13b: {  	[hbm4b:s11+s23] =	stream.indirect_vreg.scatter [tilespmem:s29], [sflag:$0x1], $0x80, v41, vm8, $0xb8;
	[tilespmem:$0x10600] =	vst v63  }
0x13c: {  	_ = 	snop  }
0x13d: {  	[hbm4b:s12+s23] =	stream.indirect_vreg.scatter [tilespmem:s30], [sflag:$0x1], $0x80, v41, vm8, $0xb8;
	[tilespmem:$0x10600] =	vst v63  }
0x13e: {  	v41 =	vld [tilespmem:$0x2190];
	_ =	sdelay $0x4  }
0x13f: {  	v60 =	vshrl.u32 v41, $0x3  }
0x140: {  	v42 =	vmul.u32 $0x30, v60  }
0x141: {  	v41 =	vand.u32 $0x7, v41  }
0x142: {  	v41 =	vor.u32 v41, v42  }
0x143: {  	v42 =	vperm.xlane v41, v31;
	_ =	sdelay $0x1  }
0x144: {  	v42 =	vadd.s32 v32, v42;
	_ =	sdelay $0x3  }
0x145: {  	v41 =	vperm.xlane v41, v33  }
0x146: {  	[hbm4b:s5+s23] =	stream.indirect_vreg.scatter [tilespmem:s31], [sflag:$0x1], $0x80, v42, vm8, $0xb8;
	[tilespmem:$0x10600] =	vst v63  }
0x147: {  	v41 =	vadd.s32 v32, v41  }
0x148: {  	[hbm4b:s11+s23] =	stream.indirect_vreg.scatter [tilespmem:s1], [sflag:$0x1], $0x80, v42, vm8, $0xb8;
	[tilespmem:$0x10600] =	vst v63  }
0x149: {  	_ = 	snop  }
0x14a: {  	[hbm4b:s12+s23] =	stream.indirect_vreg.scatter [tilespmem:s0], [sflag:$0x1], $0x80, v42, vm8, $0xb8;
	[tilespmem:$0x10600] =	vst v63  }
0x14b: {  	_ = 	snop  }
0x14c: {  	[hbm4b:s5+s23] =	stream.indirect_vreg.scatter [tilespmem:s15], [sflag:$0x1], $0x80, v41, vm8, $0xb8;
	[tilespmem:$0x10600] =	vst v63  }
0x14d: {  	_ = 	snop  }
0x14e: {  	[hbm4b:s11+s23] =	stream.indirect_vreg.scatter [tilespmem:s6], [sflag:$0x1], $0x80, v41, vm8, $0xb8;
	[tilespmem:$0x10600] =	vst v63  }
0x14f: {  	_ = 	snop  }
0x150: {  	[hbm4b:s12+s23] =	stream.indirect_vreg.scatter [tilespmem:s3], [sflag:$0x1], $0x80, v41, vm8, $0xb8;
	[tilespmem:$0x10600] =	vst v63  }
0x151: {  	v41 =	vld [tilespmem:$0x21A0];
	_ =	sdelay $0x4  }
0x152: {  	v61 =	vshrl.u32 v41, $0x3  }
0x153: {  	v42 =	vmul.u32 $0x30, v61  }
0x154: {  	v41 =	vand.u32 $0x7, v41  }
0x155: {  	v41 =	vor.u32 v41, v42  }
0x156: {  	v42 =	vperm.xlane v41, v31;
	_ =	sdelay $0x1  }
0x157: {  	v42 =	vadd.s32 v32, v42;
	_ =	sdelay $0x3  }
0x158: {  	v41 =	vperm.xlane v41, v33  }
0x159: {  	[hbm4b:s5+s23] =	stream.indirect_vreg.scatter [tilespmem:s2], [sflag:$0x1], $0x80, v42, vm8, $0xb8;
	[tilespmem:$0x10600] =	vst v63  }
0x15a: {  	v41 =	vadd.s32 v32, v41  }
0x15b: {  	[hbm4b:s11+s23] =	stream.indirect_vreg.scatter [tilespmem:s4], [sflag:$0x1], $0x80, v42, vm8, $0xb8;
	[tilespmem:$0x10600] =	vst v63  }
0x15c: {  	_ = 	snop  }
0x15d: {  	[hbm4b:s12+s23] =	stream.indirect_vreg.scatter [tilespmem:s7], [sflag:$0x1], $0x80, v42, vm8, $0xb8;
	[tilespmem:$0x10600] =	vst v63  }
0x15e: {  	_ = 	snop  }
0x15f: {  	[hbm4b:s5+s23] =	stream.indirect_vreg.scatter [tilespmem:s8], [sflag:$0x1], $0x80, v41, vm8, $0xb8;
	[tilespmem:$0x10600] =	vst v63  }
0x160: {  	_ = 	snop  }
0x161: {  	[hbm4b:s11+s23] =	stream.indirect_vreg.scatter [tilespmem:s9], [sflag:$0x1], $0x80, v41, vm8, $0xb8;
	[tilespmem:$0x10600] =	vst v63  }
0x162: {  	_ = 	snop  }
0x163: {  	[hbm4b:s12+s23] =	stream.indirect_vreg.scatter [tilespmem:s10], [sflag:$0x1], $0x80, v41, vm8, $0xb8;
	[tilespmem:$0x10600] =	vst v63  }
0x164: {  	v41 =	vld [tilespmem:$0x21B0];
	_ =	sdelay $0x4  }
0x165: {  	v62 =	vshrl.u32 v41, $0x3  }
0x166: {  	v42 =	vmul.u32 $0x30, v62  }
0x167: {  	v41 =	vand.u32 $0x7, v41  }
0x168: {  	v41 =	vor.u32 v41, v42  }
0x169: {  	v42 =	vperm.xlane v41, v31;
	_ =	sdelay $0x1  }
0x16a: {  	v42 =	vadd.s32 v32, v42;
	_ =	sdelay $0x3  }
0x16b: {  	v41 =	vperm.xlane v41, v33  }
0x16c: {  	[hbm4b:s5+s23] =	stream.indirect_vreg.scatter [tilespmem:s13], [sflag:$0x1], $0x80, v42, vm8, $0xb8;
	[tilespmem:$0x10600] =	vst v63  }
0x16d: {  	v41 =	vadd.s32 v32, v41  }
0x16e: {  	[hbm4b:s11+s23] =	stream.indirect_vreg.scatter [tilespmem:s18], [sflag:$0x1], $0x80, v42, vm8, $0xb8;
	[tilespmem:$0x10600] =	vst v63  }
0x16f: {  	_ = 	snop  }
0x170: {  	[hbm4b:s12+s23] =	stream.indirect_vreg.scatter [tilespmem:s21], [sflag:$0x1], $0x80, v42, vm8, $0xb8;
	[tilespmem:$0x10600] =	vst v63  }
0x171: {  	_ = 	snop  }
0x172: {  	[hbm4b:s5+s23] =	stream.indirect_vreg.scatter [tilespmem:s20], [sflag:$0x1], $0x80, v41, vm8, $0xb8;
	[tilespmem:$0x10600] =	vst v63  }
0x173: {  	_ = 	snop  }
0x174: {  	[hbm4b:s11+s23] =	stream.indirect_vreg.scatter [tilespmem:s17], [sflag:$0x1], $0x80, v41, vm8, $0xb8;
	[tilespmem:$0x10600] =	vst v63  }
0x175: {  	s1 =	simm.s32 $0x1  }
0x176: {  	[hbm4b:s12+s23] =	stream.indirect_vreg.scatter [tilespmem:s19], [sflag:$0x1], $0x80, v41, vm8, $0xb8;
	[tilespmem:$0x10600] =	vst v63  }
0x177: {  	_ =	swait.ge [sflag:s1], $0xC000  }
0x178: {  	[sflag:s1] =	ssyncset.done $0x0  }
0x179: {  	[sflag:s1] =	ssyncadd.s32 $0xFFFF4000  }
0x17a: {  	v41 =	vld.idx.msk [tilespmem:v34+s16+$0x0], $0xffff;
	_ =	sdelay $0x3  }
0x17b: {  	v63 =	vmov s23  }
0x17c: {  	v42 =	vperm.xlane v41, v63  }
0x17d: {  	s23 =	simm.s32 $0xE600  }
0x17e: {  	s24 =	simm.s32 $0x1;
	[tilespmem:s23+$0x0] =	vst v42  }
.LBB2_4:
0x17f: {  	p1 =	sne.s32 s24, $0xF  }
.Ltmp1:
0x180: {  	_ = 	snop;
	(pc) =	sbr.rel @p1 .LBB2_4-.Ltmp1, $4  }
0x181: {  	v42 =	vmov s24  }
0x182: {  	v42 =	vperm.xlane v41, v42  }
0x183: {  	s23 =	sadd.s32 $0x80, s23  }
0x184: {  	s24 =	sadd.s32 $0x1, s24;
	[tilespmem:s23+$0x0] =	vst v42  }
0x185: {  	_ =	sdelay $0x3  }
0x186: {  	v41 =	vld.idx.msk [tilespmem:v35+s16+$0x0], $0xffff;
	_ =	sdelay $0x2  }
0x187: {  	s23 =	simm.s32 $0x0  }
0x188: {  	v42 =	vmov s23  }
0x189: {  	v42 =	vperm.xlane v41, v42  }
0x18a: {  	s23 =	simm.s32 $0xEE00  }
0x18b: {  	s24 =	simm.s32 $0x1;
	[tilespmem:s23+$0x0] =	vst v42  }
.LBB2_6:
0x18c: {  	p1 =	sne.s32 s24, $0xF  }
.Ltmp2:
0x18d: {  	_ = 	snop;
	(pc) =	sbr.rel @p1 .LBB2_6-.Ltmp2, $4  }
0x18e: {  	v42 =	vmov s24  }
0x18f: {  	v42 =	vperm.xlane v41, v42  }
0x190: {  	s23 =	sadd.s32 $0x80, s23  }
0x191: {  	s24 =	sadd.s32 $0x1, s24;
	[tilespmem:s23+$0x0] =	vst v42  }
0x192: {  	_ =	sdelay $0x3  }
0x193: {  	v41 =	vld.idx.msk [tilespmem:v36+s16+$0x0], $0xffff;
	_ =	sdelay $0x2  }
0x194: {  	s23 =	simm.s32 $0x0  }
0x195: {  	v42 =	vmov s23  }
0x196: {  	v42 =	vperm.xlane v41, v42  }
0x197: {  	s23 =	simm.s32 $0xF600  }
0x198: {  	s24 =	simm.s32 $0x1;
	[tilespmem:s23+$0x0] =	vst v42  }
.LBB2_8:
0x199: {  	p1 =	sne.s32 s24, $0xF  }
.Ltmp3:
0x19a: {  	_ = 	snop;
	(pc) =	sbr.rel @p1 .LBB2_8-.Ltmp3, $4  }
0x19b: {  	v42 =	vmov s24  }
0x19c: {  	v42 =	vperm.xlane v41, v42  }
0x19d: {  	s23 =	sadd.s32 $0x80, s23  }
0x19e: {  	s24 =	sadd.s32 $0x1, s24;
	[tilespmem:s23+$0x0] =	vst v42  }
0x19f: {  	_ =	sdelay $0x3  }
0x1a0: {  	v41 =	vld.idx.msk [tilespmem:v37+s16+$0x0], $0xffff;
	_ =	sdelay $0x2  }
0x1a1: {  	s23 =	simm.s32 $0x0  }
0x1a2: {  	v42 =	vmov s23  }
0x1a3: {  	v42 =	vperm.xlane v41, v42  }
0x1a4: {  	s23 =	simm.s32 $0xFE00  }
0x1a5: {  	s24 =	simm.s32 $0x1;
	[tilespmem:s23+$0x0] =	vst v42  }
.LBB2_10:
0x1a6: {  	p1 =	sne.s32 s24, $0xF  }
.Ltmp4:
0x1a7: {  	_ = 	snop;
	(pc) =	sbr.rel @p1 .LBB2_10-.Ltmp4, $4  }
0x1a8: {  	v42 =	vmov s24  }
0x1a9: {  	v42 =	vperm.xlane v41, v42  }
0x1aa: {  	s23 =	sadd.s32 $0x80, s23  }
0x1ab: {  	s24 =	sadd.s32 $0x1, s24;
	[tilespmem:s23+$0x0] =	vst v42  }
0x1ac: {  	s23 =	simm.s32 $0xE600  }
0x1ad: {  	s24 =	rddreg [dreg:$0x2];
	s0 =	simm.s32 $0x2100;
	s2 =	simm.s32 $0x40  }
0x1ae: {  	[hbm4b:s24+s2] =	stream.indirect.scatter [tilespmem:s23], [sflag:$0x1], $0x80, s0, s2, $0xb8;
	[tilespmem:$0x10600] =	vst v63  }
0x1af: {  	_ =	swait.ge [sflag:s1], $0x2000  }
0x1b0: {  	[sflag:s1] =	ssyncset.done $0x0  }
0x1b1: {  	[sflag:s1] =	ssyncadd.s32 $0xFFFFE000  }
0x1b2: {  	v41 =	vld.idx.msk [tilespmem:v38+s16+$0x0], $0xffff;
	_ =	sdelay $0x2  }
0x1b3: {  	s26 =	simm.s32 $0x0  }
0x1b4: {  	v42 =	vmov s26  }
0x1b5: {  	v42 =	vperm.xlane v41, v42;
	_ =	sdelay $0x1  }
0x1b6: {  	s0 =	simm.s32 $0x40;
	s24 =	simm.s32 $0x1;
	[tilespmem:s23+$0x0] =	vst v42  }
.LBB2_12:
0x1b7: {  	p1 =	sne.s32 s24, $0xF  }
.Ltmp5:
0x1b8: {  	_ = 	snop;
	(pc) =	sbr.rel @p1 .LBB2_12-.Ltmp5, $4  }
0x1b9: {  	v42 =	vmov s24  }
0x1ba: {  	v42 =	vperm.xlane v41, v42  }
0x1bb: {  	s23 =	sadd.s32 $0x80, s23  }
0x1bc: {  	s24 =	sadd.s32 $0x1, s24;
	[tilespmem:s23+$0x0] =	vst v42  }
0x1bd: {  	_ =	sdelay $0x3  }
0x1be: {  	v41 =	vld.idx.msk [tilespmem:v39+s16+$0x0], $0xffff;
	_ =	sdelay $0x2  }
0x1bf: {  	s23 =	simm.s32 $0x0  }
0x1c0: {  	v42 =	vmov s23  }
0x1c1: {  	v42 =	vperm.xlane v41, v42  }
0x1c2: {  	s23 =	simm.s32 $0xEE00  }
0x1c3: {  	s24 =	simm.s32 $0x1;
	[tilespmem:s23+$0x0] =	vst v42  }
.LBB2_14:
0x1c4: {  	p1 =	sne.s32 s24, $0xF  }
.Ltmp6:
0x1c5: {  	_ = 	snop;
	(pc) =	sbr.rel @p1 .LBB2_14-.Ltmp6, $4  }
0x1c6: {  	v42 =	vmov s24  }
0x1c7: {  	v42 =	vperm.xlane v41, v42  }
0x1c8: {  	s23 =	sadd.s32 $0x80, s23  }
0x1c9: {  	s24 =	sadd.s32 $0x1, s24;
	[tilespmem:s23+$0x0] =	vst v42  }
0x1ca: {  	_ =	sdelay $0x3  }
0x1cb: {  	v41 =	vld.idx.msk [tilespmem:v40+s16+$0x0], $0xffff;
	_ =	sdelay $0x2  }
0x1cc: {  	s23 =	simm.s32 $0x0  }
0x1cd: {  	v42 =	vmov s23  }
0x1ce: {  	v42 =	vperm.xlane v41, v42  }
0x1cf: {  	s23 =	simm.s32 $0xF600  }
0x1d0: {  	s24 =	simm.s32 $0x1;
	[tilespmem:s23+$0x0] =	vst v42  }
.LBB2_16:
0x1d1: {  	p1 =	sne.s32 s24, $0xF  }
.Ltmp7:
0x1d2: {  	_ = 	snop;
	(pc) =	sbr.rel @p1 .LBB2_16-.Ltmp7, $4  }
0x1d3: {  	v42 =	vmov s24  }
0x1d4: {  	v42 =	vperm.xlane v41, v42  }
0x1d5: {  	s23 =	sadd.s32 $0x80, s23  }
0x1d6: {  	s24 =	sadd.s32 $0x1, s24;
	[tilespmem:s23+$0x0] =	vst v42  }
0x1d7: {  	v41 =	vor.u32 $0x1805, v13;
	_ =	sdelay $0x4  }
0x1d8: {  	v41 =	vld.idx.msk [tilespmem:v41+s16+$0x0], $0xffff;
	_ =	sdelay $0x2  }
0x1d9: {  	s23 =	simm.s32 $0x0  }
0x1da: {  	v42 =	vmov s23  }
0x1db: {  	v42 =	vperm.xlane v41, v42  }
0x1dc: {  	s23 =	simm.s32 $0xFE00  }
0x1dd: {  	s24 =	simm.s32 $0x1;
	[tilespmem:s23+$0x0] =	vst v42  }
.LBB2_18:
0x1de: {  	p1 =	sne.s32 s24, $0xF  }
.Ltmp8:
0x1df: {  	_ = 	snop;
	(pc) =	sbr.rel @p1 .LBB2_18-.Ltmp8, $4  }
0x1e0: {  	v42 =	vmov s24  }
0x1e1: {  	v42 =	vperm.xlane v41, v42  }
0x1e2: {  	s23 =	sadd.s32 $0x80, s23  }
0x1e3: {  	s24 =	sadd.s32 $0x1, s24;
	[tilespmem:s23+$0x0] =	vst v42  }
0x1e4: {  	s23 =	rddreg [dreg:$0x2];
	s24 =	simm.s32 $0x2180;
	s2 =	simm.s32 $0xE600  }
0x1e5: {  	[hbm4b:s23+s0] =	stream.indirect.scatter [tilespmem:s2], [sflag:$0x1], $0x80, s24, s0, $0xb8;
	[tilespmem:$0x10600] =	vst v63  }
0x1e6: {  	_ =	swait.ge [sflag:s1], $0x2000  }
0x1e7: {  	s25 =	rddreg [dreg:$0xb]  }
0x1e8: {  	s26 =	rddreg [dreg:$0xa];
	s0 =	sadd.s32 $0x1, s25  }
0x1e9: {  	p1 =	sne.s32 s0, s26  }
.Ltmp9:
0x1ea: {  	_ = 	snop;
	(pc) =	sbr.rel @p1 .LBB2_1-.Ltmp9, $3  }
0x1eb: {  	_ =	sdelay $0x1  }
0x1ec: {  	[sflag:s1] =	ssyncset.done $0x0  }
0x1ed: {  	[sflag:s1] =	ssyncadd.s32 $0xFFFFE000  }
0x1ee: {  	_ =	sfence.sel $0x180000  }
0x1ef: {  	[bflag:$0x0] =	sbarrier.arrive $0xFFFF  }
0x1f0: {  	_ =	strace $0x90000047  }
0x1f1: {  	s0 =	stileid.u32;
	[bflag:$0x2] =	sbarrier.arrive $0xFFFF  }
0x1f2: {  	p0 =	sne.s32 s0, $0x0;
	s0 =	rddreg [dreg:$0x3]  }
0x1f3: {  	s0 =	sadd.s32 @!p0 $0x100000, s0  }
0x1f4: {  	[sflag:s0] =	ssyncadd.tile.s32 @!p0 $0x1;
	_ =	shalt  }
.Lfunc_end2:
_tile_overlayer_lowered:
.L_overlay_start_2:
0x1f5: {  	(tag) =	ssettag $0x2  }
0x1f6: {  	s0 =	rddreg [dreg:$0x0];
	s2 =	stileid.u32  }
0x1f7: {  	s1 =	rddreg [dreg:$0x1];
	p0 =	sne.s32 s2, $0x0  }
0x1f8: {  	s3 =	rddreg [dreg:$0x2];
	[bflag:$0x3] =	sbarrier.arrive $0xFFFF;
	s2 =	simm.s32 @!p0 $0x1C02  }
0x1f9: {  	[timem:s3], [sflag:s2] =	dma.local @!p0 [hbm:s0], s1  }
0x1fa: {  	s0 =	simm.s32 @!p0 $0x2  }
0x1fb: {  	_ =	swait.ge @!p0 [sflag:s0], s1  }
0x1fc: {  	s1 =	ssub.s32 @!p0 $0x0, s1;
	[sflag:s0] =	ssyncset.done @!p0 $0x0  }
0x1fd: {  	[sflag:s0] =	ssyncadd.s32 @!p0 s1  }
0x1fe: {  	[bflag:$0x3] =	sbarrier.arrive $0xFFFF  }
0x1ff: {  	_ =	shalt  }

// kernel: kernel.9.cloned.1.call-start
scs
__scs_entry_jumppad:
0x0: {  	(pc) =	sbr.rel $0x88, $3  }
0x1: {  	(tag) =	ssettag $0x0;
	lr =	simm.s32 $0x1  }
0x2: {  	[smem:$0x3F9C] =	sst lr;
	_ =	strace $0xD0000000  }
0x3: {  	_ = 	snop  }
0x4: {  	_ = 	snop  }
0x5: {  	_ = 	snop  }
0x6: {  	_ = 	snop  }
0x7: {  	_ = 	snop  }
__scs_overlays_trampoline_lowered:
0x8: {  	[smem:$0x3FAB] =	sst s0  }
0x9: {  	[smem:$0x3FAC] =	sst s1  }
0xa: {  	[smem:$0x3FAD] =	sst s2  }
0xb: {  	[smem:$0x3FAE] =	sst s3  }
0xc: {  	[smem:$0x3FAF] =	sst s4  }
0xd: {  	[smem:$0x3FB0] =	sst s5  }
0xe: {  	[smem:$0x3FB1] =	sst s6  }
0xf: {  	[smem:$0x3FB2] =	sst s7  }
0x10: {  	[smem:$0x3FB3] =	sst s8  }
0x11: {  	[smem:$0x3FB4] =	sst s9;
	s0 =	simm.s32 @!p0 $0x0  }
0x12: {  	s1 =	sld [smem:$0x3F9A];
	s0 =	simm.s32 @p0 $0x1  }
0x13: {  	[smem:$0x3FB5] =	sst s0;
	s0 =	simm.s32 @!p1 $0x0  }
0x14: {  	s2 =	sld [smem:$0x3F99];
	s0 =	simm.s32 @p1 $0x1  }
0x15: {  	[smem:$0x3FB6] =	sst s0;
	s0 =	simm.s32 @!p2 $0x0  }
0x16: {  	s3 =	sld [smem:$0x3FDB];
	s0 =	simm.s32 @p2 $0x1  }
0x17: {  	s4 =	simm.s32 $0x1BF5;
	[smem:$0x3FB8] =	sst s0  }
0x18: {  	s0 =	sld [smem:$0x3F9B];
	_ =	swait.ge [sflag:s4], $0x0  }
0x19: {  	s7 =	sld [smem:$0x3F9C]  }
0x1a: {  	s8 =	sadd.s32 $0xFFFFE003, lr  }
0x1b: {  	s9 =	sadd.s32 $0xFFFFFEF7, lr;
	s5 =	simm.s32 $0xFFFFFFFF;
	p2 =	slt.u32 s8, $0xFFFFF086  }
0x1c: {  	p1 =	slt.u32 s9, $0xF7A;
	s5 =	simm.s32 @!p2 $0x0  }
0x1d: {  	s5 =	simm.s32 @p1 $0x1;
	p0 =	seq.s32 s7, s2  }
0x1e: {  	s7 =	smul.u32 @!p0 $0xF7A, s2;
	p2 =	seq.s32 @!p0 s5, $0x0  }
0x1f: {  	s9 =	smul.u32 $0xF7A, s1;
	s8 =	simm.s32 @!p0 $0x1BF5;
	p2 =	por !p2, p0  }
0x20: {  	[sflag:s8] =	ssyncset.s32 @!p0 $0xFFFFF086;
	s6 =	sadd.s32 @!p0 s3, s7;
	s7 =	simm.s32 @!p0 $0x108  }
0x21: {  	s3 =	sadd.s32 s3, s9;
	s6 =	sadd.s32 @!p0 $0x88, s6;
	s7 =	simm.s32 @p2 $0x1082  }
0x22: {  	[simem:s7], [sflag:s8] =	dma.local @!p0 [hbm:s6], $0xF7A  }
0x23: {  	s9 =	sor.u32 $0xD0000000, s2;
	s6 =	simm.s32 $0x108;
	_ =	swait.ge @!p0 [sflag:s8], $0x0  }
0x24: {  	s3 =	sadd.s32 $0x88, s3;
	s6 =	simm.s32 @!p1 $0x1082;
	[sflag:s4] =	ssyncset.s32 $0xFFFFF086  }
0x25: {  	[simem:s6], [sflag:s4] =	dma.local [hbm:s3], $0xF7A  }
0x26: {  	[smem:$0x3F9C] =	sst s1;
	(tag) =	ssettag s2;
	_ =	strace s9  }
0x27: {  	s1 =	sld [smem:$0x3FAC]  }
0x28: {  	s2 =	sld [smem:$0x3FAD]  }
0x29: {  	s4 =	sld [smem:$0x3FAF]  }
0x2a: {  	p0 =	seq.s32 s5, $0x0;
	s5 =	sld [smem:$0x3FB0]  }
0x2b: {  	s6 =	sld [smem:$0x3FB1]  }
0x2c: {  	s7 =	sld [smem:$0x3FB2]  }
0x2d: {  	s3 =	simm.s32 $0x108;
	s8 =	sld [smem:$0x3FB3]  }
0x2e: {  	s3 =	simm.s32 @!p0 $0x1082;
	s9 =	sld [smem:$0x3FB4]  }
0x2f: {  	lr =	sadd.s32 s0, s3;
	s0 =	sld [smem:$0x3FAB]  }
0x30: {  	s3 =	sld [smem:$0x3FAE]  }
0x31: {  	[smem:$0x3FB7] =	sst s10  }
0x32: {  	s10 =	sld [smem:$0x3FB5];
	_ =	sdelay $0x3  }
0x33: {  	p0 =	seq.s32 s10, $0x1;
	s10 =	sld [smem:$0x3FB7];
	_ =	sdelay $0x3  }
0x34: {  	[smem:$0x3FB7] =	sst s10  }
0x35: {  	s10 =	sld [smem:$0x3FB6];
	_ =	sdelay $0x3  }
0x36: {  	p1 =	seq.s32 s10, $0x1;
	s10 =	sld [smem:$0x3FB7];
	_ =	sdelay $0x3  }
0x37: {  	[smem:$0x3FB7] =	sst s10  }
0x38: {  	s10 =	sld [smem:$0x3FB8]  }
0x39: {  	_ = 	snop;
	(pc) =	sbr.ind lr, $3  }
0x3a: {  	_ = 	snop  }
0x3b: {  	_ = 	snop  }
0x3c: {  	p2 =	seq.s32 s10, $0x1;
	s10 =	sld [smem:$0x3FB7]  }
0x3d: {  	_ =	shalt  }
0x3e: {  	_ =	shalt  }
0x3f: {  	_ =	shalt  }
0x40: {  	_ =	shalt  }
0x41: {  	_ =	shalt  }
0x42: {  	_ =	shalt  }
0x43: {  	_ =	shalt  }
0x44: {  	_ =	shalt  }
0x45: {  	_ =	shalt  }
0x46: {  	_ =	shalt  }
0x47: {  	_ =	shalt  }
0x48: {  	_ =	shalt  }
0x49: {  	_ =	shalt  }
0x4a: {  	_ =	shalt  }
0x4b: {  	_ =	shalt  }
0x4c: {  	_ =	shalt  }
0x4d: {  	_ =	shalt  }
0x4e: {  	_ =	shalt  }
0x4f: {  	_ =	shalt  }
0x50: {  	_ =	shalt  }
0x51: {  	_ =	shalt  }
0x52: {  	_ =	shalt  }
0x53: {  	_ =	shalt  }
0x54: {  	_ =	shalt  }
0x55: {  	_ =	shalt  }
0x56: {  	_ =	shalt  }
0x57: {  	_ =	shalt  }
0x58: {  	_ =	shalt  }
0x59: {  	_ =	shalt  }
0x5a: {  	_ =	shalt  }
0x5b: {  	_ =	shalt  }
0x5c: {  	_ =	shalt  }
0x5d: {  	_ =	shalt  }
0x5e: {  	_ =	shalt  }
0x5f: {  	_ =	shalt  }
0x60: {  	_ =	shalt  }
0x61: {  	_ =	shalt  }
0x62: {  	_ =	shalt  }
0x63: {  	_ =	shalt  }
0x64: {  	_ =	shalt  }
0x65: {  	_ =	shalt  }
0x66: {  	_ =	shalt  }
0x67: {  	_ =	shalt  }
0x68: {  	_ =	shalt  }
0x69: {  	_ =	shalt  }
0x6a: {  	_ =	shalt  }
0x6b: {  	_ =	shalt  }
0x6c: {  	_ =	shalt  }
0x6d: {  	_ =	shalt  }
0x6e: {  	_ =	shalt  }
0x6f: {  	_ =	shalt  }
0x70: {  	_ =	shalt  }
0x71: {  	_ =	shalt  }
0x72: {  	_ =	shalt  }
0x73: {  	_ =	shalt  }
0x74: {  	_ =	shalt  }
0x75: {  	_ =	shalt  }
0x76: {  	_ =	shalt  }
0x77: {  	_ =	shalt  }
0x78: {  	_ =	shalt  }
0x79: {  	_ =	shalt  }
0x7a: {  	_ =	shalt  }
0x7b: {  	_ =	shalt  }
0x7c: {  	_ =	shalt  }
0x7d: {  	_ =	shalt  }
0x7e: {  	_ =	shalt  }
0x7f: {  	_ =	shalt  }
0x80: {  	_ =	shalt  }
0x81: {  	_ =	shalt  }
0x82: {  	_ =	shalt  }
0x83: {  	_ =	shalt  }
0x84: {  	_ =	shalt  }
0x85: {  	_ =	shalt  }
0x86: {  	_ =	shalt  }
0x87: {  	_ =	shalt  }
.Lfunc_end0:
.L_simem_size_0:
called_computation.1_lowered:
.L_overlay_start_0:
0x88: {  	s2 =	sld [smem:$0x3FD9]  }
0x89: {  	s3 =	sld [smem:$0x3FFE];
	_ =	sdelay $0x1  }
0x8a: {  	s1 =	srdreg.scid  }
0x8b: {  	s0 =	sand.u32 $0x1, s1  }
0x8c: {  	s17 =	sshll.u32 s0, $0xA;
	s2 =	sadd.s32 s3, s2  }
0x8d: {  	s2 =	sadd.s32 s2, s17  }
0x8e: {  	[smem:$0x3FC3] =	sst s2  }
0x8f: {  	_ = 	snop  }
0x90: {  	s2 =	sld [smem:$0x3FD0];
	(tm) =	ssettm $0x1  }
0x91: {  	s18 =	sld [smem:$0x3FFB];
	_ =	sdelay $0x3  }
0x92: {  	_ =	strace s18  }
0x93: {  	s3 =	sld [smem:$0x3FFC];
	_ =	sdelay $0x3  }
0x94: {  	_ =	strace s3  }
0x95: {  	s3 =	sld [smem:$0x3FFD];
	_ =	sdelay $0x3  }
0x96: {  	_ =	strace s3  }
0x97: {  	_ =	strace $0x8FFFFFFF  }
0x98: {  	s19 =	sld [smem:$0x3FDB];
	_ =	sdelay $0x1  }
0x99: {  	s4 =	simm.s32 $_scs_section_size  }
0x9a: {  	s5 =	simm.s32 $_size__tile_overlayer_lowered;
	s6 =	simm.s32 $_tile_overlayer_lowered  }
0x9b: {  	s22 =	simm.s32 $0x1BFF;
	s21 =	sshll.u32 s6, $0x1;
	s3 =	sadd.s32 s4, s19  }
0x9c: {  	s7 =	simm.s32 $0x0;
	s20 =	sshll.u32 s5, $0x1;
	s5 =	sadd.s32 s21, s3  }
0x9d: {  	[timem:s7], [sflag:s22] =	dma.local [hbm:s5], s20  }
0x9e: {  	_ =	swait.ge [sflag:s22], s20  }
0x9f: {  	s4 =	ssub.s32 $0x0, s20;
	[sflag:s22] =	ssyncset.done $0x0  }
0xa0: {  	[sflag:s22] =	ssyncadd.s32 s4;
	_ =	sdelay $0x1  }
0xa1: {  	s23 =	simm.s32 $0x1B8B  }
0xa2: {  	_ =	swait.ge [sflag:s23], $0x1  }
0xa3: {  	[sflag:s23] =	ssyncset.done $0x0  }
0xa4: {  	s25 =	simm.s32 $0x1B8E;
	s24 =	sld [smem:$0x3FFE];
	[sflag:s23] =	ssyncadd.s32 $0xFFFFFFFF  }
0xa5: {  	s26 =	simm.s32 $execute0_lowered;
	[smem:$0x3FD2] =	sst s25  }
0xa6: {  	s5 =	sshll.u32 s26, $0x1;
	_ =	strace $0x80000049;
	[dreg:$0x1] =	wrdreg $0xFFFFFFFF  }
0xa7: {  	s28 =	simm.s32 $_size_execute0_lowered;
	s3 =	sadd.s32 s3, s5;
	[dreg:$0x0] =	wrdreg $0x0  }
0xa8: {  	s5 =	sshll.u32 s28, $0x1;
	[dreg:$0x2] =	wrdreg s3  }
0xa9: {  	[dreg:$0x3] =	wrdreg s5  }
0xaa: {  	[dreg:$0x4] =	wrdreg $0xC0  }
0xab: {  	_ =	task [dreg:s7], $0x5FFFF  }
0xac: {  	[dreg:$0x1] =	wrdreg $0xFFFFFFFF  }
0xad: {  	[dreg:$0x0] =	wrdreg $0x60  }
0xae: {  	[dreg:$0x2] =	wrdreg s24  }
0xaf: {  	[dreg:$0x3] =	wrdreg s2  }
0xb0: {  	[dreg:$0x4] =	wrdreg $0x9  }
0xb1: {  	_ =	task.clear_ibuf [dreg:s7], $0x5FFFF;
	_ =	strace $0x90000049  }
0xb2: {  	s29 =	simm.s32 $0x9;
	_ =	strace $0x8000004B  }
0xb3: {  	_ =	swait.ge [sflag:s29], $0x1  }
0xb4: {  	[sflag:s29] =	ssyncadd.s32 $0xFFFFFFFF  }
0xb5: {  	_ =	strace $0x9000004B  }
0xb6: {  	_ =	sfence  }
0xb7: {  	s30 =	sld [smem:$0x0];
	_ =	sdelay $0x2  }
0xb8: {  	s31 =	sshll.u32 s1, $0xD;
	s1 =	sshrl.u32 s1, $0x2  }
0xb9: {  	s3 =	sand.u32 $0x4000, s31;
	s1 =	sadd.s32 s1, s30  }
0xba: {  	s0 =	sor.u32 s3, s0;
	s1 =	sshll.u32 s1, $0x11  }
0xbb: {  	s0 =	sor.u32 s1, s0  }
0xbc: {  	s0 =	sadd.s32 $0x8F2B, s0  }
0xbd: {  	[sflag:s0] =	ssyncadd.remote.s32 $0x1  }
0xbe: {  	_ =	sfence.sel $0xFFFF  }
0xbf: {  	[dreg:$0x0] =	wrdreg $0xFFFFFFFF;
	(pc) =	sbr.abs _section_cstart, $3  }
0xc0: {  	[dreg:$0x1] =	wrdreg $0xFFFFFFFF  }
0xc1: {  	_ =	task.clear_ibuf [dreg:s7], $0x2FFFF;
	_ =	strace $0x9FFFFFFF  }
0xc2: {  	(tm) =	ssettm $0x7FFFFFFF  }
0xc3: {  	_ =	shalt  }
tec
execute0_lowered:
.L_overlay_start_1:
0x0: {  	(tag) =	ssettag $0x1  }
0x1: {  	s0 =	rddreg [dreg:$0x0]  }
0x2: {  	s1 =	rddreg [dreg:$0x1]  }
0x3: {  	s3 =	srdreg.scid;
	s2 =	simm.s32 $0x0;
	s4 =	stileid.u32  }
0x4: {  	s10 =	simm.s32 $0x2;
	s12 =	simm.s32 $0x100;
	s25 =	simm.s32 $0x11100  }
0x5: {  	s28 =	simm.s32 $0x12100;
	s29 =	simm.s32 $0x12900;
	s30 =	simm.s32 $0x13100  }
0x6: {  	s31 =	simm.s32 $0x13900;
	s11 =	simm.s32 $0x15100;
	s13 =	simm.s32 $0x15900  }
0x7: {  	s14 =	simm.s32 $0x16100;
	s15 =	simm.s32 $0x16900;
	s16 =	simm.s32 $0x17100  }
0x8: {  	s17 =	simm.s32 $0x17900;
	s18 =	simm.s32 $0x1;
	s19 =	simm.s32 $0x0  }
0x9: {  	s3 =	sand.u32 $0x1, s3;
	[smem:$0x7FF] =	sst s2;
	s4 =	sshll.u32 s4, $0x4  }
0xa: {  	s5 =	sshll.u32 s3, $0x3;
	_ =	strace $0x8000004A;
	s26 =	ssub.s32 $0x2, s3  }
0xb: {  	s3 =	sadd.s32 $0x1C00, s0;
	s5 =	sor.u32 s5, s4;
	s7 =	sshrl.u32 s26, $0x1  }
0xc: {  	s6 =	sadd.s32 s5, s0;
	s9 =	ssub.s32 s26, s7;
	s8 =	smul.u32 $0x300, s5  }
0xd: {  	v2 =	vlaneseq.u32;
	s7 =	sadd.s32 $0x1E00, s0;
	s26 =	simm.s32 $0x11900;
	s4 =	sadd.s32 $0x9A000, s6  }
0xe: {  	vm0 =	vmmov $0xffff;
	v1 =	vshrl.u32 v2, $0x3;
	s5 =	sadd.s32 $0x9A200, s6;
	s6 =	sadd.s32 $0x1D00, s0;
	s9 =	smax.u32 s9, $0x1  }
0xf: {  	v0 =	vand.u32 $0x7, v2;
	v2 =	vor.u32 $0x8, v2;
	v1 =	vmul.u32 $0x8, v1;
	s0 =	simm.s32 $0x14100;
	s8 =	sadd.s32 s1, s8;
	s1 =	simm.s32 $0x14900  }
.LBB2_1:
0x10: {  	[tilespmem:s2], [sflag:$0x2] =	stream.linear.gather [hbm4b:s4+s2], $0x40, $0x38;
	[tilespmem:$0x18100] =	vst v63  }
0x11: {  	_ =	swait.ge [sflag:s10], $0x40  }
0x12: {  	[sflag:s10] =	ssyncset.done $0x0  }
0x13: {  	s20 =	simm.s32 $0x80;
	[sflag:s10] =	ssyncadd.s32 $0xFFFFFFC0  }
0x14: {  	[tilespmem:s20], [sflag:$0x2] =	stream.linear.gather [hbm4b:s5+s2], $0x40, $0x38;
	[tilespmem:$0x18100] =	vst v63  }
0x15: {  	_ =	swait.ge [sflag:s10], $0x40  }
0x16: {  	[sflag:s10] =	ssyncset.done $0x0  }
0x17: {  	[sflag:s10] =	ssyncadd.s32 $0xFFFFFFC0  }
0x18: {  	v3 =	vld [tilespmem:$0x0];
	_ =	sdelay $0x4  }
0x19: {  	v4 =	vshrl.u32 v3, $0x3  }
0x1a: {  	v4 =	vmul.u32 $0x30, v4  }
0x1b: {  	v3 =	vand.u32 $0x7, v3  }
0x1c: {  	v3 =	vor.u32 v3, v4  }
0x1d: {  	v4 =	vperm.xlane v3, v0;
	_ =	sdelay $0x1  }
0x1e: {  	v4 =	vadd.s32 v1, v4;
	_ =	sdelay $0x3  }
0x1f: {  	v3 =	vperm.xlane v3, v2  }
0x20: {  	[tilespmem:s12], [sflag:$0x1] =	stream.indirect_vreg.gather [hbm4b:s3+s2], $0x80, v4, vm0, $0xb8;
	[tilespmem:$0x18100] =	vst v63  }
0x21: {  	s23 =	simm.s32 $0x900;
	v3 =	vadd.s32 v1, v3  }
0x22: {  	[tilespmem:s23], [sflag:$0x1] =	stream.indirect_vreg.gather [hbm4b:s6+s2], $0x80, v4, vm0, $0xb8;
	[tilespmem:$0x18100] =	vst v63  }
0x23: {  	s24 =	simm.s32 $0x1100  }
0x24: {  	[tilespmem:s24], [sflag:$0x1] =	stream.indirect_vreg.gather [hbm4b:s7+s2], $0x80, v4, vm0, $0xb8;
	[tilespmem:$0x18100] =	vst v63  }
0x25: {  	s21 =	simm.s32 $0x1900  }
0x26: {  	[tilespmem:s21], [sflag:$0x1] =	stream.indirect_vreg.gather [hbm4b:s3+s2], $0x80, v3, vm0, $0xb8;
	[tilespmem:$0x18100] =	vst v63  }
0x27: {  	s22 =	simm.s32 $0x2100  }
0x28: {  	[tilespmem:s22], [sflag:$0x1] =	stream.indirect_vreg.gather [hbm4b:s6+s2], $0x80, v3, vm0, $0xb8;
	[tilespmem:$0x18100] =	vst v63  }
0x29: {  	s23 =	simm.s32 $0x2900  }
0x2a: {  	[tilespmem:s23], [sflag:$0x1] =	stream.indirect_vreg.gather [hbm4b:s7+s2], $0x80, v3, vm0, $0xb8;
	[tilespmem:$0x18100] =	vst v63  }
0x2b: {  	v3 =	vld [tilespmem:$0x10];
	_ =	sdelay $0x4  }
0x2c: {  	v4 =	vshrl.u32 v3, $0x3  }
0x2d: {  	v4 =	vmul.u32 $0x30, v4  }
0x2e: {  	v3 =	vand.u32 $0x7, v3  }
0x2f: {  	v3 =	vor.u32 v3, v4  }
0x30: {  	v4 =	vperm.xlane v3, v0;
	_ =	sdelay $0x1  }
0x31: {  	v4 =	vadd.s32 v1, v4;
	_ =	sdelay $0x3  }
0x32: {  	s24 =	simm.s32 $0x3100;
	v3 =	vperm.xlane v3, v2  }
0x33: {  	[tilespmem:s24], [sflag:$0x1] =	stream.indirect_vreg.gather [hbm4b:s3+s2], $0x80, v4, vm0, $0xb8;
	[tilespmem:$0x18100] =	vst v63  }
0x34: {  	s21 =	simm.s32 $0x3900;
	v3 =	vadd.s32 v1, v3  }
0x35: {  	[tilespmem:s21], [sflag:$0x1] =	stream.indirect_vreg.gather [hbm4b:s6+s2], $0x80, v4, vm0, $0xb8;
	[tilespmem:$0x18100] =	vst v63  }
0x36: {  	s22 =	simm.s32 $0x4100  }
0x37: {  	[tilespmem:s22], [sflag:$0x1] =	stream.indirect_vreg.gather [hbm4b:s7+s2], $0x80, v4, vm0, $0xb8;
	[tilespmem:$0x18100] =	vst v63  }
0x38: {  	s23 =	simm.s32 $0x4900  }
0x39: {  	[tilespmem:s23], [sflag:$0x1] =	stream.indirect_vreg.gather [hbm4b:s3+s2], $0x80, v3, vm0, $0xb8;
	[tilespmem:$0x18100] =	vst v63  }
0x3a: {  	s24 =	simm.s32 $0x5100  }
0x3b: {  	[tilespmem:s24], [sflag:$0x1] =	stream.indirect_vreg.gather [hbm4b:s6+s2], $0x80, v3, vm0, $0xb8;
	[tilespmem:$0x18100] =	vst v63  }
0x3c: {  	s21 =	simm.s32 $0x5900  }
0x3d: {  	[tilespmem:s21], [sflag:$0x1] =	stream.indirect_vreg.gather [hbm4b:s7+s2], $0x80, v3, vm0, $0xb8;
	[tilespmem:$0x18100] =	vst v63  }
0x3e: {  	v3 =	vld [tilespmem:$0x20];
	_ =	sdelay $0x4  }
0x3f: {  	v4 =	vshrl.u32 v3, $0x3  }
0x40: {  	v4 =	vmul.u32 $0x30, v4  }
0x41: {  	v3 =	vand.u32 $0x7, v3  }
0x42: {  	v3 =	vor.u32 v3, v4  }
0x43: {  	v4 =	vperm.xlane v3, v0;
	_ =	sdelay $0x1  }
0x44: {  	v4 =	vadd.s32 v1, v4;
	_ =	sdelay $0x3  }
0x45: {  	s22 =	simm.s32 $0x6100;
	v3 =	vperm.xlane v3, v2  }
0x46: {  	[tilespmem:s22], [sflag:$0x1] =	stream.indirect_vreg.gather [hbm4b:s3+s2], $0x80, v4, vm0, $0xb8;
	[tilespmem:$0x18100] =	vst v63  }
0x47: {  	s23 =	simm.s32 $0x6900;
	v3 =	vadd.s32 v1, v3  }
0x48: {  	[tilespmem:s23], [sflag:$0x1] =	stream.indirect_vreg.gather [hbm4b:s6+s2], $0x80, v4, vm0, $0xb8;
	[tilespmem:$0x18100] =	vst v63  }
0x49: {  	s24 =	simm.s32 $0x7100  }
0x4a: {  	[tilespmem:s24], [sflag:$0x1] =	stream.indirect_vreg.gather [hbm4b:s7+s2], $0x80, v4, vm0, $0xb8;
	[tilespmem:$0x18100] =	vst v63  }
0x4b: {  	s21 =	simm.s32 $0x7900  }
0x4c: {  	[tilespmem:s21], [sflag:$0x1] =	stream.indirect_vreg.gather [hbm4b:s3+s2], $0x80, v3, vm0, $0xb8;
	[tilespmem:$0x18100] =	vst v63  }
0x4d: {  	s22 =	simm.s32 $0x8100  }
0x4e: {  	[tilespmem:s22], [sflag:$0x1] =	stream.indirect_vreg.gather [hbm4b:s6+s2], $0x80, v3, vm0, $0xb8;
	[tilespmem:$0x18100] =	vst v63  }
0x4f: {  	s23 =	simm.s32 $0x8900  }
0x50: {  	[tilespmem:s23], [sflag:$0x1] =	stream.indirect_vreg.gather [hbm4b:s7+s2], $0x80, v3, vm0, $0xb8;
	[tilespmem:$0x18100] =	vst v63  }
0x51: {  	v3 =	vld [tilespmem:$0x30];
	_ =	sdelay $0x4  }
0x52: {  	v4 =	vshrl.u32 v3, $0x3  }
0x53: {  	v4 =	vmul.u32 $0x30, v4  }
0x54: {  	v3 =	vand.u32 $0x7, v3  }
0x55: {  	v3 =	vor.u32 v3, v4  }
0x56: {  	v4 =	vperm.xlane v3, v0;
	_ =	sdelay $0x1  }
0x57: {  	v4 =	vadd.s32 v1, v4;
	_ =	sdelay $0x3  }
0x58: {  	s24 =	simm.s32 $0x9100;
	v3 =	vperm.xlane v3, v2  }
0x59: {  	[tilespmem:s24], [sflag:$0x1] =	stream.indirect_vreg.gather [hbm4b:s3+s2], $0x80, v4, vm0, $0xb8;
	[tilespmem:$0x18100] =	vst v63  }
0x5a: {  	s21 =	simm.s32 $0x9900;
	v3 =	vadd.s32 v1, v3  }
0x5b: {  	[tilespmem:s21], [sflag:$0x1] =	stream.indirect_vreg.gather [hbm4b:s6+s2], $0x80, v4, vm0, $0xb8;
	[tilespmem:$0x18100] =	vst v63  }
0x5c: {  	s22 =	simm.s32 $0xA100  }
0x5d: {  	[tilespmem:s22], [sflag:$0x1] =	stream.indirect_vreg.gather [hbm4b:s7+s2], $0x80, v4, vm0, $0xb8;
	[tilespmem:$0x18100] =	vst v63  }
0x5e: {  	s23 =	simm.s32 $0xA900  }
0x5f: {  	[tilespmem:s23], [sflag:$0x1] =	stream.indirect_vreg.gather [hbm4b:s3+s2], $0x80, v3, vm0, $0xb8;
	[tilespmem:$0x18100] =	vst v63  }
0x60: {  	s24 =	simm.s32 $0xB100  }
0x61: {  	[tilespmem:s24], [sflag:$0x1] =	stream.indirect_vreg.gather [hbm4b:s6+s2], $0x80, v3, vm0, $0xb8;
	[tilespmem:$0x18100] =	vst v63  }
0x62: {  	s21 =	simm.s32 $0xB900  }
0x63: {  	[tilespmem:s21], [sflag:$0x1] =	stream.indirect_vreg.gather [hbm4b:s7+s2], $0x80, v3, vm0, $0xb8;
	[tilespmem:$0x18100] =	vst v63  }
0x64: {  	v3 =	vld [tilespmem:$0x80];
	_ =	sdelay $0x4  }
0x65: {  	v4 =	vshrl.u32 v3, $0x3  }
0x66: {  	v4 =	vmul.u32 $0x30, v4  }
0x67: {  	v3 =	vand.u32 $0x7, v3  }
0x68: {  	v3 =	vor.u32 v3, v4  }
0x69: {  	v4 =	vperm.xlane v3, v0;
	_ =	sdelay $0x1  }
0x6a: {  	v4 =	vadd.s32 v1, v4;
	_ =	sdelay $0x3  }
0x6b: {  	s22 =	simm.s32 $0xC100;
	v3 =	vperm.xlane v3, v2  }
0x6c: {  	[tilespmem:s22], [sflag:$0x1] =	stream.indirect_vreg.gather [hbm4b:s3+s2], $0x80, v4, vm0, $0xb8;
	[tilespmem:$0x18100] =	vst v63  }
0x6d: {  	s23 =	simm.s32 $0xC900;
	v3 =	vadd.s32 v1, v3  }
0x6e: {  	[tilespmem:s23], [sflag:$0x1] =	stream.indirect_vreg.gather [hbm4b:s6+s2], $0x80, v4, vm0, $0xb8;
	[tilespmem:$0x18100] =	vst v63  }
0x6f: {  	s24 =	simm.s32 $0xD100  }
0x70: {  	[tilespmem:s24], [sflag:$0x1] =	stream.indirect_vreg.gather [hbm4b:s7+s2], $0x80, v4, vm0, $0xb8;
	[tilespmem:$0x18100] =	vst v63  }
0x71: {  	s21 =	simm.s32 $0xD900  }
0x72: {  	[tilespmem:s21], [sflag:$0x1] =	stream.indirect_vreg.gather [hbm4b:s3+s2], $0x80, v3, vm0, $0xb8;
	[tilespmem:$0x18100] =	vst v63  }
0x73: {  	s22 =	simm.s32 $0xE100  }
0x74: {  	[tilespmem:s22], [sflag:$0x1] =	stream.indirect_vreg.gather [hbm4b:s6+s2], $0x80, v3, vm0, $0xb8;
	[tilespmem:$0x18100] =	vst v63  }
0x75: {  	s23 =	simm.s32 $0xE900  }
0x76: {  	[tilespmem:s23], [sflag:$0x1] =	stream.indirect_vreg.gather [hbm4b:s7+s2], $0x80, v3, vm0, $0xb8;
	[tilespmem:$0x18100] =	vst v63  }
0x77: {  	v3 =	vld [tilespmem:$0x90];
	_ =	sdelay $0x4  }
0x78: {  	v4 =	vshrl.u32 v3, $0x3  }
0x79: {  	v4 =	vmul.u32 $0x30, v4  }
0x7a: {  	v3 =	vand.u32 $0x7, v3  }
0x7b: {  	v3 =	vor.u32 v3, v4  }
0x7c: {  	v4 =	vperm.xlane v3, v0;
	_ =	sdelay $0x1  }
0x7d: {  	v4 =	vadd.s32 v1, v4;
	_ =	sdelay $0x3  }
0x7e: {  	s24 =	simm.s32 $0xF100;
	v3 =	vperm.xlane v3, v2  }
0x7f: {  	[tilespmem:s24], [sflag:$0x1] =	stream.indirect_vreg.gather [hbm4b:s3+s2], $0x80, v4, vm0, $0xb8;
	[tilespmem:$0x18100] =	vst v63  }
0x80: {  	s21 =	simm.s32 $0xF900;
	v3 =	vadd.s32 v1, v3  }
0x81: {  	[tilespmem:s21], [sflag:$0x1] =	stream.indirect_vreg.gather [hbm4b:s6+s2], $0x80, v4, vm0, $0xb8;
	[tilespmem:$0x18100] =	vst v63  }
0x82: {  	s22 =	simm.s32 $0x10100  }
0x83: {  	[tilespmem:s22], [sflag:$0x1] =	stream.indirect_vreg.gather [hbm4b:s7+s2], $0x80, v4, vm0, $0xb8;
	[tilespmem:$0x18100] =	vst v63  }
0x84: {  	s23 =	simm.s32 $0x10900  }
0x85: {  	[tilespmem:s23], [sflag:$0x1] =	stream.indirect_vreg.gather [hbm4b:s3+s2], $0x80, v3, vm0, $0xb8;
	[tilespmem:$0x18100] =	vst v63  }
0x86: {  	_ = 	snop  }
0x87: {  	[tilespmem:s25], [sflag:$0x1] =	stream.indirect_vreg.gather [hbm4b:s6+s2], $0x80, v3, vm0, $0xb8;
	[tilespmem:$0x18100] =	vst v63  }
0x88: {  	_ = 	snop  }
0x89: {  	[tilespmem:s26], [sflag:$0x1] =	stream.indirect_vreg.gather [hbm4b:s7+s2], $0x80, v3, vm0, $0xb8;
	[tilespmem:$0x18100] =	vst v63  }
0x8a: {  	v3 =	vld [tilespmem:$0xA0];
	_ =	sdelay $0x4  }
0x8b: {  	v4 =	vshrl.u32 v3, $0x3  }
0x8c: {  	v4 =	vmul.u32 $0x30, v4  }
0x8d: {  	v3 =	vand.u32 $0x7, v3  }
0x8e: {  	v3 =	vor.u32 v3, v4  }
0x8f: {  	v4 =	vperm.xlane v3, v0;
	_ =	sdelay $0x1  }
0x90: {  	v4 =	vadd.s32 v1, v4;
	_ =	sdelay $0x3  }
0x91: {  	v3 =	vperm.xlane v3, v2  }
0x92: {  	[tilespmem:s28], [sflag:$0x1] =	stream.indirect_vreg.gather [hbm4b:s3+s2], $0x80, v4, vm0, $0xb8;
	[tilespmem:$0x18100] =	vst v63  }
0x93: {  	v3 =	vadd.s32 v1, v3  }
0x94: {  	[tilespmem:s29], [sflag:$0x1] =	stream.indirect_vreg.gather [hbm4b:s6+s2], $0x80, v4, vm0, $0xb8;
	[tilespmem:$0x18100] =	vst v63  }
0x95: {  	_ = 	snop  }
0x96: {  	[tilespmem:s30], [sflag:$0x1] =	stream.indirect_vreg.gather [hbm4b:s7+s2], $0x80, v4, vm0, $0xb8;
	[tilespmem:$0x18100] =	vst v63  }
0x97: {  	_ = 	snop  }
0x98: {  	[tilespmem:s31], [sflag:$0x1] =	stream.indirect_vreg.gather [hbm4b:s3+s2], $0x80, v3, vm0, $0xb8;
	[tilespmem:$0x18100] =	vst v63  }
0x99: {  	_ = 	snop  }
0x9a: {  	[tilespmem:s0], [sflag:$0x1] =	stream.indirect_vreg.gather [hbm4b:s6+s2], $0x80, v3, vm0, $0xb8;
	[tilespmem:$0x18100] =	vst v63  }
0x9b: {  	_ = 	snop  }
0x9c: {  	[tilespmem:s1], [sflag:$0x1] =	stream.indirect_vreg.gather [hbm4b:s7+s2], $0x80, v3, vm0, $0xb8;
	[tilespmem:$0x18100] =	vst v63  }
0x9d: {  	v3 =	vld [tilespmem:$0xB0];
	_ =	sdelay $0x4  }
0x9e: {  	v4 =	vshrl.u32 v3, $0x3  }
0x9f: {  	v4 =	vmul.u32 $0x30, v4  }
0xa0: {  	v3 =	vand.u32 $0x7, v3  }
0xa1: {  	v3 =	vor.u32 v3, v4  }
0xa2: {  	v4 =	vperm.xlane v3, v0;
	_ =	sdelay $0x1  }
0xa3: {  	v4 =	vadd.s32 v1, v4;
	_ =	sdelay $0x3  }
0xa4: {  	v3 =	vperm.xlane v3, v2  }
0xa5: {  	[tilespmem:s11], [sflag:$0x1] =	stream.indirect_vreg.gather [hbm4b:s3+s2], $0x80, v4, vm0, $0xb8;
	[tilespmem:$0x18100] =	vst v63  }
0xa6: {  	v3 =	vadd.s32 v1, v3  }
0xa7: {  	[tilespmem:s13], [sflag:$0x1] =	stream.indirect_vreg.gather [hbm4b:s6+s2], $0x80, v4, vm0, $0xb8;
	[tilespmem:$0x18100] =	vst v63  }
0xa8: {  	_ = 	snop  }
0xa9: {  	[tilespmem:s14], [sflag:$0x1] =	stream.indirect_vreg.gather [hbm4b:s7+s2], $0x80, v4, vm0, $0xb8;
	[tilespmem:$0x18100] =	vst v63  }
0xaa: {  	_ = 	snop  }
0xab: {  	[tilespmem:s15], [sflag:$0x1] =	stream.indirect_vreg.gather [hbm4b:s3+s2], $0x80, v3, vm0, $0xb8;
	[tilespmem:$0x18100] =	vst v63  }
0xac: {  	_ = 	snop  }
0xad: {  	[tilespmem:s16], [sflag:$0x1] =	stream.indirect_vreg.gather [hbm4b:s6+s2], $0x80, v3, vm0, $0xb8;
	[tilespmem:$0x18100] =	vst v63  }
0xae: {  	_ = 	snop  }
0xaf: {  	[tilespmem:s17], [sflag:$0x1] =	stream.indirect_vreg.gather [hbm4b:s7+s2], $0x80, v3, vm0, $0xb8;
	[tilespmem:$0x18100] =	vst v63  }
0xb0: {  	_ =	swait.ge [sflag:s18], $0xC000  }
0xb1: {  	[sflag:s18] =	ssyncset.done $0x0  }
0xb2: {  	s24 =	simm.s32 $0x0;
	[sflag:s18] =	ssyncadd.s32 $0xFFFF4000  }
0xb3: {  	s20 =	smul.u32 $0x1800, s24;
	_ =	swait.ge [sflag:s18], $0xC000  }
0xb4: {  	s21 =	sand.u32 $0x380, s2;
	[sflag:s18] =	ssyncset.done $0x0  }
0xb5: {  	s20 =	sor.u32 s21, s20;
	[sflag:s18] =	ssyncadd.s32 $0xFFFF4000  }
0xb6: {  	v12 =	vld [tilespmem:s20+$0xC100]  }
0xb7: {  	v13 =	vld [tilespmem:s20+$0xC110]  }
0xb8: {  	v14 =	vld [tilespmem:s20+$0xC120]  }
0xb9: {  	v15 =	vld [tilespmem:s20+$0xC130]  }
0xba: {  	v16 =	vld [tilespmem:s20+$0xC140]  }
0xbb: {  	v17 =	vld [tilespmem:s20+$0xC150]  }
0xbc: {  	v18 =	vld [tilespmem:s20+$0xC160]  }
0xbd: {  	v19 =	vld [tilespmem:s20+$0xC170]  }
0xbe: {  	v20 =	vld [tilespmem:s20+$0xC500]  }
0xbf: {  	v21 =	vld [tilespmem:s20+$0xC510]  }
0xc0: {  	v22 =	vld [tilespmem:s20+$0xC520]  }
0xc1: {  	v23 =	vld [tilespmem:s20+$0xC530]  }
0xc2: {  	v24 =	vld [tilespmem:s20+$0xC540]  }
0xc3: {  	v25 =	vld [tilespmem:s20+$0xC550]  }
0xc4: {  	v26 =	vld [tilespmem:s20+$0xC560]  }
0xc5: {  	v27 =	vld [tilespmem:s20+$0xC570]  }
0xc6: {  	v28 =	vld [tilespmem:s20+$0xC900]  }
0xc7: {  	v29 =	vld [tilespmem:s20+$0xC910]  }
0xc8: {  	v30 =	vld [tilespmem:s20+$0xC920]  }
0xc9: {  	v31 =	vld [tilespmem:s20+$0xC930]  }
0xca: {  	v32 =	vld [tilespmem:s20+$0xC940]  }
0xcb: {  	v33 =	vld [tilespmem:s20+$0xC950]  }
0xcc: {  	v34 =	vld [tilespmem:s20+$0xC960]  }
0xcd: {  	v35 =	vld [tilespmem:s20+$0xC970]  }
0xce: {  	v36 =	vld [tilespmem:s20+$0xCD00]  }
0xcf: {  	v37 =	vld [tilespmem:s20+$0xCD10]  }
0xd0: {  	v38 =	vld [tilespmem:s20+$0xCD20]  }
0xd1: {  	v39 =	vld [tilespmem:s20+$0xCD30]  }
0xd2: {  	v40 =	vld [tilespmem:s20+$0xCD40]  }
0xd3: {  	v41 =	vld [tilespmem:s20+$0xCD50]  }
0xd4: {  	v42 =	vld [tilespmem:s20+$0xCD60]  }
0xd5: {  	v43 =	vld [tilespmem:s20+$0xCD70]  }
0xd6: {  	v44 =	vld [tilespmem:s20+$0xD100]  }
0xd7: {  	v45 =	vld [tilespmem:s20+$0xD110]  }
0xd8: {  	v46 =	vld [tilespmem:s20+$0xD120]  }
0xd9: {  	v47 =	vld [tilespmem:s20+$0xD130]  }
0xda: {  	v48 =	vld [tilespmem:s20+$0xD140]  }
0xdb: {  	v49 =	vld [tilespmem:s20+$0xD150]  }
0xdc: {  	v50 =	vld [tilespmem:s20+$0xD160]  }
0xdd: {  	v11 =	vld [tilespmem:s20+$0xD170]  }
0xde: {  	v10 =	vld [tilespmem:s20+$0xD500]  }
0xdf: {  	v9 =	vld [tilespmem:s20+$0xD510]  }
0xe0: {  	v8 =	vld [tilespmem:s20+$0xD520]  }
0xe1: {  	v7 =	vld [tilespmem:s20+$0xD530]  }
0xe2: {  	v6 =	vld [tilespmem:s20+$0xD540]  }
0xe3: {  	v51 =	vld [tilespmem:s20+$0x100]  }
0xe4: {  	v52 =	vld [tilespmem:s20+$0x110]  }
0xe5: {  	v53 =	vld [tilespmem:s20+$0x120]  }
0xe6: {  	v54 =	vld [tilespmem:s20+$0x130]  }
0xe7: {  	v55 =	vld [tilespmem:s20+$0x140]  }
0xe8: {  	v62 =	vld [tilespmem:s20+$0x150];
	v12 =	vadd.f32 v12, v51  }
0xe9: {  	v63 =	vld [tilespmem:s20+$0x160];
	v13 =	vadd.f32 v13, v52  }
0xea: {  	[tilespmem:s20+$0x100] =	vst v12;
	v12 =	vadd.f32 v14, v53;
	v14 =	vld [tilespmem:s20+$0x170]  }
0xeb: {  	[tilespmem:s20+$0x110] =	vst v13;
	v13 =	vadd.f32 v15, v54;
	v15 =	vld [tilespmem:s20+$0x500]  }
0xec: {  	[tilespmem:s20+$0x120] =	vst v12;
	v12 =	vadd.f32 v16, v55;
	v16 =	vld [tilespmem:s20+$0x510]  }
0xed: {  	[tilespmem:s20+$0x130] =	vst v13;
	v13 =	vadd.f32 v17, v62;
	v17 =	vld [tilespmem:s20+$0x520]  }
0xee: {  	v5 =	vld [tilespmem:s20+$0xD550]  }
0xef: {  	[tilespmem:s20+$0x140] =	vst v12;
	v12 =	vadd.f32 v18, v63;
	v18 =	vld [tilespmem:s20+$0x570]  }
0xf0: {  	[tilespmem:s20+$0x150] =	vst v13;
	v13 =	vadd.f32 v19, v14;
	v14 =	vld [tilespmem:s20+$0x530]  }
0xf1: {  	[tilespmem:s20+$0x160] =	vst v12;
	v12 =	vadd.f32 v20, v15;
	v15 =	vld [tilespmem:s20+$0x540]  }
0xf2: {  	[tilespmem:s20+$0x170] =	vst v13;
	v13 =	vadd.f32 v21, v16;
	v16 =	vadd.f32 v22, v17;
	v17 =	vld [tilespmem:s20+$0x560]  }
0xf3: {  	[tilespmem:s20+$0x500] =	vst v12;
	v12 =	vld [tilespmem:s20+$0x550]  }
0xf4: {  	[tilespmem:s20+$0x510] =	vst v13;
	v13 =	vld [tilespmem:s20+$0x900];
	v18 =	vadd.f32 v27, v18  }
0xf5: {  	[tilespmem:s20+$0x520] =	vst v16;
	v16 =	vld [tilespmem:s20+$0x910];
	v14 =	vadd.f32 v23, v14  }
0xf6: {  	v4 =	vld [tilespmem:s20+$0xD560];
	v15 =	vadd.f32 v24, v15;
	[tilespmem:s20+$0x570] =	vst v18  }
0xf7: {  	[tilespmem:s20+$0x530] =	vst v14;
	v14 =	vld [tilespmem:s20+$0x920];
	v17 =	vadd.f32 v26, v17  }
0xf8: {  	v12 =	vadd.f32 v25, v12;
	[tilespmem:s20+$0x540] =	vst v15;
	v15 =	vld [tilespmem:s20+$0x930]  }
0xf9: {  	v18 =	vld [tilespmem:s20+$0x970];
	[tilespmem:s20+$0x560] =	vst v17;
	v13 =	vadd.f32 v28, v13  }
0xfa: {  	v16 =	vadd.f32 v29, v16;
	[tilespmem:s20+$0x550] =	vst v12;
	v12 =	vld [tilespmem:s20+$0x940]  }
0xfb: {  	v17 =	vld [tilespmem:s20+$0x950];
	[tilespmem:s20+$0x900] =	vst v13  }
0xfc: {  	[tilespmem:s20+$0x910] =	vst v16;
	v16 =	vld [tilespmem:s20+$0x960];
	v13 =	vadd.f32 v30, v14  }
0xfd: {  	v14 =	vld [tilespmem:s20+$0xD00];
	v15 =	vadd.f32 v31, v15  }
0xfe: {  	[tilespmem:s20+$0x920] =	vst v13;
	v13 =	vld [tilespmem:s20+$0xD10]  }
0xff: {  	v12 =	vadd.f32 v32, v12;
	[tilespmem:s20+$0x930] =	vst v15;
	v15 =	vld [tilespmem:s20+$0xD20]  }
0x100: {  	v3 =	vld [tilespmem:s20+$0xD570];
	v17 =	vadd.f32 v33, v17  }
0x101: {  	v16 =	vadd.f32 v34, v16;
	[tilespmem:s20+$0x940] =	vst v12;
	v12 =	vld [tilespmem:s20+$0xD30]  }
0x102: {  	[tilespmem:s20+$0x950] =	vst v17;
	v17 =	vld [tilespmem:s20+$0xD40];
	v14 =	vadd.f32 v36, v14  }
0x103: {  	v18 =	vadd.f32 v35, v18;
	[tilespmem:s20+$0x960] =	vst v16;
	v16 =	vld [tilespmem:s20+$0xD50]  }
0x104: {  	v13 =	vadd.f32 v37, v13;
	[tilespmem:s20+$0xD00] =	vst v14;
	v14 =	vadd.f32 v38, v15;
	v15 =	vld [tilespmem:s20+$0xD60]  }
0x105: {  	[tilespmem:s20+$0x970] =	vst v18;
	v18 =	vld [tilespmem:s20+$0xD70]  }
0x106: {  	[tilespmem:s20+$0xD10] =	vst v13;
	v13 =	vld [tilespmem:s20+$0x1100];
	v12 =	vadd.f32 v39, v12  }
0x107: {  	v17 =	vadd.f32 v40, v17;
	[tilespmem:s20+$0xD20] =	vst v14;
	v14 =	vld [tilespmem:s20+$0x1110]  }
0x108: {  	v16 =	vadd.f32 v41, v16;
	[tilespmem:s20+$0xD30] =	vst v12;
	v12 =	vld [tilespmem:s20+$0x1120]  }
0x109: {  	[tilespmem:s20+$0xD40] =	vst v17;
	v17 =	vld [tilespmem:s20+$0x1130];
	v15 =	vadd.f32 v42, v15  }
0x10a: {  	v19 =	vld [tilespmem:s20+$0x1140];
	[tilespmem:s20+$0xD50] =	vst v16;
	v16 =	vadd.f32 v43, v18  }
0x10b: {  	v18 =	vld [tilespmem:s20+$0x1150];
	v13 =	vadd.f32 v44, v13;
	[tilespmem:s20+$0xD60] =	vst v15  }
0x10c: {  	v20 =	vld [tilespmem:s20+$0x1160];
	[tilespmem:s20+$0xD70] =	vst v16;
	v14 =	vadd.f32 v45, v14  }
0x10d: {  	v16 =	vld [tilespmem:s20+$0x1170];
	[tilespmem:s20+$0x1100] =	vst v13;
	v12 =	vadd.f32 v46, v12  }
0x10e: {  	v15 =	vld [tilespmem:s20+$0x1500];
	v13 =	vadd.f32 v47, v17;
	[tilespmem:s20+$0x1110] =	vst v14  }
0x10f: {  	v14 =	vld [tilespmem:s20+$0x1510];
	[tilespmem:s20+$0x1120] =	vst v12;
	v12 =	vadd.f32 v48, v19  }
0x110: {  	[tilespmem:s20+$0x1130] =	vst v13;
	v13 =	vld [tilespmem:s20+$0x1520];
	v18 =	vadd.f32 v49, v18  }
0x111: {  	s21 =	simm.s32 $0x1;
	s22 =	simm.s32 $0x0;
	v17 =	vadd.f32 v50, v20;
	[tilespmem:s20+$0x1140] =	vst v12;
	v12 =	vld [tilespmem:s20+$0x1530]  }
.LBB2_2:
0x112: {  	s23 =	sshrl.u32 s21, $0x3;
	p0 =	sne.s32 s21, $0x3F;
	[tilespmem:s20+$0x1150] =	vst v18;
	v11 =	vadd.f32 v11, v16;
	v16 =	vld [tilespmem:s20+$0x1540]  }
0x113: {  	s22 =	sadd.s32 $0x80, s22;
	s23 =	smul.u32 $0x1800, s23;
	[tilespmem:s20+$0x1160] =	vst v17;
	v10 =	vadd.f32 v10, v15;
	v15 =	vld [tilespmem:s20+$0x1550]  }
0x114: {  	s24 =	sand.u32 $0x380, s22;
	[tilespmem:s20+$0x1170] =	vst v11;
	v9 =	vadd.f32 v9, v14;
	v11 =	vld [tilespmem:s20+$0x1560]  }
0x115: {  	s23 =	sor.u32 s24, s23;
	[tilespmem:s20+$0x1500] =	vst v10;
	v8 =	vadd.f32 v8, v13;
	v10 =	vld [tilespmem:s20+$0x1570]  }
0x116: {  	v39 =	vld [tilespmem:s23+$0xC100];
	[tilespmem:s20+$0x1510] =	vst v9;
	v7 =	vadd.f32 v7, v12  }
0x117: {  	v40 =	vld [tilespmem:s23+$0xC110];
	[tilespmem:s20+$0x1520] =	vst v8;
	v6 =	vadd.f32 v6, v16  }
0x118: {  	v41 =	vld [tilespmem:s23+$0xC120];
	[tilespmem:s20+$0x1530] =	vst v7;
	v5 =	vadd.f32 v5, v15  }
0x119: {  	v42 =	vld [tilespmem:s23+$0xC130];
	[tilespmem:s20+$0x1540] =	vst v6;
	v4 =	vadd.f32 v4, v11  }
0x11a: {  	v43 =	vld [tilespmem:s23+$0xC140];
	[tilespmem:s20+$0x1550] =	vst v5;
	v3 =	vadd.f32 v3, v10  }
0x11b: {  	v44 =	vld [tilespmem:s23+$0xC150];
	[tilespmem:s20+$0x1560] =	vst v4  }
0x11c: {  	v45 =	vld [tilespmem:s23+$0xC160];
	[tilespmem:s20+$0x1570] =	vst v3;
	s20 =	smov.u32 s23  }
0x11d: {  	v46 =	vld [tilespmem:s20+$0xC170]  }
0x11e: {  	v47 =	vld [tilespmem:s20+$0xC500]  }
0x11f: {  	v48 =	vld [tilespmem:s20+$0xC510]  }
0x120: {  	v49 =	vld [tilespmem:s20+$0xC520]  }
0x121: {  	v50 =	vld [tilespmem:s20+$0xC530]  }
0x122: {  	v38 =	vld [tilespmem:s20+$0xC540]  }
0x123: {  	v37 =	vld [tilespmem:s20+$0xC550]  }
0x124: {  	v36 =	vld [tilespmem:s20+$0xC560]  }
0x125: {  	v35 =	vld [tilespmem:s20+$0xC570]  }
0x126: {  	v34 =	vld [tilespmem:s20+$0xC900]  }
0x127: {  	v33 =	vld [tilespmem:s20+$0xC910]  }
0x128: {  	v32 =	vld [tilespmem:s20+$0xC920]  }
0x129: {  	v31 =	vld [tilespmem:s20+$0xC930]  }
0x12a: {  	v30 =	vld [tilespmem:s20+$0xC940]  }
0x12b: {  	v29 =	vld [tilespmem:s20+$0xC950]  }
0x12c: {  	v28 =	vld [tilespmem:s20+$0xC960]  }
0x12d: {  	v27 =	vld [tilespmem:s20+$0xC970]  }
0x12e: {  	v26 =	vld [tilespmem:s20+$0xCD00]  }
0x12f: {  	v25 =	vld [tilespmem:s20+$0xCD10]  }
0x130: {  	v24 =	vld [tilespmem:s20+$0xCD20]  }
0x131: {  	v23 =	vld [tilespmem:s20+$0xCD30]  }
0x132: {  	v22 =	vld [tilespmem:s20+$0xCD40]  }
0x133: {  	v21 =	vld [tilespmem:s20+$0xCD50]  }
0x134: {  	v20 =	vld [tilespmem:s20+$0xCD60]  }
0x135: {  	v19 =	vld [tilespmem:s20+$0xCD70]  }
0x136: {  	v18 =	vld [tilespmem:s20+$0xD100]  }
0x137: {  	v17 =	vld [tilespmem:s20+$0xD110]  }
0x138: {  	v16 =	vld [tilespmem:s20+$0xD120]  }
0x139: {  	v15 =	vld [tilespmem:s20+$0xD130]  }
0x13a: {  	v14 =	vld [tilespmem:s20+$0xD140]  }
0x13b: {  	v13 =	vld [tilespmem:s20+$0xD150]  }
0x13c: {  	v12 =	vld [tilespmem:s20+$0xD160]  }
0x13d: {  	v11 =	vld [tilespmem:s20+$0xD170]  }
0x13e: {  	v10 =	vld [tilespmem:s20+$0xD500]  }
0x13f: {  	v9 =	vld [tilespmem:s20+$0xD510]  }
0x140: {  	v8 =	vld [tilespmem:s20+$0xD520]  }
0x141: {  	v7 =	vld [tilespmem:s20+$0xD530]  }
0x142: {  	v6 =	vld [tilespmem:s20+$0xD540]  }
0x143: {  	v5 =	vld [tilespmem:s20+$0xD550]  }
0x144: {  	v4 =	vld [tilespmem:s20+$0xD560]  }
0x145: {  	v3 =	vld [tilespmem:s20+$0xD570]  }
0x146: {  	v51 =	vld [tilespmem:s20+$0x100]  }
0x147: {  	v52 =	vld [tilespmem:s20+$0x110]  }
0x148: {  	v53 =	vld [tilespmem:s20+$0x120]  }
0x149: {  	v54 =	vld [tilespmem:s20+$0x130]  }
0x14a: {  	v55 =	vld [tilespmem:s20+$0x140]  }
0x14b: {  	v39 =	vadd.f32 v39, v51;
	v51 =	vld [tilespmem:s20+$0x150]  }
0x14c: {  	v40 =	vadd.f32 v40, v52;
	v52 =	vld [tilespmem:s20+$0x160]  }
0x14d: {  	[tilespmem:s20+$0x100] =	vst v39;
	v39 =	vadd.f32 v41, v53;
	v41 =	vld [tilespmem:s20+$0x170]  }
0x14e: {  	[tilespmem:s20+$0x110] =	vst v40;
	v40 =	vadd.f32 v42, v54;
	v42 =	vld [tilespmem:s20+$0x500]  }
0x14f: {  	[tilespmem:s20+$0x120] =	vst v39;
	v39 =	vadd.f32 v43, v55;
	v43 =	vld [tilespmem:s20+$0x510]  }
0x150: {  	[tilespmem:s20+$0x130] =	vst v40;
	v40 =	vadd.f32 v44, v51;
	v44 =	vld [tilespmem:s20+$0x520]  }
0x151: {  	[tilespmem:s20+$0x140] =	vst v39;
	v39 =	vadd.f32 v45, v52;
	v45 =	vld [tilespmem:s20+$0x530]  }
0x152: {  	[tilespmem:s20+$0x150] =	vst v40;
	v40 =	vadd.f32 v46, v41;
	v41 =	vld [tilespmem:s20+$0x540]  }
0x153: {  	[tilespmem:s20+$0x160] =	vst v39;
	v39 =	vadd.f32 v47, v42;
	v42 =	vld [tilespmem:s20+$0x550]  }
0x154: {  	[tilespmem:s20+$0x170] =	vst v40;
	v40 =	vadd.f32 v48, v43;
	v43 =	vld [tilespmem:s20+$0x560]  }
0x155: {  	[tilespmem:s20+$0x500] =	vst v39;
	v39 =	vadd.f32 v49, v44;
	v44 =	vld [tilespmem:s20+$0x570]  }
0x156: {  	[tilespmem:s20+$0x510] =	vst v40;
	v40 =	vadd.f32 v50, v45;
	v45 =	vld [tilespmem:s20+$0x900]  }
0x157: {  	[tilespmem:s20+$0x520] =	vst v39;
	v38 =	vadd.f32 v38, v41;
	v39 =	vld [tilespmem:s20+$0x910]  }
0x158: {  	[tilespmem:s20+$0x530] =	vst v40;
	v37 =	vadd.f32 v37, v42;
	v40 =	vld [tilespmem:s20+$0x920]  }
0x159: {  	[tilespmem:s20+$0x540] =	vst v38;
	v36 =	vadd.f32 v36, v43;
	v38 =	vld [tilespmem:s20+$0x930]  }
0x15a: {  	[tilespmem:s20+$0x550] =	vst v37;
	v35 =	vadd.f32 v35, v44;
	v37 =	vld [tilespmem:s20+$0x940]  }
0x15b: {  	[tilespmem:s20+$0x560] =	vst v36;
	v34 =	vadd.f32 v34, v45;
	v36 =	vld [tilespmem:s20+$0x950]  }
0x15c: {  	[tilespmem:s20+$0x570] =	vst v35;
	v33 =	vadd.f32 v33, v39;
	v35 =	vld [tilespmem:s20+$0x960]  }
0x15d: {  	[tilespmem:s20+$0x900] =	vst v34;
	v32 =	vadd.f32 v32, v40;
	v34 =	vld [tilespmem:s20+$0x970]  }
0x15e: {  	[tilespmem:s20+$0x910] =	vst v33;
	v31 =	vadd.f32 v31, v38;
	v33 =	vld [tilespmem:s20+$0xD00]  }
0x15f: {  	[tilespmem:s20+$0x920] =	vst v32;
	v30 =	vadd.f32 v30, v37;
	v32 =	vld [tilespmem:s20+$0xD10]  }
0x160: {  	[tilespmem:s20+$0x930] =	vst v31;
	v29 =	vadd.f32 v29, v36;
	v31 =	vld [tilespmem:s20+$0xD20]  }
0x161: {  	[tilespmem:s20+$0x940] =	vst v30;
	v28 =	vadd.f32 v28, v35;
	v30 =	vld [tilespmem:s20+$0xD30]  }
0x162: {  	[tilespmem:s20+$0x950] =	vst v29;
	v27 =	vadd.f32 v27, v34;
	v29 =	vld [tilespmem:s20+$0xD40]  }
0x163: {  	[tilespmem:s20+$0x960] =	vst v28;
	v26 =	vadd.f32 v26, v33;
	v28 =	vld [tilespmem:s20+$0xD50]  }
0x164: {  	[tilespmem:s20+$0x970] =	vst v27;
	v25 =	vadd.f32 v25, v32;
	v27 =	vld [tilespmem:s20+$0xD60]  }
0x165: {  	[tilespmem:s20+$0xD00] =	vst v26;
	v24 =	vadd.f32 v24, v31;
	v26 =	vld [tilespmem:s20+$0xD70]  }
0x166: {  	[tilespmem:s20+$0xD10] =	vst v25;
	v23 =	vadd.f32 v23, v30;
	v25 =	vld [tilespmem:s20+$0x1100]  }
0x167: {  	[tilespmem:s20+$0xD20] =	vst v24;
	v22 =	vadd.f32 v22, v29;
	v24 =	vld [tilespmem:s20+$0x1110]  }
0x168: {  	[tilespmem:s20+$0xD30] =	vst v23;
	v21 =	vadd.f32 v21, v28;
	v23 =	vld [tilespmem:s20+$0x1120]  }
0x169: {  	[tilespmem:s20+$0xD40] =	vst v22;
	v20 =	vadd.f32 v20, v27;
	v22 =	vld [tilespmem:s20+$0x1130]  }
0x16a: {  	[tilespmem:s20+$0xD50] =	vst v21;
	v19 =	vadd.f32 v19, v26;
	v21 =	vld [tilespmem:s20+$0x1140]  }
0x16b: {  	[tilespmem:s20+$0xD60] =	vst v20;
	v18 =	vadd.f32 v18, v25;
	v20 =	vld [tilespmem:s20+$0x1150]  }
0x16c: {  	[tilespmem:s20+$0xD70] =	vst v19;
	v17 =	vadd.f32 v17, v24;
	v19 =	vld [tilespmem:s20+$0x1160]  }
.Ltmp0:
0x16d: {  	[tilespmem:s20+$0x1100] =	vst v18;
	v18 =	vadd.f32 v16, v23;
	v16 =	vld [tilespmem:s20+$0x1170];
	(pc) =	sbr.rel @p0 .LBB2_2-.Ltmp0, $4  }
0x16e: {  	[tilespmem:s20+$0x1110] =	vst v17;
	v17 =	vadd.f32 v15, v22;
	v15 =	vld [tilespmem:s20+$0x1500]  }
0x16f: {  	[tilespmem:s20+$0x1120] =	vst v18;
	v21 =	vadd.f32 v14, v21;
	v14 =	vld [tilespmem:s20+$0x1510]  }
0x170: {  	[tilespmem:s20+$0x1130] =	vst v17;
	v18 =	vadd.f32 v13, v20;
	v13 =	vld [tilespmem:s20+$0x1520]  }
0x171: {  	s21 =	sadd.s32 $0x1, s21;
	[tilespmem:s20+$0x1140] =	vst v21;
	v17 =	vadd.f32 v12, v19;
	v12 =	vld [tilespmem:s20+$0x1530]  }
0x172: {  	[tilespmem:s20+$0x1150] =	vst v18;
	v60 =	vld [tilespmem:s20+$0x1540];
	v11 =	vadd.f32 v11, v16  }
0x173: {  	v61 =	vld [tilespmem:s20+$0x1550];
	[tilespmem:s20+$0x1160] =	vst v17;
	v10 =	vadd.f32 v10, v15  }
0x174: {  	v62 =	vld [tilespmem:s20+$0x1560];
	[tilespmem:s20+$0x1170] =	vst v11;
	v9 =	vadd.f32 v9, v14  }
0x175: {  	v63 =	vld [tilespmem:s20+$0x1570];
	[tilespmem:s20+$0x1500] =	vst v10;
	v8 =	vadd.f32 v8, v13  }
0x176: {  	[tilespmem:s20+$0x1510] =	vst v9;
	v7 =	vadd.f32 v7, v12  }
0x177: {  	[tilespmem:s20+$0x1520] =	vst v8;
	v6 =	vadd.f32 v6, v60  }
0x178: {  	v5 =	vadd.f32 v5, v61;
	[tilespmem:s20+$0x1530] =	vst v7  }
0x179: {  	v4 =	vadd.f32 v4, v62;
	[tilespmem:s20+$0x1540] =	vst v6  }
0x17a: {  	s19 =	sadd.s32 $0x1, s19;
	v3 =	vadd.f32 v3, v63;
	[tilespmem:s20+$0x1550] =	vst v5  }
0x17b: {  	p0 =	sne.s32 s19, s9;
	[tilespmem:s20+$0x1560] =	vst v4  }
.Ltmp1:
0x17c: {  	[tilespmem:s20+$0x1570] =	vst v3;
	(pc) =	sbr.rel @p0 .LBB2_1-.Ltmp1, $4  }
0x17d: {  	[hbm4b:s8+s2] =	stream.linear.scatter [tilespmem:s12], [sflag:$0x2], $0xC000, $0x38;
	[tilespmem:$0x18100] =	vst v63  }
0x17e: {  	_ =	swait.ge [sflag:s10], $0xC000  }
0x17f: {  	[sflag:s10] =	ssyncset.done $0x0  }
0x180: {  	[sflag:s10] =	ssyncadd.s32 $0xFFFF4000  }
0x181: {  	_ =	sfence.sel $0x180000  }
0x182: {  	[bflag:$0x0] =	sbarrier.arrive $0xFFFF  }
0x183: {  	_ =	strace $0x9000004A  }
0x184: {  	s0 =	stileid.u32;
	[bflag:$0x2] =	sbarrier.arrive $0xFFFF  }
0x185: {  	p0 =	sne.s32 s0, $0x0;
	s0 =	rddreg [dreg:$0x2]  }
0x186: {  	s0 =	sadd.s32 @!p0 $0x100000, s0  }
0x187: {  	[sflag:s0] =	ssyncadd.tile.s32 @!p0 $0x1;
	_ =	shalt  }
.Lfunc_end2:
_tile_overlayer_lowered:
.L_overlay_start_2:
0x188: {  	(tag) =	ssettag $0x2  }
0x189: {  	s0 =	rddreg [dreg:$0x0];
	s2 =	stileid.u32  }
0x18a: {  	s1 =	rddreg [dreg:$0x1];
	p0 =	sne.s32 s2, $0x0  }
0x18b: {  	s3 =	rddreg [dreg:$0x2];
	[bflag:$0x3] =	sbarrier.arrive $0xFFFF;
	s2 =	simm.s32 @!p0 $0x1C02  }
0x18c: {  	[timem:s3], [sflag:s2] =	dma.local @!p0 [hbm:s0], s1  }
0x18d: {  	s0 =	simm.s32 @!p0 $0x2  }
0x18e: {  	_ =	swait.ge @!p0 [sflag:s0], s1  }
0x18f: {  	s1 =	ssub.s32 @!p0 $0x0, s1;
	[sflag:s0] =	ssyncset.done @!p0 $0x0  }
0x190: {  	[sflag:s0] =	ssyncadd.s32 @!p0 s1  }
0x191: {  	[bflag:$0x3] =	sbarrier.arrive $0xFFFF  }
0x192: {  	_ =	shalt  }

</sc_bundles>
